<compile_context>
chip_gen: v7x
topology: tpu7x:2x2x1
jax: 0.10.2.dev20260603
libtpu: 0.0.44.dev20260713+nightly
codegen_flags: <defaults>
</compile_context>

<pallas_src>
import functools

import jax
import jax.numpy as jnp
from jax import lax
from jax.experimental import pallas as pl
from jax.experimental.pallas import tpu as pltpu
from jax.experimental.pallas import tpu_sc as plsc

_ROWS = 32
_COLS = 1_000_000
_SPLIT = 716_800
_SH_T = _SPLIT // 128 // 8
_CHT = 50
_NCH = _SH_T // _CHT
_CW = _CHT * 128
_VG = _CW // 16
_BLK = 12_800
_NBLK = -(-(_COLS - _SPLIT) // _BLK)
_NEGINF = float("-inf")
_IMAX = 2**31 - 1

_mesh = plsc.VectorSubcoreMesh(core_axis_name="c", subcore_axis_name="s")


def _shuffle(x, perm):
    dnums = lax.GatherDimensionNumbers(
        offset_dims=(), collapsed_slice_dims=(0,), start_index_map=(0,)
    )
    return lax.gather(
        x,
        perm[:, None],
        dnums,
        slice_sizes=(1,),
        mode=lax.GatherScatterMode.PROMISE_IN_BOUNDS,
    )


def _merge(av, ai, bv, bi):
    better = (bv > av) | ((bv == av) & (bi < ai))
    return jnp.where(better, bv, av), jnp.where(better, bi, ai)


def _scan_chunk(buf, group0, accs):

    def body(g, carry):
        tag = jnp.broadcast_to(group0 + g, (16,))
        out = []
        for s in range(8):
            mx, tg = carry[s]
            v = buf[s, pl.ds(g * 16, 16)]
            m = v > mx
            out.append((jnp.where(m, v, mx), jnp.where(m, tag, tg)))
        return tuple(out)

    return plsc.parallel_loop(0, _VG, carry=accs, unroll=4)(body)


@functools.partial(
    pl.kernel,
    out_type=(
        jax.ShapeDtypeStruct((_ROWS * 128,), jnp.float32),
        jax.ShapeDtypeStruct((_ROWS * 128,), jnp.int32),
        jax.ShapeDtypeStruct((_ROWS * 16,), jnp.float32),
        jax.ShapeDtypeStruct((_ROWS * 16,), jnp.int32),
    ),
    mesh=_mesh,
    compiler_params=pltpu.CompilerParams(use_tc_tiling_on_sc=True),
    scratch_types=[
        pltpu.VMEM((8, _CW), jnp.float32),
        pltpu.VMEM((8, _CW), jnp.float32),
        pltpu.VMEM((128,), jnp.float32),
        pltpu.VMEM((128,), jnp.int32),
        pltpu.VMEM((1024,), jnp.float32),
        pltpu.VMEM((1024,), jnp.int32),
        pltpu.VMEM((16,), jnp.float32),
        pltpu.VMEM((16,), jnp.int32),
        pltpu.SemaphoreType.DMA,
        pltpu.SemaphoreType.DMA,
    ],
)
def _sc_argmax(
    x_hbm, cv_hbm, ci_hbm, rv_hbm, ri_hbm, buf0, buf1, wsv, wsi, gv, gi,
    outfv, outfi, sem0, sem1,
):
    cid = lax.axis_index("c")
    sid = lax.axis_index("s")
    wid = cid * 16 + sid
    grp = cid * 2 + sid // 8
    shard = sid % 8
    row0 = pl.multiple_of(grp * 8, 8)
    col0 = pl.multiple_of(shard * (_SH_T * 128), 128)

    bufs = (buf0, buf1)
    sems = (sem0, sem1)
    cps = [
        pltpu.async_copy(
            x_hbm.at[pl.ds(row0, 8), pl.ds(col0, _CW)], buf0, sem0
        ),
        pltpu.async_copy(
            x_hbm.at[pl.ds(row0, 8), pl.ds(col0 + _CW, _CW)], buf1, sem1
        ),
    ]
    neg = jnp.full((16,), _NEGINF, jnp.float32)
    zero = jnp.zeros((16,), jnp.int32)
    accs = tuple((neg, zero) for _ in range(8))
    for c in range(_NCH):
        s = c % 2
        cps[s].wait()
        accs = _scan_chunk(bufs[s], jnp.int32(c * _VG), accs)
        if c + 2 < _NCH:
            off = pl.multiple_of(col0 + (c + 2) * _CW, 128)
            cps[s] = pltpu.async_copy(
                x_hbm.at[pl.ds(row0, 8), pl.ds(off, _CW)], bufs[s], sems[s]
            )

    lanes = lax.iota(jnp.int32, 16)
    cols0 = col0 + lanes
    for s in range(8):
        mx, tg = accs[s]
        wsv[pl.ds(s * 16, 16)] = mx
        wsi[pl.ds(s * 16, 16)] = cols0 + tg * 16
    pltpu.sync_copy(wsv, cv_hbm.at[pl.ds(wid * 128, 128)])
    pltpu.sync_copy(wsi, ci_hbm.at[pl.ds(wid * 128, 128)])
    plsc.subcore_barrier()

    gbase = pl.multiple_of((wid // 8) * 1024, 1024)
    pltpu.sync_copy(cv_hbm.at[pl.ds(gbase, 1024)], gv)
    pltpu.sync_copy(ci_hbm.at[pl.ds(gbase, 1024)], gi)
    rsub = (wid % 8) * 16
    mv = gv[pl.ds(rsub, 16)]
    mi = gi[pl.ds(rsub, 16)]
    for j in range(1, 8):
        mv, mi = _merge(mv, mi, gv[pl.ds(j * 128 + rsub, 16)],
                        gi[pl.ds(j * 128 + rsub, 16)])
    for stride in (8, 4, 2, 1):
        perm = lanes ^ stride
        mv, mi = _merge(mv, mi, _shuffle(mv, perm), _shuffle(mi, perm))
    outfv[...] = mv
    outfi[...] = mi
    pltpu.sync_copy(outfv, rv_hbm.at[pl.ds(wid * 16, 16)])
    pltpu.sync_copy(outfi, ri_hbm.at[pl.ds(wid * 16, 16)])


def _tc_body(x_ref, ov_ref, oi_ref, accv, acci):
    i = pl.program_id(0)
    colidx = (
        _SPLIT
        + i * _BLK
        + lax.broadcasted_iota(jnp.int32, (_ROWS, _BLK), 1)
    )
    v = jnp.where(colidx < _COLS, x_ref[...], _NEGINF)

    @pl.when(i == 0)
    def _():
        accv[...] = v
        acci[...] = colidx

    @pl.when(i > 0)
    def _():
        m = v > accv[...]
        accv[...] = jnp.where(m, v, accv[...])
        acci[...] = jnp.where(m, colidx, acci[...])

    @pl.when(i == _NBLK - 1)
    def _():
        av = accv[...]
        vmax = jnp.max(av, axis=1, keepdims=True)
        candi = jnp.where(av == vmax, acci[...], _IMAX)
        ov_ref[...] = vmax
        oi_ref[...] = jnp.min(candi, axis=1, keepdims=True)


_tc_argmax = pl.pallas_call(
    _tc_body,
    grid=(_NBLK,),
    in_specs=[pl.BlockSpec((_ROWS, _BLK), lambda i: (0, _SPLIT // _BLK + i))],
    out_specs=[
        pl.BlockSpec((_ROWS, 1), lambda i: (0, 0)),
        pl.BlockSpec((_ROWS, 1), lambda i: (0, 0)),
    ],
    out_shape=[
        jax.ShapeDtypeStruct((_ROWS, 1), jnp.float32),
        jax.ShapeDtypeStruct((_ROWS, 1), jnp.int32),
    ],
    scratch_shapes=[
        pltpu.VMEM((_ROWS, _BLK), jnp.float32),
        pltpu.VMEM((_ROWS, _BLK), jnp.int32),
    ],
)


def kernel(m_logits):
    _, _, rv, ri = _sc_argmax(m_logits)
    sv = rv.reshape(_ROWS, 16)[:, :1]
    si = ri.reshape(_ROWS, 16)[:, :1]
    tv, ti = _tc_argmax(m_logits)
    sv, si = sv, si
    return jnp.where(tv > sv, ti, si)

# --- scband reference (transcript-rebuilt; emitter-appended) ---
"""Pipeline reference for scband-greedy-head-7799660610040 (READ-ONLY COPY).

The authoritative reference and input builder live on the scoring server;
editing this copy changes nothing except your own understanding.
"""

import jax, jax.numpy as jnp
import numpy as np


def setup_inputs(seed: int = 0) -> dict:
    key = jax.random.key(seed)
    m_logits = jax.random.normal(key, (32, 1000000), dtype=jnp.float32)
    return {"m_logits": m_logits}


def reference(m_logits):
    # torch.topk(m_logits.float(), 1) -> (values, indices); module returns indices
    vals, token = jax.lax.top_k(m_logits.astype(jnp.float32), 1)
    return token

if __name__ == "__main__":
    import jax
    _d = setup_inputs()
    print(jax.jit(kernel)(*tuple(_d.values())))

</pallas_src>

<mosaic_0001>
#map = affine_map<(d0, d1) -> (0, 0)>
#map1 = affine_map<(d0, d1) -> (0)>
module attributes {stable_mosaic.version = 14 : i64} {
  func.func @_sc_argmax(%arg0: i32, %arg1: i32, %arg2: memref<32x1000000xf32, #tpu.memory_space<hbm>>, %arg3: memref<4096xf32, #tpu.memory_space<hbm>>, %arg4: memref<4096xi32, #tpu.memory_space<hbm>>, %arg5: memref<512xf32, #tpu.memory_space<hbm>>, %arg6: memref<512xi32, #tpu.memory_space<hbm>>, %arg7: memref<8x6400xf32, #tpu.memory_space<vmem>>, %arg8: memref<8x6400xf32, #tpu.memory_space<vmem>>, %arg9: memref<128xf32, #tpu.memory_space<vmem>>, %arg10: memref<128xi32, #tpu.memory_space<vmem>>, %arg11: memref<1024xf32, #tpu.memory_space<vmem>>, %arg12: memref<1024xi32, #tpu.memory_space<vmem>>, %arg13: memref<16xf32, #tpu.memory_space<vmem>>, %arg14: memref<16xi32, #tpu.memory_space<vmem>>, %arg15: memref<!tpu.dma_semaphore, #tpu.memory_space<semaphore_mem>>, %arg16: memref<!tpu.dma_semaphore, #tpu.memory_space<semaphore_mem>>) attributes {dimension_semantics = [#tpu.dimension_semantics<core_parallel>, #tpu.dimension_semantics<subcore_parallel>], iteration_bounds = array<i64: 2, 16>, scalar_prefetch = 0 : i64, scratch_operands = 10 : i64, tpu.core_type = #tpu.core_type<sc_vector_subcore>, window_params = [{transform_indices = #map}, {transform_indices = #map1}, {transform_indices = #map1}, {transform_indices = #map1}, {transform_indices = #map1}]} {
    %mul3A = arith.constant 16 : i32
    %mul3A_0 = arith.muli %arg0, %mul3A : i32
    %add3A = arith.addi %mul3A_0, %arg1 : i32
    %mul3A_1 = arith.constant 2 : i32
    %mul3A_2 = arith.muli %arg0, %mul3A_1 : i32
    %jit3A = arith.constant 8 : i32
    %div3A = arith.divsi %arg1, %jit3A : i32
    %sign3A = arith.constant 0 : i32
    %sign3A_3 = arith.cmpi sgt, %arg1, %sign3A : i32
    %sign3A_4 = arith.extui %sign3A_3 : i1 to i32
    %sign3A_5 = arith.constant 0 : i32
    %sign3A_6 = arith.cmpi slt, %arg1, %sign3A_5 : i32
    %sign3A_7 = arith.extui %sign3A_6 : i1 to i32
    %sign3A_8 = arith.subi %sign3A_4, %sign3A_7 : i32
    %sign3A_9 = arith.constant 0 : i32
    %sign3A_10 = arith.cmpi sgt, %jit3A, %sign3A_9 : i32
    %sign3A_11 = arith.extui %sign3A_10 : i1 to i32
    %sign3A_12 = arith.constant 0 : i32
    %sign3A_13 = arith.cmpi slt, %jit3A, %sign3A_12 : i32
    %sign3A_14 = arith.extui %sign3A_13 : i1 to i32
    %sign3A_15 = arith.subi %sign3A_11, %sign3A_14 : i32
    %ne3A = arith.cmpi ne, %sign3A_8, %sign3A_15 : i32
    %rem3A = arith.remsi %arg1, %jit3A : i32
    %ne3A_16 = arith.constant 0 : i32
    %ne3A_17 = arith.cmpi ne, %rem3A, %ne3A_16 : i32
    %and3A = arith.andi %ne3A, %ne3A_17 : i1
    %sub3A = arith.constant 1 : i32
    %sub3A_18 = arith.subi %div3A, %sub3A : i32
    %select_n3A = arith.select %and3A, %sub3A_18, %div3A : i32
    %add3A_19 = arith.addi %mul3A_2, %select_n3A : i32
    %jit3A_20 = arith.constant 8 : i32
    %eq3A = arith.constant 0 : i32
    %eq3A_21 = arith.cmpi eq, %jit3A_20, %eq3A : i32
    %jit3A_22 = arith.constant 1 : i32
    %select_n3A_23 = arith.select %eq3A_21, %jit3A_22, %jit3A_20 : i32
    %rem3A_24 = arith.remsi %arg1, %select_n3A_23 : i32
    %ne3A_25 = arith.constant 0 : i32
    %ne3A_26 = arith.cmpi ne, %rem3A_24, %ne3A_25 : i32
    %lt3A = arith.constant 0 : i32
    %lt3A_27 = arith.cmpi slt, %rem3A_24, %lt3A : i32
    %lt3A_28 = arith.constant 0 : i32
    %lt3A_29 = arith.cmpi slt, %select_n3A_23, %lt3A_28 : i32
    %ne3A_30 = arith.xori %lt3A_27, %lt3A_29 : i1
    %and3A_31 = arith.andi %ne3A_30, %ne3A_26 : i1
    %add3A_32 = arith.addi %rem3A_24, %select_n3A_23 : i32
    %select_n3A_33 = arith.select %and3A_31, %add3A_32, %rem3A_24 : i32
    %mul3A_34 = arith.constant 8 : i32
    %mul3A_35 = arith.muli %add3A_19, %mul3A_34 : i32
    %multiple_of3A = tpu.assume_multiple %mul3A_35, 8 : i32
    %mul3A_36 = arith.constant 89600 : i32
    %mul3A_37 = arith.muli %select_n3A_33, %mul3A_36 : i32
    %multiple_of3A_38 = tpu.assume_multiple %mul3A_37, 128 : i32
    %dma_start3A = tpu.memref_slice %arg2[%multiple_of3A, %multiple_of3A_38] : memref<32x1000000xf32, #tpu.memory_space<hbm>> -> memref<8x6400xf32, #tpu.memory_space<hbm>>
    %dma_start3A_39 = tpu.memref_slice %arg2[%multiple_of3A, %multiple_of3A_38] : memref<32x1000000xf32, #tpu.memory_space<hbm>> -> memref<8x6400xf32, #tpu.memory_space<hbm>>
    tpu.enqueue_dma source(%dma_start3A_39 : memref<8x6400xf32, #tpu.memory_space<hbm>>) target(%arg7 : memref<8x6400xf32, #tpu.memory_space<vmem>>) target_semaphore(%arg15 : memref<!tpu.dma_semaphore, #tpu.memory_space<semaphore_mem>>)
    %add3A_40 = arith.constant 6400 : i32
    %add3A_41 = arith.addi %multiple_of3A_38, %add3A_40 : i32
    %dma_start3A_42 = tpu.memref_slice %arg2[%multiple_of3A, %add3A_41] : memref<32x1000000xf32, #tpu.memory_space<hbm>> -> memref<8x6400xf32, #tpu.memory_space<hbm>>
    %dma_start3A_43 = tpu.memref_slice %arg2[%multiple_of3A, %add3A_41] : memref<32x1000000xf32, #tpu.memory_space<hbm>> -> memref<8x6400xf32, #tpu.memory_space<hbm>>
    tpu.enqueue_dma source(%dma_start3A_43 : memref<8x6400xf32, #tpu.memory_space<hbm>>) target(%arg8 : memref<8x6400xf32, #tpu.memory_space<vmem>>) target_semaphore(%arg16 : memref<!tpu.dma_semaphore, #tpu.memory_space<semaphore_mem>>)
    %broadcast_in_dim3A = arith.constant 0xFF800000 : f32
    %broadcast_in_dim3A_44 = vector.broadcast %broadcast_in_dim3A : f32 to vector<16xf32>
    %broadcast_in_dim3A_45 = arith.constant 0 : i32
    %broadcast_in_dim3A_46 = vector.broadcast %broadcast_in_dim3A_45 : i32 to vector<16xi32>
    %dma_wait3A = tpu.memref_slice %arg2[%multiple_of3A, %multiple_of3A_38] : memref<32x1000000xf32, #tpu.memory_space<hbm>> -> memref<8x6400xf32, #tpu.memory_space<hbm>>
    %dma_wait3A_47 = tpu.memref_slice %arg2[%multiple_of3A, %multiple_of3A_38] : memref<32x1000000xf32, #tpu.memory_space<hbm>> -> memref<8x6400xf32, #tpu.memory_space<hbm>>
    tpu.wait_dma2 semaphore(%arg15 : memref<!tpu.dma_semaphore, #tpu.memory_space<semaphore_mem>>) src(%dma_wait3A_47 : memref<8x6400xf32, #tpu.memory_space<hbm>>) dst(%arg7 : memref<8x6400xf32, #tpu.memory_space<vmem>>)
    %parallel_loop3A = arith.constant 0 : i32
    %parallel_loop3A_48 = arith.constant 400 : i32
    %parallel_loop3A_49 = arith.constant 1 : i32
    %parallel_loop3A_50 = arith.constant 0 : i32
    %parallel_loop3A_51:16 = scf.for %parallel_loop3A_545 = %parallel_loop3A to %parallel_loop3A_48 step %parallel_loop3A_49 iter_args(%parallel_loop3A_546 = %broadcast_in_dim3A_44, %parallel_loop3A_547 = %broadcast_in_dim3A_46, %parallel_loop3A_548 = %broadcast_in_dim3A_44, %parallel_loop3A_549 = %broadcast_in_dim3A_46, %parallel_loop3A_550 = %broadcast_in_dim3A_44, %parallel_loop3A_551 = %broadcast_in_dim3A_46, %parallel_loop3A_552 = %broadcast_in_dim3A_44, %parallel_loop3A_553 = %broadcast_in_dim3A_46, %parallel_loop3A_554 = %broadcast_in_dim3A_44, %parallel_loop3A_555 = %broadcast_in_dim3A_46, %parallel_loop3A_556 = %broadcast_in_dim3A_44, %parallel_loop3A_557 = %broadcast_in_dim3A_46, %parallel_loop3A_558 = %broadcast_in_dim3A_44, %parallel_loop3A_559 = %broadcast_in_dim3A_46, %parallel_loop3A_560 = %broadcast_in_dim3A_44, %parallel_loop3A_561 = %broadcast_in_dim3A_46) -> (vector<16xf32>, vector<16xi32>, vector<16xf32>, vector<16xi32>, vector<16xf32>, vector<16xi32>, vector<16xf32>, vector<16xi32>, vector<16xf32>, vector<16xi32>, vector<16xf32>, vector<16xi32>, vector<16xf32>, vector<16xi32>, vector<16xf32>, vector<16xi32>)  : i32 {
      %parallel_loop3A_562 = arith.addi %parallel_loop3A_50, %parallel_loop3A_545 : i32
      %parallel_loop3A_563 = vector.broadcast %parallel_loop3A_562 : i32 to vector<16xi32>
      %parallel_loop3A_564 = arith.constant 16 : i32
      %parallel_loop3A_565 = arith.muli %parallel_loop3A_545, %parallel_loop3A_564 : i32
      %parallel_loop3A_566 = arith.constant 0 : i32
      %parallel_loop3A_567 = arith.index_cast %parallel_loop3A_566 : i32 to index
      %parallel_loop3A_568 = arith.index_cast %parallel_loop3A_565 : i32 to index
      %parallel_loop3A_569 = tpu.vector_load %arg7[%parallel_loop3A_567, %parallel_loop3A_568] {strides = array<i32>} : memref<8x6400xf32, #tpu.memory_space<vmem>>, vector<1x16xf32>,
      %parallel_loop3A_570 = vector.shape_cast %parallel_loop3A_569 : vector<1x16xf32> to vector<16xf32>
      %parallel_loop3A_571 = arith.cmpf ogt, %parallel_loop3A_570, %parallel_loop3A_546 : vector<16xf32>
      %parallel_loop3A_572 = arith.select %parallel_loop3A_571, %parallel_loop3A_570, %parallel_loop3A_546 : vector<16xi1>, vector<16xf32>
      %parallel_loop3A_573 = arith.select %parallel_loop3A_571, %parallel_loop3A_563, %parallel_loop3A_547 : vector<16xi1>, vector<16xi32>
      %parallel_loop3A_574 = arith.constant 16 : i32
      %parallel_loop3A_575 = arith.muli %parallel_loop3A_545, %parallel_loop3A_574 : i32
      %parallel_loop3A_576 = arith.constant 1 : i32
      %parallel_loop3A_577 = arith.index_cast %parallel_loop3A_576 : i32 to index
      %parallel_loop3A_578 = arith.index_cast %parallel_loop3A_575 : i32 to index
      %parallel_loop3A_579 = tpu.vector_load %arg7[%parallel_loop3A_577, %parallel_loop3A_578] {strides = array<i32>} : memref<8x6400xf32, #tpu.memory_space<vmem>>, vector<1x16xf32>,
      %parallel_loop3A_580 = vector.shape_cast %parallel_loop3A_579 : vector<1x16xf32> to vector<16xf32>
      %parallel_loop3A_581 = arith.cmpf ogt, %parallel_loop3A_580, %parallel_loop3A_548 : vector<16xf32>
      %parallel_loop3A_582 = arith.select %parallel_loop3A_581, %parallel_loop3A_580, %parallel_loop3A_548 : vector<16xi1>, vector<16xf32>
      %parallel_loop3A_583 = arith.select %parallel_loop3A_581, %parallel_loop3A_563, %parallel_loop3A_549 : vector<16xi1>, vector<16xi32>
      %parallel_loop3A_584 = arith.constant 16 : i32
      %parallel_loop3A_585 = arith.muli %parallel_loop3A_545, %parallel_loop3A_584 : i32
      %parallel_loop3A_586 = arith.constant 2 : i32
      %parallel_loop3A_587 = arith.index_cast %parallel_loop3A_586 : i32 to index
      %parallel_loop3A_588 = arith.index_cast %parallel_loop3A_585 : i32 to index
      %parallel_loop3A_589 = tpu.vector_load %arg7[%parallel_loop3A_587, %parallel_loop3A_588] {strides = array<i32>} : memref<8x6400xf32, #tpu.memory_space<vmem>>, vector<1x16xf32>,
      %parallel_loop3A_590 = vector.shape_cast %parallel_loop3A_589 : vector<1x16xf32> to vector<16xf32>
      %parallel_loop3A_591 = arith.cmpf ogt, %parallel_loop3A_590, %parallel_loop3A_550 : vector<16xf32>
      %parallel_loop3A_592 = arith.select %parallel_loop3A_591, %parallel_loop3A_590, %parallel_loop3A_550 : vector<16xi1>, vector<16xf32>
      %parallel_loop3A_593 = arith.select %parallel_loop3A_591, %parallel_loop3A_563, %parallel_loop3A_551 : vector<16xi1>, vector<16xi32>
      %parallel_loop3A_594 = arith.constant 16 : i32
      %parallel_loop3A_595 = arith.muli %parallel_loop3A_545, %parallel_loop3A_594 : i32
      %parallel_loop3A_596 = arith.constant 3 : i32
      %parallel_loop3A_597 = arith.index_cast %parallel_loop3A_596 : i32 to index
      %parallel_loop3A_598 = arith.index_cast %parallel_loop3A_595 : i32 to index
      %parallel_loop3A_599 = tpu.vector_load %arg7[%parallel_loop3A_597, %parallel_loop3A_598] {strides = array<i32>} : memref<8x6400xf32, #tpu.memory_space<vmem>>, vector<1x16xf32>,
      %parallel_loop3A_600 = vector.shape_cast %parallel_loop3A_599 : vector<1x16xf32> to vector<16xf32>
      %parallel_loop3A_601 = arith.cmpf ogt, %parallel_loop3A_600, %parallel_loop3A_552 : vector<16xf32>
      %parallel_loop3A_602 = arith.select %parallel_loop3A_601, %parallel_loop3A_600, %parallel_loop3A_552 : vector<16xi1>, vector<16xf32>
      %parallel_loop3A_603 = arith.select %parallel_loop3A_601, %parallel_loop3A_563, %parallel_loop3A_553 : vector<16xi1>, vector<16xi32>
      %parallel_loop3A_604 = arith.constant 16 : i32
      %parallel_loop3A_605 = arith.muli %parallel_loop3A_545, %parallel_loop3A_604 : i32
      %parallel_loop3A_606 = arith.constant 4 : i32
      %parallel_loop3A_607 = arith.index_cast %parallel_loop3A_606 : i32 to index
      %parallel_loop3A_608 = arith.index_cast %parallel_loop3A_605 : i32 to index
      %parallel_loop3A_609 = tpu.vector_load %arg7[%parallel_loop3A_607, %parallel_loop3A_608] {strides = array<i32>} : memref<8x6400xf32, #tpu.memory_space<vmem>>, vector<1x16xf32>,
      %parallel_loop3A_610 = vector.shape_cast %parallel_loop3A_609 : vector<1x16xf32> to vector<16xf32>
      %parallel_loop3A_611 = arith.cmpf ogt, %parallel_loop3A_610, %parallel_loop3A_554 : vector<16xf32>
      %parallel_loop3A_612 = arith.select %parallel_loop3A_611, %parallel_loop3A_610, %parallel_loop3A_554 : vector<16xi1>, vector<16xf32>
      %parallel_loop3A_613 = arith.select %parallel_loop3A_611, %parallel_loop3A_563, %parallel_loop3A_555 : vector<16xi1>, vector<16xi32>
      %parallel_loop3A_614 = arith.constant 16 : i32
      %parallel_loop3A_615 = arith.muli %parallel_loop3A_545, %parallel_loop3A_614 : i32
      %parallel_loop3A_616 = arith.constant 5 : i32
      %parallel_loop3A_617 = arith.index_cast %parallel_loop3A_616 : i32 to index
      %parallel_loop3A_618 = arith.index_cast %parallel_loop3A_615 : i32 to index
      %parallel_loop3A_619 = tpu.vector_load %arg7[%parallel_loop3A_617, %parallel_loop3A_618] {strides = array<i32>} : memref<8x6400xf32, #tpu.memory_space<vmem>>, vector<1x16xf32>,
      %parallel_loop3A_620 = vector.shape_cast %parallel_loop3A_619 : vector<1x16xf32> to vector<16xf32>
      %parallel_loop3A_621 = arith.cmpf ogt, %parallel_loop3A_620, %parallel_loop3A_556 : vector<16xf32>
      %parallel_loop3A_622 = arith.select %parallel_loop3A_621, %parallel_loop3A_620, %parallel_loop3A_556 : vector<16xi1>, vector<16xf32>
      %parallel_loop3A_623 = arith.select %parallel_loop3A_621, %parallel_loop3A_563, %parallel_loop3A_557 : vector<16xi1>, vector<16xi32>
      %parallel_loop3A_624 = arith.constant 16 : i32
      %parallel_loop3A_625 = arith.muli %parallel_loop3A_545, %parallel_loop3A_624 : i32
      %parallel_loop3A_626 = arith.constant 6 : i32
      %parallel_loop3A_627 = arith.index_cast %parallel_loop3A_626 : i32 to index
      %parallel_loop3A_628 = arith.index_cast %parallel_loop3A_625 : i32 to index
      %parallel_loop3A_629 = tpu.vector_load %arg7[%parallel_loop3A_627, %parallel_loop3A_628] {strides = array<i32>} : memref<8x6400xf32, #tpu.memory_space<vmem>>, vector<1x16xf32>,
      %parallel_loop3A_630 = vector.shape_cast %parallel_loop3A_629 : vector<1x16xf32> to vector<16xf32>
      %parallel_loop3A_631 = arith.cmpf ogt, %parallel_loop3A_630, %parallel_loop3A_558 : vector<16xf32>
      %parallel_loop3A_632 = arith.select %parallel_loop3A_631, %parallel_loop3A_630, %parallel_loop3A_558 : vector<16xi1>, vector<16xf32>
      %parallel_loop3A_633 = arith.select %parallel_loop3A_631, %parallel_loop3A_563, %parallel_loop3A_559 : vector<16xi1>, vector<16xi32>
      %parallel_loop3A_634 = arith.constant 16 : i32
      %parallel_loop3A_635 = arith.muli %parallel_loop3A_545, %parallel_loop3A_634 : i32
      %parallel_loop3A_636 = arith.constant 7 : i32
      %parallel_loop3A_637 = arith.index_cast %parallel_loop3A_636 : i32 to index
      %parallel_loop3A_638 = arith.index_cast %parallel_loop3A_635 : i32 to index
      %parallel_loop3A_639 = tpu.vector_load %arg7[%parallel_loop3A_637, %parallel_loop3A_638] {strides = array<i32>} : memref<8x6400xf32, #tpu.memory_space<vmem>>, vector<1x16xf32>,
      %parallel_loop3A_640 = vector.shape_cast %parallel_loop3A_639 : vector<1x16xf32> to vector<16xf32>
      %parallel_loop3A_641 = arith.cmpf ogt, %parallel_loop3A_640, %parallel_loop3A_560 : vector<16xf32>
      %parallel_loop3A_642 = arith.select %parallel_loop3A_641, %parallel_loop3A_640, %parallel_loop3A_560 : vector<16xi1>, vector<16xf32>
      %parallel_loop3A_643 = arith.select %parallel_loop3A_641, %parallel_loop3A_563, %parallel_loop3A_561 : vector<16xi1>, vector<16xi32>
      scf.yield %parallel_loop3A_572, %parallel_loop3A_573, %parallel_loop3A_582, %parallel_loop3A_583, %parallel_loop3A_592, %parallel_loop3A_593, %parallel_loop3A_602, %parallel_loop3A_603, %parallel_loop3A_612, %parallel_loop3A_613, %parallel_loop3A_622, %parallel_loop3A_623, %parallel_loop3A_632, %parallel_loop3A_633, %parallel_loop3A_642, %parallel_loop3A_643 : vector<16xf32>, vector<16xi32>, vector<16xf32>, vector<16xi32>, vector<16xf32>, vector<16xi32>, vector<16xf32>, vector<16xi32>, vector<16xf32>, vector<16xi32>, vector<16xf32>, vector<16xi32>, vector<16xf32>, vector<16xi32>, vector<16xf32>, vector<16xi32>
    } {sc.loop_unroll_factor = 4 : i64, sc.parallel_access}
    %add3A_52 = arith.constant 12800 : i32
    %add3A_53 = arith.addi %multiple_of3A_38, %add3A_52 : i32
    %multiple_of3A_54 = tpu.assume_multiple %add3A_53, 128 : i32
    %dma_start3A_55 = tpu.memref_slice %arg2[%multiple_of3A, %multiple_of3A_54] : memref<32x1000000xf32, #tpu.memory_space<hbm>> -> memref<8x6400xf32, #tpu.memory_space<hbm>>
    %dma_start3A_56 = tpu.memref_slice %arg2[%multiple_of3A, %multiple_of3A_54] : memref<32x1000000xf32, #tpu.memory_space<hbm>> -> memref<8x6400xf32, #tpu.memory_space<hbm>>
    tpu.enqueue_dma source(%dma_start3A_56 : memref<8x6400xf32, #tpu.memory_space<hbm>>) target(%arg7 : memref<8x6400xf32, #tpu.memory_space<vmem>>) target_semaphore(%arg15 : memref<!tpu.dma_semaphore, #tpu.memory_space<semaphore_mem>>)
    %dma_wait3A_57 = tpu.memref_slice %arg2[%multiple_of3A, %add3A_41] : memref<32x1000000xf32, #tpu.memory_space<hbm>> -> memref<8x6400xf32, #tpu.memory_space<hbm>>
    %dma_wait3A_58 = tpu.memref_slice %arg2[%multiple_of3A, %add3A_41] : memref<32x1000000xf32, #tpu.memory_space<hbm>> -> memref<8x6400xf32, #tpu.memory_space<hbm>>
    tpu.wait_dma2 semaphore(%arg16 : memref<!tpu.dma_semaphore, #tpu.memory_space<semaphore_mem>>) src(%dma_wait3A_58 : memref<8x6400xf32, #tpu.memory_space<hbm>>) dst(%arg8 : memref<8x6400xf32, #tpu.memory_space<vmem>>)
    %parallel_loop3A_59 = arith.constant 0 : i32
    %parallel_loop3A_60 = arith.constant 400 : i32
    %parallel_loop3A_61 = arith.constant 1 : i32
    %parallel_loop3A_62 = arith.constant 400 : i32
    %parallel_loop3A_63:16 = scf.for %parallel_loop3A_545 = %parallel_loop3A_59 to %parallel_loop3A_60 step %parallel_loop3A_61 iter_args(%parallel_loop3A_546 = %parallel_loop3A_51#0, %parallel_loop3A_547 = %parallel_loop3A_51#1, %parallel_loop3A_548 = %parallel_loop3A_51#2, %parallel_loop3A_549 = %parallel_loop3A_51#3, %parallel_loop3A_550 = %parallel_loop3A_51#4, %parallel_loop3A_551 = %parallel_loop3A_51#5, %parallel_loop3A_552 = %parallel_loop3A_51#6, %parallel_loop3A_553 = %parallel_loop3A_51#7, %parallel_loop3A_554 = %parallel_loop3A_51#8, %parallel_loop3A_555 = %parallel_loop3A_51#9, %parallel_loop3A_556 = %parallel_loop3A_51#10, %parallel_loop3A_557 = %parallel_loop3A_51#11, %parallel_loop3A_558 = %parallel_loop3A_51#12, %parallel_loop3A_559 = %parallel_loop3A_51#13, %parallel_loop3A_560 = %parallel_loop3A_51#14, %parallel_loop3A_561 = %parallel_loop3A_51#15) -> (vector<16xf32>, vector<16xi32>, vector<16xf32>, vector<16xi32>, vector<16xf32>, vector<16xi32>, vector<16xf32>, vector<16xi32>, vector<16xf32>, vector<16xi32>, vector<16xf32>, vector<16xi32>, vector<16xf32>, vector<16xi32>, vector<16xf32>, vector<16xi32>)  : i32 {
      %parallel_loop3A_562 = arith.addi %parallel_loop3A_62, %parallel_loop3A_545 : i32
      %parallel_loop3A_563 = vector.broadcast %parallel_loop3A_562 : i32 to vector<16xi32>
      %parallel_loop3A_564 = arith.constant 16 : i32
      %parallel_loop3A_565 = arith.muli %parallel_loop3A_545, %parallel_loop3A_564 : i32
      %parallel_loop3A_566 = arith.constant 0 : i32
      %parallel_loop3A_567 = arith.index_cast %parallel_loop3A_566 : i32 to index
      %parallel_loop3A_568 = arith.index_cast %parallel_loop3A_565 : i32 to index
      %parallel_loop3A_569 = tpu.vector_load %arg8[%parallel_loop3A_567, %parallel_loop3A_568] {strides = array<i32>} : memref<8x6400xf32, #tpu.memory_space<vmem>>, vector<1x16xf32>,
      %parallel_loop3A_570 = vector.shape_cast %parallel_loop3A_569 : vector<1x16xf32> to vector<16xf32>
      %parallel_loop3A_571 = arith.cmpf ogt, %parallel_loop3A_570, %parallel_loop3A_546 : vector<16xf32>
      %parallel_loop3A_572 = arith.select %parallel_loop3A_571, %parallel_loop3A_570, %parallel_loop3A_546 : vector<16xi1>, vector<16xf32>
      %parallel_loop3A_573 = arith.select %parallel_loop3A_571, %parallel_loop3A_563, %parallel_loop3A_547 : vector<16xi1>, vector<16xi32>
      %parallel_loop3A_574 = arith.constant 16 : i32
      %parallel_loop3A_575 = arith.muli %parallel_loop3A_545, %parallel_loop3A_574 : i32
      %parallel_loop3A_576 = arith.constant 1 : i32
      %parallel_loop3A_577 = arith.index_cast %parallel_loop3A_576 : i32 to index
      %parallel_loop3A_578 = arith.index_cast %parallel_loop3A_575 : i32 to index
      %parallel_loop3A_579 = tpu.vector_load %arg8[%parallel_loop3A_577, %parallel_loop3A_578] {strides = array<i32>} : memref<8x6400xf32, #tpu.memory_space<vmem>>, vector<1x16xf32>,
      %parallel_loop3A_580 = vector.shape_cast %parallel_loop3A_579 : vector<1x16xf32> to vector<16xf32>
      %parallel_loop3A_581 = arith.cmpf ogt, %parallel_loop3A_580, %parallel_loop3A_548 : vector<16xf32>
      %parallel_loop3A_582 = arith.select %parallel_loop3A_581, %parallel_loop3A_580, %parallel_loop3A_548 : vector<16xi1>, vector<16xf32>
      %parallel_loop3A_583 = arith.select %parallel_loop3A_581, %parallel_loop3A_563, %parallel_loop3A_549 : vector<16xi1>, vector<16xi32>
      %parallel_loop3A_584 = arith.constant 16 : i32
      %parallel_loop3A_585 = arith.muli %parallel_loop3A_545, %parallel_loop3A_584 : i32
      %parallel_loop3A_586 = arith.constant 2 : i32
      %parallel_loop3A_587 = arith.index_cast %parallel_loop3A_586 : i32 to index
      %parallel_loop3A_588 = arith.index_cast %parallel_loop3A_585 : i32 to index
      %parallel_loop3A_589 = tpu.vector_load %arg8[%parallel_loop3A_587, %parallel_loop3A_588] {strides = array<i32>} : memref<8x6400xf32, #tpu.memory_space<vmem>>, vector<1x16xf32>,
      %parallel_loop3A_590 = vector.shape_cast %parallel_loop3A_589 : vector<1x16xf32> to vector<16xf32>
      %parallel_loop3A_591 = arith.cmpf ogt, %parallel_loop3A_590, %parallel_loop3A_550 : vector<16xf32>
      %parallel_loop3A_592 = arith.select %parallel_loop3A_591, %parallel_loop3A_590, %parallel_loop3A_550 : vector<16xi1>, vector<16xf32>
      %parallel_loop3A_593 = arith.select %parallel_loop3A_591, %parallel_loop3A_563, %parallel_loop3A_551 : vector<16xi1>, vector<16xi32>
      %parallel_loop3A_594 = arith.constant 16 : i32
      %parallel_loop3A_595 = arith.muli %parallel_loop3A_545, %parallel_loop3A_594 : i32
      %parallel_loop3A_596 = arith.constant 3 : i32
      %parallel_loop3A_597 = arith.index_cast %parallel_loop3A_596 : i32 to index
      %parallel_loop3A_598 = arith.index_cast %parallel_loop3A_595 : i32 to index
      %parallel_loop3A_599 = tpu.vector_load %arg8[%parallel_loop3A_597, %parallel_loop3A_598] {strides = array<i32>} : memref<8x6400xf32, #tpu.memory_space<vmem>>, vector<1x16xf32>,
      %parallel_loop3A_600 = vector.shape_cast %parallel_loop3A_599 : vector<1x16xf32> to vector<16xf32>
      %parallel_loop3A_601 = arith.cmpf ogt, %parallel_loop3A_600, %parallel_loop3A_552 : vector<16xf32>
      %parallel_loop3A_602 = arith.select %parallel_loop3A_601, %parallel_loop3A_600, %parallel_loop3A_552 : vector<16xi1>, vector<16xf32>
      %parallel_loop3A_603 = arith.select %parallel_loop3A_601, %parallel_loop3A_563, %parallel_loop3A_553 : vector<16xi1>, vector<16xi32>
      %parallel_loop3A_604 = arith.constant 16 : i32
      %parallel_loop3A_605 = arith.muli %parallel_loop3A_545, %parallel_loop3A_604 : i32
      %parallel_loop3A_606 = arith.constant 4 : i32
      %parallel_loop3A_607 = arith.index_cast %parallel_loop3A_606 : i32 to index
      %parallel_loop3A_608 = arith.index_cast %parallel_loop3A_605 : i32 to index
      %parallel_loop3A_609 = tpu.vector_load %arg8[%parallel_loop3A_607, %parallel_loop3A_608] {strides = array<i32>} : memref<8x6400xf32, #tpu.memory_space<vmem>>, vector<1x16xf32>,
      %parallel_loop3A_610 = vector.shape_cast %parallel_loop3A_609 : vector<1x16xf32> to vector<16xf32>
      %parallel_loop3A_611 = arith.cmpf ogt, %parallel_loop3A_610, %parallel_loop3A_554 : vector<16xf32>
      %parallel_loop3A_612 = arith.select %parallel_loop3A_611, %parallel_loop3A_610, %parallel_loop3A_554 : vector<16xi1>, vector<16xf32>
      %parallel_loop3A_613 = arith.select %parallel_loop3A_611, %parallel_loop3A_563, %parallel_loop3A_555 : vector<16xi1>, vector<16xi32>
      %parallel_loop3A_614 = arith.constant 16 : i32
      %parallel_loop3A_615 = arith.muli %parallel_loop3A_545, %parallel_loop3A_614 : i32
      %parallel_loop3A_616 = arith.constant 5 : i32
      %parallel_loop3A_617 = arith.index_cast %parallel_loop3A_616 : i32 to index
      %parallel_loop3A_618 = arith.index_cast %parallel_loop3A_615 : i32 to index
      %parallel_loop3A_619 = tpu.vector_load %arg8[%parallel_loop3A_617, %parallel_loop3A_618] {strides = array<i32>} : memref<8x6400xf32, #tpu.memory_space<vmem>>, vector<1x16xf32>,
      %parallel_loop3A_620 = vector.shape_cast %parallel_loop3A_619 : vector<1x16xf32> to vector<16xf32>
      %parallel_loop3A_621 = arith.cmpf ogt, %parallel_loop3A_620, %parallel_loop3A_556 : vector<16xf32>
      %parallel_loop3A_622 = arith.select %parallel_loop3A_621, %parallel_loop3A_620, %parallel_loop3A_556 : vector<16xi1>, vector<16xf32>
      %parallel_loop3A_623 = arith.select %parallel_loop3A_621, %parallel_loop3A_563, %parallel_loop3A_557 : vector<16xi1>, vector<16xi32>
      %parallel_loop3A_624 = arith.constant 16 : i32
      %parallel_loop3A_625 = arith.muli %parallel_loop3A_545, %parallel_loop3A_624 : i32
      %parallel_loop3A_626 = arith.constant 6 : i32
      %parallel_loop3A_627 = arith.index_cast %parallel_loop3A_626 : i32 to index
      %parallel_loop3A_628 = arith.index_cast %parallel_loop3A_625 : i32 to index
      %parallel_loop3A_629 = tpu.vector_load %arg8[%parallel_loop3A_627, %parallel_loop3A_628] {strides = array<i32>} : memref<8x6400xf32, #tpu.memory_space<vmem>>, vector<1x16xf32>,
      %parallel_loop3A_630 = vector.shape_cast %parallel_loop3A_629 : vector<1x16xf32> to vector<16xf32>
      %parallel_loop3A_631 = arith.cmpf ogt, %parallel_loop3A_630, %parallel_loop3A_558 : vector<16xf32>
      %parallel_loop3A_632 = arith.select %parallel_loop3A_631, %parallel_loop3A_630, %parallel_loop3A_558 : vector<16xi1>, vector<16xf32>
      %parallel_loop3A_633 = arith.select %parallel_loop3A_631, %parallel_loop3A_563, %parallel_loop3A_559 : vector<16xi1>, vector<16xi32>
      %parallel_loop3A_634 = arith.constant 16 : i32
      %parallel_loop3A_635 = arith.muli %parallel_loop3A_545, %parallel_loop3A_634 : i32
      %parallel_loop3A_636 = arith.constant 7 : i32
      %parallel_loop3A_637 = arith.index_cast %parallel_loop3A_636 : i32 to index
      %parallel_loop3A_638 = arith.index_cast %parallel_loop3A_635 : i32 to index
      %parallel_loop3A_639 = tpu.vector_load %arg8[%parallel_loop3A_637, %parallel_loop3A_638] {strides = array<i32>} : memref<8x6400xf32, #tpu.memory_space<vmem>>, vector<1x16xf32>,
      %parallel_loop3A_640 = vector.shape_cast %parallel_loop3A_639 : vector<1x16xf32> to vector<16xf32>
      %parallel_loop3A_641 = arith.cmpf ogt, %parallel_loop3A_640, %parallel_loop3A_560 : vector<16xf32>
      %parallel_loop3A_642 = arith.select %parallel_loop3A_641, %parallel_loop3A_640, %parallel_loop3A_560 : vector<16xi1>, vector<16xf32>
      %parallel_loop3A_643 = arith.select %parallel_loop3A_641, %parallel_loop3A_563, %parallel_loop3A_561 : vector<16xi1>, vector<16xi32>
      scf.yield %parallel_loop3A_572, %parallel_loop3A_573, %parallel_loop3A_582, %parallel_loop3A_583, %parallel_loop3A_592, %parallel_loop3A_593, %parallel_loop3A_602, %parallel_loop3A_603, %parallel_loop3A_612, %parallel_loop3A_613, %parallel_loop3A_622, %parallel_loop3A_623, %parallel_loop3A_632, %parallel_loop3A_633, %parallel_loop3A_642, %parallel_loop3A_643 : vector<16xf32>, vector<16xi32>, vector<16xf32>, vector<16xi32>, vector<16xf32>, vector<16xi32>, vector<16xf32>, vector<16xi32>, vector<16xf32>, vector<16xi32>, vector<16xf32>, vector<16xi32>, vector<16xf32>, vector<16xi32>, vector<16xf32>, vector<16xi32>
    } {sc.loop_unroll_factor = 4 : i64, sc.parallel_access}
    %add3A_64 = arith.constant 19200 : i32
    %add3A_65 = arith.addi %multiple_of3A_38, %add3A_64 : i32
    %multiple_of3A_66 = tpu.assume_multiple %add3A_65, 128 : i32
    %dma_start3A_67 = tpu.memref_slice %arg2[%multiple_of3A, %multiple_of3A_66] : memref<32x1000000xf32, #tpu.memory_space<hbm>> -> memref<8x6400xf32, #tpu.memory_space<hbm>>
    %dma_start3A_68 = tpu.memref_slice %arg2[%multiple_of3A, %multiple_of3A_66] : memref<32x1000000xf32, #tpu.memory_space<hbm>> -> memref<8x6400xf32, #tpu.memory_space<hbm>>
    tpu.enqueue_dma source(%dma_start3A_68 : memref<8x6400xf32, #tpu.memory_space<hbm>>) target(%arg8 : memref<8x6400xf32, #tpu.memory_space<vmem>>) target_semaphore(%arg16 : memref<!tpu.dma_semaphore, #tpu.memory_space<semaphore_mem>>)
    %dma_wait3A_69 = tpu.memref_slice %arg2[%multiple_of3A, %multiple_of3A_54] : memref<32x1000000xf32, #tpu.memory_space<hbm>> -> memref<8x6400xf32, #tpu.memory_space<hbm>>
    %dma_wait3A_70 = tpu.memref_slice %arg2[%multiple_of3A, %multiple_of3A_54] : memref<32x1000000xf32, #tpu.memory_space<hbm>> -> memref<8x6400xf32, #tpu.memory_space<hbm>>
    tpu.wait_dma2 semaphore(%arg15 : memref<!tpu.dma_semaphore, #tpu.memory_space<semaphore_mem>>) src(%dma_wait3A_70 : memref<8x6400xf32, #tpu.memory_space<hbm>>) dst(%arg7 : memref<8x6400xf32, #tpu.memory_space<vmem>>)
    %parallel_loop3A_71 = arith.constant 0 : i32
    %parallel_loop3A_72 = arith.constant 400 : i32
    %parallel_loop3A_73 = arith.constant 1 : i32
    %parallel_loop3A_74 = arith.constant 800 : i32
    %parallel_loop3A_75:16 = scf.for %parallel_loop3A_545 = %parallel_loop3A_71 to %parallel_loop3A_72 step %parallel_loop3A_73 iter_args(%parallel_loop3A_546 = %parallel_loop3A_63#0, %parallel_loop3A_547 = %parallel_loop3A_63#1, %parallel_loop3A_548 = %parallel_loop3A_63#2, %parallel_loop3A_549 = %parallel_loop3A_63#3, %parallel_loop3A_550 = %parallel_loop3A_63#4, %parallel_loop3A_551 = %parallel_loop3A_63#5, %parallel_loop3A_552 = %parallel_loop3A_63#6, %parallel_loop3A_553 = %parallel_loop3A_63#7, %parallel_loop3A_554 = %parallel_loop3A_63#8, %parallel_loop3A_555 = %parallel_loop3A_63#9, %parallel_loop3A_556 = %parallel_loop3A_63#10, %parallel_loop3A_557 = %parallel_loop3A_63#11, %parallel_loop3A_558 = %parallel_loop3A_63#12, %parallel_loop3A_559 = %parallel_loop3A_63#13, %parallel_loop3A_560 = %parallel_loop3A_63#14, %parallel_loop3A_561 = %parallel_loop3A_63#15) -> (vector<16xf32>, vector<16xi32>, vector<16xf32>, vector<16xi32>, vector<16xf32>, vector<16xi32>, vector<16xf32>, vector<16xi32>, vector<16xf32>, vector<16xi32>, vector<16xf32>, vector<16xi32>, vector<16xf32>, vector<16xi32>, vector<16xf32>, vector<16xi32>)  : i32 {
      %parallel_loop3A_562 = arith.addi %parallel_loop3A_74, %parallel_loop3A_545 : i32
      %parallel_loop3A_563 = vector.broadcast %parallel_loop3A_562 : i32 to vector<16xi32>
      %parallel_loop3A_564 = arith.constant 16 : i32
      %parallel_loop3A_565 = arith.muli %parallel_loop3A_545, %parallel_loop3A_564 : i32
      %parallel_loop3A_566 = arith.constant 0 : i32
      %parallel_loop3A_567 = arith.index_cast %parallel_loop3A_566 : i32 to index
      %parallel_loop3A_568 = arith.index_cast %parallel_loop3A_565 : i32 to index
      %parallel_loop3A_569 = tpu.vector_load %arg7[%parallel_loop3A_567, %parallel_loop3A_568] {strides = array<i32>} : memref<8x6400xf32, #tpu.memory_space<vmem>>, vector<1x16xf32>,
      %parallel_loop3A_570 = vector.shape_cast %parallel_loop3A_569 : vector<1x16xf32> to vector<16xf32>
      %parallel_loop3A_571 = arith.cmpf ogt, %parallel_loop3A_570, %parallel_loop3A_546 : vector<16xf32>
      %parallel_loop3A_572 = arith.select %parallel_loop3A_571, %parallel_loop3A_570, %parallel_loop3A_546 : vector<16xi1>, vector<16xf32>
      %parallel_loop3A_573 = arith.select %parallel_loop3A_571, %parallel_loop3A_563, %parallel_loop3A_547 : vector<16xi1>, vector<16xi32>
      %parallel_loop3A_574 = arith.constant 16 : i32
      %parallel_loop3A_575 = arith.muli %parallel_loop3A_545, %parallel_loop3A_574 : i32
      %parallel_loop3A_576 = arith.constant 1 : i32
      %parallel_loop3A_577 = arith.index_cast %parallel_loop3A_576 : i32 to index
      %parallel_loop3A_578 = arith.index_cast %parallel_loop3A_575 : i32 to index
      %parallel_loop3A_579 = tpu.vector_load %arg7[%parallel_loop3A_577, %parallel_loop3A_578] {strides = array<i32>} : memref<8x6400xf32, #tpu.memory_space<vmem>>, vector<1x16xf32>,
      %parallel_loop3A_580 = vector.shape_cast %parallel_loop3A_579 : vector<1x16xf32> to vector<16xf32>
      %parallel_loop3A_581 = arith.cmpf ogt, %parallel_loop3A_580, %parallel_loop3A_548 : vector<16xf32>
      %parallel_loop3A_582 = arith.select %parallel_loop3A_581, %parallel_loop3A_580, %parallel_loop3A_548 : vector<16xi1>, vector<16xf32>
      %parallel_loop3A_583 = arith.select %parallel_loop3A_581, %parallel_loop3A_563, %parallel_loop3A_549 : vector<16xi1>, vector<16xi32>
      %parallel_loop3A_584 = arith.constant 16 : i32
      %parallel_loop3A_585 = arith.muli %parallel_loop3A_545, %parallel_loop3A_584 : i32
      %parallel_loop3A_586 = arith.constant 2 : i32
      %parallel_loop3A_587 = arith.index_cast %parallel_loop3A_586 : i32 to index
      %parallel_loop3A_588 = arith.index_cast %parallel_loop3A_585 : i32 to index
      %parallel_loop3A_589 = tpu.vector_load %arg7[%parallel_loop3A_587, %parallel_loop3A_588] {strides = array<i32>} : memref<8x6400xf32, #tpu.memory_space<vmem>>, vector<1x16xf32>,
      %parallel_loop3A_590 = vector.shape_cast %parallel_loop3A_589 : vector<1x16xf32> to vector<16xf32>
      %parallel_loop3A_591 = arith.cmpf ogt, %parallel_loop3A_590, %parallel_loop3A_550 : vector<16xf32>
      %parallel_loop3A_592 = arith.select %parallel_loop3A_591, %parallel_loop3A_590, %parallel_loop3A_550 : vector<16xi1>, vector<16xf32>
      %parallel_loop3A_593 = arith.select %parallel_loop3A_591, %parallel_loop3A_563, %parallel_loop3A_551 : vector<16xi1>, vector<16xi32>
      %parallel_loop3A_594 = arith.constant 16 : i32
      %parallel_loop3A_595 = arith.muli %parallel_loop3A_545, %parallel_loop3A_594 : i32
      %parallel_loop3A_596 = arith.constant 3 : i32
      %parallel_loop3A_597 = arith.index_cast %parallel_loop3A_596 : i32 to index
      %parallel_loop3A_598 = arith.index_cast %parallel_loop3A_595 : i32 to index
      %parallel_loop3A_599 = tpu.vector_load %arg7[%parallel_loop3A_597, %parallel_loop3A_598] {strides = array<i32>} : memref<8x6400xf32, #tpu.memory_space<vmem>>, vector<1x16xf32>,
      %parallel_loop3A_600 = vector.shape_cast %parallel_loop3A_599 : vector<1x16xf32> to vector<16xf32>
      %parallel_loop3A_601 = arith.cmpf ogt, %parallel_loop3A_600, %parallel_loop3A_552 : vector<16xf32>
      %parallel_loop3A_602 = arith.select %parallel_loop3A_601, %parallel_loop3A_600, %parallel_loop3A_552 : vector<16xi1>, vector<16xf32>
      %parallel_loop3A_603 = arith.select %parallel_loop3A_601, %parallel_loop3A_563, %parallel_loop3A_553 : vector<16xi1>, vector<16xi32>
      %parallel_loop3A_604 = arith.constant 16 : i32
      %parallel_loop3A_605 = arith.muli %parallel_loop3A_545, %parallel_loop3A_604 : i32
      %parallel_loop3A_606 = arith.constant 4 : i32
      %parallel_loop3A_607 = arith.index_cast %parallel_loop3A_606 : i32 to index
      %parallel_loop3A_608 = arith.index_cast %parallel_loop3A_605 : i32 to index
      %parallel_loop3A_609 = tpu.vector_load %arg7[%parallel_loop3A_607, %parallel_loop3A_608] {strides = array<i32>} : memref<8x6400xf32, #tpu.memory_space<vmem>>, vector<1x16xf32>,
      %parallel_loop3A_610 = vector.shape_cast %parallel_loop3A_609 : vector<1x16xf32> to vector<16xf32>
      %parallel_loop3A_611 = arith.cmpf ogt, %parallel_loop3A_610, %parallel_loop3A_554 : vector<16xf32>
      %parallel_loop3A_612 = arith.select %parallel_loop3A_611, %parallel_loop3A_610, %parallel_loop3A_554 : vector<16xi1>, vector<16xf32>
      %parallel_loop3A_613 = arith.select %parallel_loop3A_611, %parallel_loop3A_563, %parallel_loop3A_555 : vector<16xi1>, vector<16xi32>
      %parallel_loop3A_614 = arith.constant 16 : i32
      %parallel_loop3A_615 = arith.muli %parallel_loop3A_545, %parallel_loop3A_614 : i32
      %parallel_loop3A_616 = arith.constant 5 : i32
      %parallel_loop3A_617 = arith.index_cast %parallel_loop3A_616 : i32 to index
      %parallel_loop3A_618 = arith.index_cast %parallel_loop3A_615 : i32 to index
      %parallel_loop3A_619 = tpu.vector_load %arg7[%parallel_loop3A_617, %parallel_loop3A_618] {strides = array<i32>} : memref<8x6400xf32, #tpu.memory_space<vmem>>, vector<1x16xf32>,
      %parallel_loop3A_620 = vector.shape_cast %parallel_loop3A_619 : vector<1x16xf32> to vector<16xf32>
      %parallel_loop3A_621 = arith.cmpf ogt, %parallel_loop3A_620, %parallel_loop3A_556 : vector<16xf32>
      %parallel_loop3A_622 = arith.select %parallel_loop3A_621, %parallel_loop3A_620, %parallel_loop3A_556 : vector<16xi1>, vector<16xf32>
      %parallel_loop3A_623 = arith.select %parallel_loop3A_621, %parallel_loop3A_563, %parallel_loop3A_557 : vector<16xi1>, vector<16xi32>
      %parallel_loop3A_624 = arith.constant 16 : i32
      %parallel_loop3A_625 = arith.muli %parallel_loop3A_545, %parallel_loop3A_624 : i32
      %parallel_loop3A_626 = arith.constant 6 : i32
      %parallel_loop3A_627 = arith.index_cast %parallel_loop3A_626 : i32 to index
      %parallel_loop3A_628 = arith.index_cast %parallel_loop3A_625 : i32 to index
      %parallel_loop3A_629 = tpu.vector_load %arg7[%parallel_loop3A_627, %parallel_loop3A_628] {strides = array<i32>} : memref<8x6400xf32, #tpu.memory_space<vmem>>, vector<1x16xf32>,
      %parallel_loop3A_630 = vector.shape_cast %parallel_loop3A_629 : vector<1x16xf32> to vector<16xf32>
      %parallel_loop3A_631 = arith.cmpf ogt, %parallel_loop3A_630, %parallel_loop3A_558 : vector<16xf32>
      %parallel_loop3A_632 = arith.select %parallel_loop3A_631, %parallel_loop3A_630, %parallel_loop3A_558 : vector<16xi1>, vector<16xf32>
      %parallel_loop3A_633 = arith.select %parallel_loop3A_631, %parallel_loop3A_563, %parallel_loop3A_559 : vector<16xi1>, vector<16xi32>
      %parallel_loop3A_634 = arith.constant 16 : i32
      %parallel_loop3A_635 = arith.muli %parallel_loop3A_545, %parallel_loop3A_634 : i32
      %parallel_loop3A_636 = arith.constant 7 : i32
      %parallel_loop3A_637 = arith.index_cast %parallel_loop3A_636 : i32 to index
      %parallel_loop3A_638 = arith.index_cast %parallel_loop3A_635 : i32 to index
      %parallel_loop3A_639 = tpu.vector_load %arg7[%parallel_loop3A_637, %parallel_loop3A_638] {strides = array<i32>} : memref<8x6400xf32, #tpu.memory_space<vmem>>, vector<1x16xf32>,
      %parallel_loop3A_640 = vector.shape_cast %parallel_loop3A_639 : vector<1x16xf32> to vector<16xf32>
      %parallel_loop3A_641 = arith.cmpf ogt, %parallel_loop3A_640, %parallel_loop3A_560 : vector<16xf32>
      %parallel_loop3A_642 = arith.select %parallel_loop3A_641, %parallel_loop3A_640, %parallel_loop3A_560 : vector<16xi1>, vector<16xf32>
      %parallel_loop3A_643 = arith.select %parallel_loop3A_641, %parallel_loop3A_563, %parallel_loop3A_561 : vector<16xi1>, vector<16xi32>
      scf.yield %parallel_loop3A_572, %parallel_loop3A_573, %parallel_loop3A_582, %parallel_loop3A_583, %parallel_loop3A_592, %parallel_loop3A_593, %parallel_loop3A_602, %parallel_loop3A_603, %parallel_loop3A_612, %parallel_loop3A_613, %parallel_loop3A_622, %parallel_loop3A_623, %parallel_loop3A_632, %parallel_loop3A_633, %parallel_loop3A_642, %parallel_loop3A_643 : vector<16xf32>, vector<16xi32>, vector<16xf32>, vector<16xi32>, vector<16xf32>, vector<16xi32>, vector<16xf32>, vector<16xi32>, vector<16xf32>, vector<16xi32>, vector<16xf32>, vector<16xi32>, vector<16xf32>, vector<16xi32>, vector<16xf32>, vector<16xi32>
    } {sc.loop_unroll_factor = 4 : i64, sc.parallel_access}
    %add3A_76 = arith.constant 25600 : i32
    %add3A_77 = arith.addi %multiple_of3A_38, %add3A_76 : i32
    %multiple_of3A_78 = tpu.assume_multiple %add3A_77, 128 : i32
    %dma_start3A_79 = tpu.memref_slice %arg2[%multiple_of3A, %multiple_of3A_78] : memref<32x1000000xf32, #tpu.memory_space<hbm>> -> memref<8x6400xf32, #tpu.memory_space<hbm>>
    %dma_start3A_80 = tpu.memref_slice %arg2[%multiple_of3A, %multiple_of3A_78] : memref<32x1000000xf32, #tpu.memory_space<hbm>> -> memref<8x6400xf32, #tpu.memory_space<hbm>>
    tpu.enqueue_dma source(%dma_start3A_80 : memref<8x6400xf32, #tpu.memory_space<hbm>>) target(%arg7 : memref<8x6400xf32, #tpu.memory_space<vmem>>) target_semaphore(%arg15 : memref<!tpu.dma_semaphore, #tpu.memory_space<semaphore_mem>>)
    %dma_wait3A_81 = tpu.memref_slice %arg2[%multiple_of3A, %multiple_of3A_66] : memref<32x1000000xf32, #tpu.memory_space<hbm>> -> memref<8x6400xf32, #tpu.memory_space<hbm>>
    %dma_wait3A_82 = tpu.memref_slice %arg2[%multiple_of3A, %multiple_of3A_66] : memref<32x1000000xf32, #tpu.memory_space<hbm>> -> memref<8x6400xf32, #tpu.memory_space<hbm>>
    tpu.wait_dma2 semaphore(%arg16 : memref<!tpu.dma_semaphore, #tpu.memory_space<semaphore_mem>>) src(%dma_wait3A_82 : memref<8x6400xf32, #tpu.memory_space<hbm>>) dst(%arg8 : memref<8x6400xf32, #tpu.memory_space<vmem>>)
    %parallel_loop3A_83 = arith.constant 0 : i32
    %parallel_loop3A_84 = arith.constant 400 : i32
    %parallel_loop3A_85 = arith.constant 1 : i32
    %parallel_loop3A_86 = arith.constant 1200 : i32
    %parallel_loop3A_87:16 = scf.for %parallel_loop3A_545 = %parallel_loop3A_83 to %parallel_loop3A_84 step %parallel_loop3A_85 iter_args(%parallel_loop3A_546 = %parallel_loop3A_75#0, %parallel_loop3A_547 = %parallel_loop3A_75#1, %parallel_loop3A_548 = %parallel_loop3A_75#2, %parallel_loop3A_549 = %parallel_loop3A_75#3, %parallel_loop3A_550 = %parallel_loop3A_75#4, %parallel_loop3A_551 = %parallel_loop3A_75#5, %parallel_loop3A_552 = %parallel_loop3A_75#6, %parallel_loop3A_553 = %parallel_loop3A_75#7, %parallel_loop3A_554 = %parallel_loop3A_75#8, %parallel_loop3A_555 = %parallel_loop3A_75#9, %parallel_loop3A_556 = %parallel_loop3A_75#10, %parallel_loop3A_557 = %parallel_loop3A_75#11, %parallel_loop3A_558 = %parallel_loop3A_75#12, %parallel_loop3A_559 = %parallel_loop3A_75#13, %parallel_loop3A_560 = %parallel_loop3A_75#14, %parallel_loop3A_561 = %parallel_loop3A_75#15) -> (vector<16xf32>, vector<16xi32>, vector<16xf32>, vector<16xi32>, vector<16xf32>, vector<16xi32>, vector<16xf32>, vector<16xi32>, vector<16xf32>, vector<16xi32>, vector<16xf32>, vector<16xi32>, vector<16xf32>, vector<16xi32>, vector<16xf32>, vector<16xi32>)  : i32 {
      %parallel_loop3A_562 = arith.addi %parallel_loop3A_86, %parallel_loop3A_545 : i32
      %parallel_loop3A_563 = vector.broadcast %parallel_loop3A_562 : i32 to vector<16xi32>
      %parallel_loop3A_564 = arith.constant 16 : i32
      %parallel_loop3A_565 = arith.muli %parallel_loop3A_545, %parallel_loop3A_564 : i32
      %parallel_loop3A_566 = arith.constant 0 : i32
      %parallel_loop3A_567 = arith.index_cast %parallel_loop3A_566 : i32 to index
      %parallel_loop3A_568 = arith.index_cast %parallel_loop3A_565 : i32 to index
      %parallel_loop3A_569 = tpu.vector_load %arg8[%parallel_loop3A_567, %parallel_loop3A_568] {strides = array<i32>} : memref<8x6400xf32, #tpu.memory_space<vmem>>, vector<1x16xf32>,
      %parallel_loop3A_570 = vector.shape_cast %parallel_loop3A_569 : vector<1x16xf32> to vector<16xf32>
      %parallel_loop3A_571 = arith.cmpf ogt, %parallel_loop3A_570, %parallel_loop3A_546 : vector<16xf32>
      %parallel_loop3A_572 = arith.select %parallel_loop3A_571, %parallel_loop3A_570, %parallel_loop3A_546 : vector<16xi1>, vector<16xf32>
      %parallel_loop3A_573 = arith.select %parallel_loop3A_571, %parallel_loop3A_563, %parallel_loop3A_547 : vector<16xi1>, vector<16xi32>
      %parallel_loop3A_574 = arith.constant 16 : i32
      %parallel_loop3A_575 = arith.muli %parallel_loop3A_545, %parallel_loop3A_574 : i32
      %parallel_loop3A_576 = arith.constant 1 : i32
      %parallel_loop3A_577 = arith.index_cast %parallel_loop3A_576 : i32 to index
      %parallel_loop3A_578 = arith.index_cast %parallel_loop3A_575 : i32 to index
      %parallel_loop3A_579 = tpu.vector_load %arg8[%parallel_loop3A_577, %parallel_loop3A_578] {strides = array<i32>} : memref<8x6400xf32, #tpu.memory_space<vmem>>, vector<1x16xf32>,
      %parallel_loop3A_580 = vector.shape_cast %parallel_loop3A_579 : vector<1x16xf32> to vector<16xf32>
      %parallel_loop3A_581 = arith.cmpf ogt, %parallel_loop3A_580, %parallel_loop3A_548 : vector<16xf32>
      %parallel_loop3A_582 = arith.select %parallel_loop3A_581, %parallel_loop3A_580, %parallel_loop3A_548 : vector<16xi1>, vector<16xf32>
      %parallel_loop3A_583 = arith.select %parallel_loop3A_581, %parallel_loop3A_563, %parallel_loop3A_549 : vector<16xi1>, vector<16xi32>
      %parallel_loop3A_584 = arith.constant 16 : i32
      %parallel_loop3A_585 = arith.muli %parallel_loop3A_545, %parallel_loop3A_584 : i32
      %parallel_loop3A_586 = arith.constant 2 : i32
      %parallel_loop3A_587 = arith.index_cast %parallel_loop3A_586 : i32 to index
      %parallel_loop3A_588 = arith.index_cast %parallel_loop3A_585 : i32 to index
      %parallel_loop3A_589 = tpu.vector_load %arg8[%parallel_loop3A_587, %parallel_loop3A_588] {strides = array<i32>} : memref<8x6400xf32, #tpu.memory_space<vmem>>, vector<1x16xf32>,
      %parallel_loop3A_590 = vector.shape_cast %parallel_loop3A_589 : vector<1x16xf32> to vector<16xf32>
      %parallel_loop3A_591 = arith.cmpf ogt, %parallel_loop3A_590, %parallel_loop3A_550 : vector<16xf32>
      %parallel_loop3A_592 = arith.select %parallel_loop3A_591, %parallel_loop3A_590, %parallel_loop3A_550 : vector<16xi1>, vector<16xf32>
      %parallel_loop3A_593 = arith.select %parallel_loop3A_591, %parallel_loop3A_563, %parallel_loop3A_551 : vector<16xi1>, vector<16xi32>
      %parallel_loop3A_594 = arith.constant 16 : i32
      %parallel_loop3A_595 = arith.muli %parallel_loop3A_545, %parallel_loop3A_594 : i32
      %parallel_loop3A_596 = arith.constant 3 : i32
      %parallel_loop3A_597 = arith.index_cast %parallel_loop3A_596 : i32 to index
      %parallel_loop3A_598 = arith.index_cast %parallel_loop3A_595 : i32 to index
      %parallel_loop3A_599 = tpu.vector_load %arg8[%parallel_loop3A_597, %parallel_loop3A_598] {strides = array<i32>} : memref<8x6400xf32, #tpu.memory_space<vmem>>, vector<1x16xf32>,
      %parallel_loop3A_600 = vector.shape_cast %parallel_loop3A_599 : vector<1x16xf32> to vector<16xf32>
      %parallel_loop3A_601 = arith.cmpf ogt, %parallel_loop3A_600, %parallel_loop3A_552 : vector<16xf32>
      %parallel_loop3A_602 = arith.select %parallel_loop3A_601, %parallel_loop3A_600, %parallel_loop3A_552 : vector<16xi1>, vector<16xf32>
      %parallel_loop3A_603 = arith.select %parallel_loop3A_601, %parallel_loop3A_563, %parallel_loop3A_553 : vector<16xi1>, vector<16xi32>
      %parallel_loop3A_604 = arith.constant 16 : i32
      %parallel_loop3A_605 = arith.muli %parallel_loop3A_545, %parallel_loop3A_604 : i32
      %parallel_loop3A_606 = arith.constant 4 : i32
      %parallel_loop3A_607 = arith.index_cast %parallel_loop3A_606 : i32 to index
      %parallel_loop3A_608 = arith.index_cast %parallel_loop3A_605 : i32 to index
      %parallel_loop3A_609 = tpu.vector_load %arg8[%parallel_loop3A_607, %parallel_loop3A_608] {strides = array<i32>} : memref<8x6400xf32, #tpu.memory_space<vmem>>, vector<1x16xf32>,
      %parallel_loop3A_610 = vector.shape_cast %parallel_loop3A_609 : vector<1x16xf32> to vector<16xf32>
      %parallel_loop3A_611 = arith.cmpf ogt, %parallel_loop3A_610, %parallel_loop3A_554 : vector<16xf32>
      %parallel_loop3A_612 = arith.select %parallel_loop3A_611, %parallel_loop3A_610, %parallel_loop3A_554 : vector<16xi1>, vector<16xf32>
      %parallel_loop3A_613 = arith.select %parallel_loop3A_611, %parallel_loop3A_563, %parallel_loop3A_555 : vector<16xi1>, vector<16xi32>
      %parallel_loop3A_614 = arith.constant 16 : i32
      %parallel_loop3A_615 = arith.muli %parallel_loop3A_545, %parallel_loop3A_614 : i32
      %parallel_loop3A_616 = arith.constant 5 : i32
      %parallel_loop3A_617 = arith.index_cast %parallel_loop3A_616 : i32 to index
      %parallel_loop3A_618 = arith.index_cast %parallel_loop3A_615 : i32 to index
      %parallel_loop3A_619 = tpu.vector_load %arg8[%parallel_loop3A_617, %parallel_loop3A_618] {strides = array<i32>} : memref<8x6400xf32, #tpu.memory_space<vmem>>, vector<1x16xf32>,
      %parallel_loop3A_620 = vector.shape_cast %parallel_loop3A_619 : vector<1x16xf32> to vector<16xf32>
      %parallel_loop3A_621 = arith.cmpf ogt, %parallel_loop3A_620, %parallel_loop3A_556 : vector<16xf32>
      %parallel_loop3A_622 = arith.select %parallel_loop3A_621, %parallel_loop3A_620, %parallel_loop3A_556 : vector<16xi1>, vector<16xf32>
      %parallel_loop3A_623 = arith.select %parallel_loop3A_621, %parallel_loop3A_563, %parallel_loop3A_557 : vector<16xi1>, vector<16xi32>
      %parallel_loop3A_624 = arith.constant 16 : i32
      %parallel_loop3A_625 = arith.muli %parallel_loop3A_545, %parallel_loop3A_624 : i32
      %parallel_loop3A_626 = arith.constant 6 : i32
      %parallel_loop3A_627 = arith.index_cast %parallel_loop3A_626 : i32 to index
      %parallel_loop3A_628 = arith.index_cast %parallel_loop3A_625 : i32 to index
      %parallel_loop3A_629 = tpu.vector_load %arg8[%parallel_loop3A_627, %parallel_loop3A_628] {strides = array<i32>} : memref<8x6400xf32, #tpu.memory_space<vmem>>, vector<1x16xf32>,
      %parallel_loop3A_630 = vector.shape_cast %parallel_loop3A_629 : vector<1x16xf32> to vector<16xf32>
      %parallel_loop3A_631 = arith.cmpf ogt, %parallel_loop3A_630, %parallel_loop3A_558 : vector<16xf32>
      %parallel_loop3A_632 = arith.select %parallel_loop3A_631, %parallel_loop3A_630, %parallel_loop3A_558 : vector<16xi1>, vector<16xf32>
      %parallel_loop3A_633 = arith.select %parallel_loop3A_631, %parallel_loop3A_563, %parallel_loop3A_559 : vector<16xi1>, vector<16xi32>
      %parallel_loop3A_634 = arith.constant 16 : i32
      %parallel_loop3A_635 = arith.muli %parallel_loop3A_545, %parallel_loop3A_634 : i32
      %parallel_loop3A_636 = arith.constant 7 : i32
      %parallel_loop3A_637 = arith.index_cast %parallel_loop3A_636 : i32 to index
      %parallel_loop3A_638 = arith.index_cast %parallel_loop3A_635 : i32 to index
      %parallel_loop3A_639 = tpu.vector_load %arg8[%parallel_loop3A_637, %parallel_loop3A_638] {strides = array<i32>} : memref<8x6400xf32, #tpu.memory_space<vmem>>, vector<1x16xf32>,
      %parallel_loop3A_640 = vector.shape_cast %parallel_loop3A_639 : vector<1x16xf32> to vector<16xf32>
      %parallel_loop3A_641 = arith.cmpf ogt, %parallel_loop3A_640, %parallel_loop3A_560 : vector<16xf32>
      %parallel_loop3A_642 = arith.select %parallel_loop3A_641, %parallel_loop3A_640, %parallel_loop3A_560 : vector<16xi1>, vector<16xf32>
      %parallel_loop3A_643 = arith.select %parallel_loop3A_641, %parallel_loop3A_563, %parallel_loop3A_561 : vector<16xi1>, vector<16xi32>
      scf.yield %parallel_loop3A_572, %parallel_loop3A_573, %parallel_loop3A_582, %parallel_loop3A_583, %parallel_loop3A_592, %parallel_loop3A_593, %parallel_loop3A_602, %parallel_loop3A_603, %parallel_loop3A_612, %parallel_loop3A_613, %parallel_loop3A_622, %parallel_loop3A_623, %parallel_loop3A_632, %parallel_loop3A_633, %parallel_loop3A_642, %parallel_loop3A_643 : vector<16xf32>, vector<16xi32>, vector<16xf32>, vector<16xi32>, vector<16xf32>, vector<16xi32>, vector<16xf32>, vector<16xi32>, vector<16xf32>, vector<16xi32>, vector<16xf32>, vector<16xi32>, vector<16xf32>, vector<16xi32>, vector<16xf32>, vector<16xi32>
    } {sc.loop_unroll_factor = 4 : i64, sc.parallel_access}
    %add3A_88 = arith.constant 32000 : i32
    %add3A_89 = arith.addi %multiple_of3A_38, %add3A_88 : i32
    %multiple_of3A_90 = tpu.assume_multiple %add3A_89, 128 : i32
    %dma_start3A_91 = tpu.memref_slice %arg2[%multiple_of3A, %multiple_of3A_90] : memref<32x1000000xf32, #tpu.memory_space<hbm>> -> memref<8x6400xf32, #tpu.memory_space<hbm>>
    %dma_start3A_92 = tpu.memref_slice %arg2[%multiple_of3A, %multiple_of3A_90] : memref<32x1000000xf32, #tpu.memory_space<hbm>> -> memref<8x6400xf32, #tpu.memory_space<hbm>>
    tpu.enqueue_dma source(%dma_start3A_92 : memref<8x6400xf32, #tpu.memory_space<hbm>>) target(%arg8 : memref<8x6400xf32, #tpu.memory_space<vmem>>) target_semaphore(%arg16 : memref<!tpu.dma_semaphore, #tpu.memory_space<semaphore_mem>>)
    %dma_wait3A_93 = tpu.memref_slice %arg2[%multiple_of3A, %multiple_of3A_78] : memref<32x1000000xf32, #tpu.memory_space<hbm>> -> memref<8x6400xf32, #tpu.memory_space<hbm>>
    %dma_wait3A_94 = tpu.memref_slice %arg2[%multiple_of3A, %multiple_of3A_78] : memref<32x1000000xf32, #tpu.memory_space<hbm>> -> memref<8x6400xf32, #tpu.memory_space<hbm>>
    tpu.wait_dma2 semaphore(%arg15 : memref<!tpu.dma_semaphore, #tpu.memory_space<semaphore_mem>>) src(%dma_wait3A_94 : memref<8x6400xf32, #tpu.memory_space<hbm>>) dst(%arg7 : memref<8x6400xf32, #tpu.memory_space<vmem>>)
    %parallel_loop3A_95 = arith.constant 0 : i32
    %parallel_loop3A_96 = arith.constant 400 : i32
    %parallel_loop3A_97 = arith.constant 1 : i32
    %parallel_loop3A_98 = arith.constant 1600 : i32
    %parallel_loop3A_99:16 = scf.for %parallel_loop3A_545 = %parallel_loop3A_95 to %parallel_loop3A_96 step %parallel_loop3A_97 iter_args(%parallel_loop3A_546 = %parallel_loop3A_87#0, %parallel_loop3A_547 = %parallel_loop3A_87#1, %parallel_loop3A_548 = %parallel_loop3A_87#2, %parallel_loop3A_549 = %parallel_loop3A_87#3, %parallel_loop3A_550 = %parallel_loop3A_87#4, %parallel_loop3A_551 = %parallel_loop3A_87#5, %parallel_loop3A_552 = %parallel_loop3A_87#6, %parallel_loop3A_553 = %parallel_loop3A_87#7, %parallel_loop3A_554 = %parallel_loop3A_87#8, %parallel_loop3A_555 = %parallel_loop3A_87#9, %parallel_loop3A_556 = %parallel_loop3A_87#10, %parallel_loop3A_557 = %parallel_loop3A_87#11, %parallel_loop3A_558 = %parallel_loop3A_87#12, %parallel_loop3A_559 = %parallel_loop3A_87#13, %parallel_loop3A_560 = %parallel_loop3A_87#14, %parallel_loop3A_561 = %parallel_loop3A_87#15) -> (vector<16xf32>, vector<16xi32>, vector<16xf32>, vector<16xi32>, vector<16xf32>, vector<16xi32>, vector<16xf32>, vector<16xi32>, vector<16xf32>, vector<16xi32>, vector<16xf32>, vector<16xi32>, vector<16xf32>, vector<16xi32>, vector<16xf32>, vector<16xi32>)  : i32 {
      %parallel_loop3A_562 = arith.addi %parallel_loop3A_98, %parallel_loop3A_545 : i32
      %parallel_loop3A_563 = vector.broadcast %parallel_loop3A_562 : i32 to vector<16xi32>
      %parallel_loop3A_564 = arith.constant 16 : i32
      %parallel_loop3A_565 = arith.muli %parallel_loop3A_545, %parallel_loop3A_564 : i32
      %parallel_loop3A_566 = arith.constant 0 : i32
      %parallel_loop3A_567 = arith.index_cast %parallel_loop3A_566 : i32 to index
      %parallel_loop3A_568 = arith.index_cast %parallel_loop3A_565 : i32 to index
      %parallel_loop3A_569 = tpu.vector_load %arg7[%parallel_loop3A_567, %parallel_loop3A_568] {strides = array<i32>} : memref<8x6400xf32, #tpu.memory_space<vmem>>, vector<1x16xf32>,
      %parallel_loop3A_570 = vector.shape_cast %parallel_loop3A_569 : vector<1x16xf32> to vector<16xf32>
      %parallel_loop3A_571 = arith.cmpf ogt, %parallel_loop3A_570, %parallel_loop3A_546 : vector<16xf32>
      %parallel_loop3A_572 = arith.select %parallel_loop3A_571, %parallel_loop3A_570, %parallel_loop3A_546 : vector<16xi1>, vector<16xf32>
      %parallel_loop3A_573 = arith.select %parallel_loop3A_571, %parallel_loop3A_563, %parallel_loop3A_547 : vector<16xi1>, vector<16xi32>
      %parallel_loop3A_574 = arith.constant 16 : i32
      %parallel_loop3A_575 = arith.muli %parallel_loop3A_545, %parallel_loop3A_574 : i32
      %parallel_loop3A_576 = arith.constant 1 : i32
      %parallel_loop3A_577 = arith.index_cast %parallel_loop3A_576 : i32 to index
      %parallel_loop3A_578 = arith.index_cast %parallel_loop3A_575 : i32 to index
      %parallel_loop3A_579 = tpu.vector_load %arg7[%parallel_loop3A_577, %parallel_loop3A_578] {strides = array<i32>} : memref<8x6400xf32, #tpu.memory_space<vmem>>, vector<1x16xf32>,
      %parallel_loop3A_580 = vector.shape_cast %parallel_loop3A_579 : vector<1x16xf32> to vector<16xf32>
      %parallel_loop3A_581 = arith.cmpf ogt, %parallel_loop3A_580, %parallel_loop3A_548 : vector<16xf32>
      %parallel_loop3A_582 = arith.select %parallel_loop3A_581, %parallel_loop3A_580, %parallel_loop3A_548 : vector<16xi1>, vector<16xf32>
      %parallel_loop3A_583 = arith.select %parallel_loop3A_581, %parallel_loop3A_563, %parallel_loop3A_549 : vector<16xi1>, vector<16xi32>
      %parallel_loop3A_584 = arith.constant 16 : i32
      %parallel_loop3A_585 = arith.muli %parallel_loop3A_545, %parallel_loop3A_584 : i32
      %parallel_loop3A_586 = arith.constant 2 : i32
      %parallel_loop3A_587 = arith.index_cast %parallel_loop3A_586 : i32 to index
      %parallel_loop3A_588 = arith.index_cast %parallel_loop3A_585 : i32 to index
      %parallel_loop3A_589 = tpu.vector_load %arg7[%parallel_loop3A_587, %parallel_loop3A_588] {strides = array<i32>} : memref<8x6400xf32, #tpu.memory_space<vmem>>, vector<1x16xf32>,
      %parallel_loop3A_590 = vector.shape_cast %parallel_loop3A_589 : vector<1x16xf32> to vector<16xf32>
      %parallel_loop3A_591 = arith.cmpf ogt, %parallel_loop3A_590, %parallel_loop3A_550 : vector<16xf32>
      %parallel_loop3A_592 = arith.select %parallel_loop3A_591, %parallel_loop3A_590, %parallel_loop3A_550 : vector<16xi1>, vector<16xf32>
      %parallel_loop3A_593 = arith.select %parallel_loop3A_591, %parallel_loop3A_563, %parallel_loop3A_551 : vector<16xi1>, vector<16xi32>
      %parallel_loop3A_594 = arith.constant 16 : i32
      %parallel_loop3A_595 = arith.muli %parallel_loop3A_545, %parallel_loop3A_594 : i32
      %parallel_loop3A_596 = arith.constant 3 : i32
      %parallel_loop3A_597 = arith.index_cast %parallel_loop3A_596 : i32 to index
      %parallel_loop3A_598 = arith.index_cast %parallel_loop3A_595 : i32 to index
      %parallel_loop3A_599 = tpu.vector_load %arg7[%parallel_loop3A_597, %parallel_loop3A_598] {strides = array<i32>} : memref<8x6400xf32, #tpu.memory_space<vmem>>, vector<1x16xf32>,
      %parallel_loop3A_600 = vector.shape_cast %parallel_loop3A_599 : vector<1x16xf32> to vector<16xf32>
      %parallel_loop3A_601 = arith.cmpf ogt, %parallel_loop3A_600, %parallel_loop3A_552 : vector<16xf32>
      %parallel_loop3A_602 = arith.select %parallel_loop3A_601, %parallel_loop3A_600, %parallel_loop3A_552 : vector<16xi1>, vector<16xf32>
      %parallel_loop3A_603 = arith.select %parallel_loop3A_601, %parallel_loop3A_563, %parallel_loop3A_553 : vector<16xi1>, vector<16xi32>
      %parallel_loop3A_604 = arith.constant 16 : i32
      %parallel_loop3A_605 = arith.muli %parallel_loop3A_545, %parallel_loop3A_604 : i32
      %parallel_loop3A_606 = arith.constant 4 : i32
      %parallel_loop3A_607 = arith.index_cast %parallel_loop3A_606 : i32 to index
      %parallel_loop3A_608 = arith.index_cast %parallel_loop3A_605 : i32 to index
      %parallel_loop3A_609 = tpu.vector_load %arg7[%parallel_loop3A_607, %parallel_loop3A_608] {strides = array<i32>} : memref<8x6400xf32, #tpu.memory_space<vmem>>, vector<1x16xf32>,
      %parallel_loop3A_610 = vector.shape_cast %parallel_loop3A_609 : vector<1x16xf32> to vector<16xf32>
      %parallel_loop3A_611 = arith.cmpf ogt, %parallel_loop3A_610, %parallel_loop3A_554 : vector<16xf32>
      %parallel_loop3A_612 = arith.select %parallel_loop3A_611, %parallel_loop3A_610, %parallel_loop3A_554 : vector<16xi1>, vector<16xf32>
      %parallel_loop3A_613 = arith.select %parallel_loop3A_611, %parallel_loop3A_563, %parallel_loop3A_555 : vector<16xi1>, vector<16xi32>
      %parallel_loop3A_614 = arith.constant 16 : i32
      %parallel_loop3A_615 = arith.muli %parallel_loop3A_545, %parallel_loop3A_614 : i32
      %parallel_loop3A_616 = arith.constant 5 : i32
      %parallel_loop3A_617 = arith.index_cast %parallel_loop3A_616 : i32 to index
      %parallel_loop3A_618 = arith.index_cast %parallel_loop3A_615 : i32 to index
      %parallel_loop3A_619 = tpu.vector_load %arg7[%parallel_loop3A_617, %parallel_loop3A_618] {strides = array<i32>} : memref<8x6400xf32, #tpu.memory_space<vmem>>, vector<1x16xf32>,
      %parallel_loop3A_620 = vector.shape_cast %parallel_loop3A_619 : vector<1x16xf32> to vector<16xf32>
      %parallel_loop3A_621 = arith.cmpf ogt, %parallel_loop3A_620, %parallel_loop3A_556 : vector<16xf32>
      %parallel_loop3A_622 = arith.select %parallel_loop3A_621, %parallel_loop3A_620, %parallel_loop3A_556 : vector<16xi1>, vector<16xf32>
      %parallel_loop3A_623 = arith.select %parallel_loop3A_621, %parallel_loop3A_563, %parallel_loop3A_557 : vector<16xi1>, vector<16xi32>
      %parallel_loop3A_624 = arith.constant 16 : i32
      %parallel_loop3A_625 = arith.muli %parallel_loop3A_545, %parallel_loop3A_624 : i32
      %parallel_loop3A_626 = arith.constant 6 : i32
      %parallel_loop3A_627 = arith.index_cast %parallel_loop3A_626 : i32 to index
      %parallel_loop3A_628 = arith.index_cast %parallel_loop3A_625 : i32 to index
      %parallel_loop3A_629 = tpu.vector_load %arg7[%parallel_loop3A_627, %parallel_loop3A_628] {strides = array<i32>} : memref<8x6400xf32, #tpu.memory_space<vmem>>, vector<1x16xf32>,
      %parallel_loop3A_630 = vector.shape_cast %parallel_loop3A_629 : vector<1x16xf32> to vector<16xf32>
      %parallel_loop3A_631 = arith.cmpf ogt, %parallel_loop3A_630, %parallel_loop3A_558 : vector<16xf32>
      %parallel_loop3A_632 = arith.select %parallel_loop3A_631, %parallel_loop3A_630, %parallel_loop3A_558 : vector<16xi1>, vector<16xf32>
      %parallel_loop3A_633 = arith.select %parallel_loop3A_631, %parallel_loop3A_563, %parallel_loop3A_559 : vector<16xi1>, vector<16xi32>
      %parallel_loop3A_634 = arith.constant 16 : i32
      %parallel_loop3A_635 = arith.muli %parallel_loop3A_545, %parallel_loop3A_634 : i32
      %parallel_loop3A_636 = arith.constant 7 : i32
      %parallel_loop3A_637 = arith.index_cast %parallel_loop3A_636 : i32 to index
      %parallel_loop3A_638 = arith.index_cast %parallel_loop3A_635 : i32 to index
      %parallel_loop3A_639 = tpu.vector_load %arg7[%parallel_loop3A_637, %parallel_loop3A_638] {strides = array<i32>} : memref<8x6400xf32, #tpu.memory_space<vmem>>, vector<1x16xf32>,
      %parallel_loop3A_640 = vector.shape_cast %parallel_loop3A_639 : vector<1x16xf32> to vector<16xf32>
      %parallel_loop3A_641 = arith.cmpf ogt, %parallel_loop3A_640, %parallel_loop3A_560 : vector<16xf32>
      %parallel_loop3A_642 = arith.select %parallel_loop3A_641, %parallel_loop3A_640, %parallel_loop3A_560 : vector<16xi1>, vector<16xf32>
      %parallel_loop3A_643 = arith.select %parallel_loop3A_641, %parallel_loop3A_563, %parallel_loop3A_561 : vector<16xi1>, vector<16xi32>
      scf.yield %parallel_loop3A_572, %parallel_loop3A_573, %parallel_loop3A_582, %parallel_loop3A_583, %parallel_loop3A_592, %parallel_loop3A_593, %parallel_loop3A_602, %parallel_loop3A_603, %parallel_loop3A_612, %parallel_loop3A_613, %parallel_loop3A_622, %parallel_loop3A_623, %parallel_loop3A_632, %parallel_loop3A_633, %parallel_loop3A_642, %parallel_loop3A_643 : vector<16xf32>, vector<16xi32>, vector<16xf32>, vector<16xi32>, vector<16xf32>, vector<16xi32>, vector<16xf32>, vector<16xi32>, vector<16xf32>, vector<16xi32>, vector<16xf32>, vector<16xi32>, vector<16xf32>, vector<16xi32>, vector<16xf32>, vector<16xi32>
    } {sc.loop_unroll_factor = 4 : i64, sc.parallel_access}
    %add3A_100 = arith.constant 38400 : i32
    %add3A_101 = arith.addi %multiple_of3A_38, %add3A_100 : i32
    %multiple_of3A_102 = tpu.assume_multiple %add3A_101, 128 : i32
    %dma_start3A_103 = tpu.memref_slice %arg2[%multiple_of3A, %multiple_of3A_102] : memref<32x1000000xf32, #tpu.memory_space<hbm>> -> memref<8x6400xf32, #tpu.memory_space<hbm>>
    %dma_start3A_104 = tpu.memref_slice %arg2[%multiple_of3A, %multiple_of3A_102] : memref<32x1000000xf32, #tpu.memory_space<hbm>> -> memref<8x6400xf32, #tpu.memory_space<hbm>>
    tpu.enqueue_dma source(%dma_start3A_104 : memref<8x6400xf32, #tpu.memory_space<hbm>>) target(%arg7 : memref<8x6400xf32, #tpu.memory_space<vmem>>) target_semaphore(%arg15 : memref<!tpu.dma_semaphore, #tpu.memory_space<semaphore_mem>>)
    %dma_wait3A_105 = tpu.memref_slice %arg2[%multiple_of3A, %multiple_of3A_90] : memref<32x1000000xf32, #tpu.memory_space<hbm>> -> memref<8x6400xf32, #tpu.memory_space<hbm>>
    %dma_wait3A_106 = tpu.memref_slice %arg2[%multiple_of3A, %multiple_of3A_90] : memref<32x1000000xf32, #tpu.memory_space<hbm>> -> memref<8x6400xf32, #tpu.memory_space<hbm>>
    tpu.wait_dma2 semaphore(%arg16 : memref<!tpu.dma_semaphore, #tpu.memory_space<semaphore_mem>>) src(%dma_wait3A_106 : memref<8x6400xf32, #tpu.memory_space<hbm>>) dst(%arg8 : memref<8x6400xf32, #tpu.memory_space<vmem>>)
    %parallel_loop3A_107 = arith.constant 0 : i32
    %parallel_loop3A_108 = arith.constant 400 : i32
    %parallel_loop3A_109 = arith.constant 1 : i32
    %parallel_loop3A_110 = arith.constant 2000 : i32
    %parallel_loop3A_111:16 = scf.for %parallel_loop3A_545 = %parallel_loop3A_107 to %parallel_loop3A_108 step %parallel_loop3A_109 iter_args(%parallel_loop3A_546 = %parallel_loop3A_99#0, %parallel_loop3A_547 = %parallel_loop3A_99#1, %parallel_loop3A_548 = %parallel_loop3A_99#2, %parallel_loop3A_549 = %parallel_loop3A_99#3, %parallel_loop3A_550 = %parallel_loop3A_99#4, %parallel_loop3A_551 = %parallel_loop3A_99#5, %parallel_loop3A_552 = %parallel_loop3A_99#6, %parallel_loop3A_553 = %parallel_loop3A_99#7, %parallel_loop3A_554 = %parallel_loop3A_99#8, %parallel_loop3A_555 = %parallel_loop3A_99#9, %parallel_loop3A_556 = %parallel_loop3A_99#10, %parallel_loop3A_557 = %parallel_loop3A_99#11, %parallel_loop3A_558 = %parallel_loop3A_99#12, %parallel_loop3A_559 = %parallel_loop3A_99#13, %parallel_loop3A_560 = %parallel_loop3A_99#14, %parallel_loop3A_561 = %parallel_loop3A_99#15) -> (vector<16xf32>, vector<16xi32>, vector<16xf32>, vector<16xi32>, vector<16xf32>, vector<16xi32>, vector<16xf32>, vector<16xi32>, vector<16xf32>, vector<16xi32>, vector<16xf32>, vector<16xi32>, vector<16xf32>, vector<16xi32>, vector<16xf32>, vector<16xi32>)  : i32 {
      %parallel_loop3A_562 = arith.addi %parallel_loop3A_110, %parallel_loop3A_545 : i32
      %parallel_loop3A_563 = vector.broadcast %parallel_loop3A_562 : i32 to vector<16xi32>
      %parallel_loop3A_564 = arith.constant 16 : i32
      %parallel_loop3A_565 = arith.muli %parallel_loop3A_545, %parallel_loop3A_564 : i32
      %parallel_loop3A_566 = arith.constant 0 : i32
      %parallel_loop3A_567 = arith.index_cast %parallel_loop3A_566 : i32 to index
      %parallel_loop3A_568 = arith.index_cast %parallel_loop3A_565 : i32 to index
      %parallel_loop3A_569 = tpu.vector_load %arg8[%parallel_loop3A_567, %parallel_loop3A_568] {strides = array<i32>} : memref<8x6400xf32, #tpu.memory_space<vmem>>, vector<1x16xf32>,
      %parallel_loop3A_570 = vector.shape_cast %parallel_loop3A_569 : vector<1x16xf32> to vector<16xf32>
      %parallel_loop3A_571 = arith.cmpf ogt, %parallel_loop3A_570, %parallel_loop3A_546 : vector<16xf32>
      %parallel_loop3A_572 = arith.select %parallel_loop3A_571, %parallel_loop3A_570, %parallel_loop3A_546 : vector<16xi1>, vector<16xf32>
      %parallel_loop3A_573 = arith.select %parallel_loop3A_571, %parallel_loop3A_563, %parallel_loop3A_547 : vector<16xi1>, vector<16xi32>
      %parallel_loop3A_574 = arith.constant 16 : i32
      %parallel_loop3A_575 = arith.muli %parallel_loop3A_545, %parallel_loop3A_574 : i32
      %parallel_loop3A_576 = arith.constant 1 : i32
      %parallel_loop3A_577 = arith.index_cast %parallel_loop3A_576 : i32 to index
      %parallel_loop3A_578 = arith.index_cast %parallel_loop3A_575 : i32 to index
      %parallel_loop3A_579 = tpu.vector_load %arg8[%parallel_loop3A_577, %parallel_loop3A_578] {strides = array<i32>} : memref<8x6400xf32, #tpu.memory_space<vmem>>, vector<1x16xf32>,
      %parallel_loop3A_580 = vector.shape_cast %parallel_loop3A_579 : vector<1x16xf32> to vector<16xf32>
      %parallel_loop3A_581 = arith.cmpf ogt, %parallel_loop3A_580, %parallel_loop3A_548 : vector<16xf32>
      %parallel_loop3A_582 = arith.select %parallel_loop3A_581, %parallel_loop3A_580, %parallel_loop3A_548 : vector<16xi1>, vector<16xf32>
      %parallel_loop3A_583 = arith.select %parallel_loop3A_581, %parallel_loop3A_563, %parallel_loop3A_549 : vector<16xi1>, vector<16xi32>
      %parallel_loop3A_584 = arith.constant 16 : i32
      %parallel_loop3A_585 = arith.muli %parallel_loop3A_545, %parallel_loop3A_584 : i32
      %parallel_loop3A_586 = arith.constant 2 : i32
      %parallel_loop3A_587 = arith.index_cast %parallel_loop3A_586 : i32 to index
      %parallel_loop3A_588 = arith.index_cast %parallel_loop3A_585 : i32 to index
      %parallel_loop3A_589 = tpu.vector_load %arg8[%parallel_loop3A_587, %parallel_loop3A_588] {strides = array<i32>} : memref<8x6400xf32, #tpu.memory_space<vmem>>, vector<1x16xf32>,
      %parallel_loop3A_590 = vector.shape_cast %parallel_loop3A_589 : vector<1x16xf32> to vector<16xf32>
      %parallel_loop3A_591 = arith.cmpf ogt, %parallel_loop3A_590, %parallel_loop3A_550 : vector<16xf32>
      %parallel_loop3A_592 = arith.select %parallel_loop3A_591, %parallel_loop3A_590, %parallel_loop3A_550 : vector<16xi1>, vector<16xf32>
      %parallel_loop3A_593 = arith.select %parallel_loop3A_591, %parallel_loop3A_563, %parallel_loop3A_551 : vector<16xi1>, vector<16xi32>
      %parallel_loop3A_594 = arith.constant 16 : i32
      %parallel_loop3A_595 = arith.muli %parallel_loop3A_545, %parallel_loop3A_594 : i32
      %parallel_loop3A_596 = arith.constant 3 : i32
      %parallel_loop3A_597 = arith.index_cast %parallel_loop3A_596 : i32 to index
      %parallel_loop3A_598 = arith.index_cast %parallel_loop3A_595 : i32 to index
      %parallel_loop3A_599 = tpu.vector_load %arg8[%parallel_loop3A_597, %parallel_loop3A_598] {strides = array<i32>} : memref<8x6400xf32, #tpu.memory_space<vmem>>, vector<1x16xf32>,
      %parallel_loop3A_600 = vector.shape_cast %parallel_loop3A_599 : vector<1x16xf32> to vector<16xf32>
      %parallel_loop3A_601 = arith.cmpf ogt, %parallel_loop3A_600, %parallel_loop3A_552 : vector<16xf32>
      %parallel_loop3A_602 = arith.select %parallel_loop3A_601, %parallel_loop3A_600, %parallel_loop3A_552 : vector<16xi1>, vector<16xf32>
      %parallel_loop3A_603 = arith.select %parallel_loop3A_601, %parallel_loop3A_563, %parallel_loop3A_553 : vector<16xi1>, vector<16xi32>
      %parallel_loop3A_604 = arith.constant 16 : i32
      %parallel_loop3A_605 = arith.muli %parallel_loop3A_545, %parallel_loop3A_604 : i32
      %parallel_loop3A_606 = arith.constant 4 : i32
      %parallel_loop3A_607 = arith.index_cast %parallel_loop3A_606 : i32 to index
      %parallel_loop3A_608 = arith.index_cast %parallel_loop3A_605 : i32 to index
      %parallel_loop3A_609 = tpu.vector_load %arg8[%parallel_loop3A_607, %parallel_loop3A_608] {strides = array<i32>} : memref<8x6400xf32, #tpu.memory_space<vmem>>, vector<1x16xf32>,
      %parallel_loop3A_610 = vector.shape_cast %parallel_loop3A_609 : vector<1x16xf32> to vector<16xf32>
      %parallel_loop3A_611 = arith.cmpf ogt, %parallel_loop3A_610, %parallel_loop3A_554 : vector<16xf32>
      %parallel_loop3A_612 = arith.select %parallel_loop3A_611, %parallel_loop3A_610, %parallel_loop3A_554 : vector<16xi1>, vector<16xf32>
      %parallel_loop3A_613 = arith.select %parallel_loop3A_611, %parallel_loop3A_563, %parallel_loop3A_555 : vector<16xi1>, vector<16xi32>
      %parallel_loop3A_614 = arith.constant 16 : i32
      %parallel_loop3A_615 = arith.muli %parallel_loop3A_545, %parallel_loop3A_614 : i32
      %parallel_loop3A_616 = arith.constant 5 : i32
      %parallel_loop3A_617 = arith.index_cast %parallel_loop3A_616 : i32 to index
      %parallel_loop3A_618 = arith.index_cast %parallel_loop3A_615 : i32 to index
      %parallel_loop3A_619 = tpu.vector_load %arg8[%parallel_loop3A_617, %parallel_loop3A_618] {strides = array<i32>} : memref<8x6400xf32, #tpu.memory_space<vmem>>, vector<1x16xf32>,
      %parallel_loop3A_620 = vector.shape_cast %parallel_loop3A_619 : vector<1x16xf32> to vector<16xf32>
      %parallel_loop3A_621 = arith.cmpf ogt, %parallel_loop3A_620, %parallel_loop3A_556 : vector<16xf32>
      %parallel_loop3A_622 = arith.select %parallel_loop3A_621, %parallel_loop3A_620, %parallel_loop3A_556 : vector<16xi1>, vector<16xf32>
      %parallel_loop3A_623 = arith.select %parallel_loop3A_621, %parallel_loop3A_563, %parallel_loop3A_557 : vector<16xi1>, vector<16xi32>
      %parallel_loop3A_624 = arith.constant 16 : i32
      %parallel_loop3A_625 = arith.muli %parallel_loop3A_545, %parallel_loop3A_624 : i32
      %parallel_loop3A_626 = arith.constant 6 : i32
      %parallel_loop3A_627 = arith.index_cast %parallel_loop3A_626 : i32 to index
      %parallel_loop3A_628 = arith.index_cast %parallel_loop3A_625 : i32 to index
      %parallel_loop3A_629 = tpu.vector_load %arg8[%parallel_loop3A_627, %parallel_loop3A_628] {strides = array<i32>} : memref<8x6400xf32, #tpu.memory_space<vmem>>, vector<1x16xf32>,
      %parallel_loop3A_630 = vector.shape_cast %parallel_loop3A_629 : vector<1x16xf32> to vector<16xf32>
      %parallel_loop3A_631 = arith.cmpf ogt, %parallel_loop3A_630, %parallel_loop3A_558 : vector<16xf32>
      %parallel_loop3A_632 = arith.select %parallel_loop3A_631, %parallel_loop3A_630, %parallel_loop3A_558 : vector<16xi1>, vector<16xf32>
      %parallel_loop3A_633 = arith.select %parallel_loop3A_631, %parallel_loop3A_563, %parallel_loop3A_559 : vector<16xi1>, vector<16xi32>
      %parallel_loop3A_634 = arith.constant 16 : i32
      %parallel_loop3A_635 = arith.muli %parallel_loop3A_545, %parallel_loop3A_634 : i32
      %parallel_loop3A_636 = arith.constant 7 : i32
      %parallel_loop3A_637 = arith.index_cast %parallel_loop3A_636 : i32 to index
      %parallel_loop3A_638 = arith.index_cast %parallel_loop3A_635 : i32 to index
      %parallel_loop3A_639 = tpu.vector_load %arg8[%parallel_loop3A_637, %parallel_loop3A_638] {strides = array<i32>} : memref<8x6400xf32, #tpu.memory_space<vmem>>, vector<1x16xf32>,
      %parallel_loop3A_640 = vector.shape_cast %parallel_loop3A_639 : vector<1x16xf32> to vector<16xf32>
      %parallel_loop3A_641 = arith.cmpf ogt, %parallel_loop3A_640, %parallel_loop3A_560 : vector<16xf32>
      %parallel_loop3A_642 = arith.select %parallel_loop3A_641, %parallel_loop3A_640, %parallel_loop3A_560 : vector<16xi1>, vector<16xf32>
      %parallel_loop3A_643 = arith.select %parallel_loop3A_641, %parallel_loop3A_563, %parallel_loop3A_561 : vector<16xi1>, vector<16xi32>
      scf.yield %parallel_loop3A_572, %parallel_loop3A_573, %parallel_loop3A_582, %parallel_loop3A_583, %parallel_loop3A_592, %parallel_loop3A_593, %parallel_loop3A_602, %parallel_loop3A_603, %parallel_loop3A_612, %parallel_loop3A_613, %parallel_loop3A_622, %parallel_loop3A_623, %parallel_loop3A_632, %parallel_loop3A_633, %parallel_loop3A_642, %parallel_loop3A_643 : vector<16xf32>, vector<16xi32>, vector<16xf32>, vector<16xi32>, vector<16xf32>, vector<16xi32>, vector<16xf32>, vector<16xi32>, vector<16xf32>, vector<16xi32>, vector<16xf32>, vector<16xi32>, vector<16xf32>, vector<16xi32>, vector<16xf32>, vector<16xi32>
    } {sc.loop_unroll_factor = 4 : i64, sc.parallel_access}
    %add3A_112 = arith.constant 44800 : i32
    %add3A_113 = arith.addi %multiple_of3A_38, %add3A_112 : i32
    %multiple_of3A_114 = tpu.assume_multiple %add3A_113, 128 : i32
    %dma_start3A_115 = tpu.memref_slice %arg2[%multiple_of3A, %multiple_of3A_114] : memref<32x1000000xf32, #tpu.memory_space<hbm>> -> memref<8x6400xf32, #tpu.memory_space<hbm>>
    %dma_start3A_116 = tpu.memref_slice %arg2[%multiple_of3A, %multiple_of3A_114] : memref<32x1000000xf32, #tpu.memory_space<hbm>> -> memref<8x6400xf32, #tpu.memory_space<hbm>>
    tpu.enqueue_dma source(%dma_start3A_116 : memref<8x6400xf32, #tpu.memory_space<hbm>>) target(%arg8 : memref<8x6400xf32, #tpu.memory_space<vmem>>) target_semaphore(%arg16 : memref<!tpu.dma_semaphore, #tpu.memory_space<semaphore_mem>>)
    %dma_wait3A_117 = tpu.memref_slice %arg2[%multiple_of3A, %multiple_of3A_102] : memref<32x1000000xf32, #tpu.memory_space<hbm>> -> memref<8x6400xf32, #tpu.memory_space<hbm>>
    %dma_wait3A_118 = tpu.memref_slice %arg2[%multiple_of3A, %multiple_of3A_102] : memref<32x1000000xf32, #tpu.memory_space<hbm>> -> memref<8x6400xf32, #tpu.memory_space<hbm>>
    tpu.wait_dma2 semaphore(%arg15 : memref<!tpu.dma_semaphore, #tpu.memory_space<semaphore_mem>>) src(%dma_wait3A_118 : memref<8x6400xf32, #tpu.memory_space<hbm>>) dst(%arg7 : memref<8x6400xf32, #tpu.memory_space<vmem>>)
    %parallel_loop3A_119 = arith.constant 0 : i32
    %parallel_loop3A_120 = arith.constant 400 : i32
    %parallel_loop3A_121 = arith.constant 1 : i32
    %parallel_loop3A_122 = arith.constant 2400 : i32
    %parallel_loop3A_123:16 = scf.for %parallel_loop3A_545 = %parallel_loop3A_119 to %parallel_loop3A_120 step %parallel_loop3A_121 iter_args(%parallel_loop3A_546 = %parallel_loop3A_111#0, %parallel_loop3A_547 = %parallel_loop3A_111#1, %parallel_loop3A_548 = %parallel_loop3A_111#2, %parallel_loop3A_549 = %parallel_loop3A_111#3, %parallel_loop3A_550 = %parallel_loop3A_111#4, %parallel_loop3A_551 = %parallel_loop3A_111#5, %parallel_loop3A_552 = %parallel_loop3A_111#6, %parallel_loop3A_553 = %parallel_loop3A_111#7, %parallel_loop3A_554 = %parallel_loop3A_111#8, %parallel_loop3A_555 = %parallel_loop3A_111#9, %parallel_loop3A_556 = %parallel_loop3A_111#10, %parallel_loop3A_557 = %parallel_loop3A_111#11, %parallel_loop3A_558 = %parallel_loop3A_111#12, %parallel_loop3A_559 = %parallel_loop3A_111#13, %parallel_loop3A_560 = %parallel_loop3A_111#14, %parallel_loop3A_561 = %parallel_loop3A_111#15) -> (vector<16xf32>, vector<16xi32>, vector<16xf32>, vector<16xi32>, vector<16xf32>, vector<16xi32>, vector<16xf32>, vector<16xi32>, vector<16xf32>, vector<16xi32>, vector<16xf32>, vector<16xi32>, vector<16xf32>, vector<16xi32>, vector<16xf32>, vector<16xi32>)  : i32 {
      %parallel_loop3A_562 = arith.addi %parallel_loop3A_122, %parallel_loop3A_545 : i32
      %parallel_loop3A_563 = vector.broadcast %parallel_loop3A_562 : i32 to vector<16xi32>
      %parallel_loop3A_564 = arith.constant 16 : i32
      %parallel_loop3A_565 = arith.muli %parallel_loop3A_545, %parallel_loop3A_564 : i32
      %parallel_loop3A_566 = arith.constant 0 : i32
      %parallel_loop3A_567 = arith.index_cast %parallel_loop3A_566 : i32 to index
      %parallel_loop3A_568 = arith.index_cast %parallel_loop3A_565 : i32 to index
      %parallel_loop3A_569 = tpu.vector_load %arg7[%parallel_loop3A_567, %parallel_loop3A_568] {strides = array<i32>} : memref<8x6400xf32, #tpu.memory_space<vmem>>, vector<1x16xf32>,
      %parallel_loop3A_570 = vector.shape_cast %parallel_loop3A_569 : vector<1x16xf32> to vector<16xf32>
      %parallel_loop3A_571 = arith.cmpf ogt, %parallel_loop3A_570, %parallel_loop3A_546 : vector<16xf32>
      %parallel_loop3A_572 = arith.select %parallel_loop3A_571, %parallel_loop3A_570, %parallel_loop3A_546 : vector<16xi1>, vector<16xf32>
      %parallel_loop3A_573 = arith.select %parallel_loop3A_571, %parallel_loop3A_563, %parallel_loop3A_547 : vector<16xi1>, vector<16xi32>
      %parallel_loop3A_574 = arith.constant 16 : i32
      %parallel_loop3A_575 = arith.muli %parallel_loop3A_545, %parallel_loop3A_574 : i32
      %parallel_loop3A_576 = arith.constant 1 : i32
      %parallel_loop3A_577 = arith.index_cast %parallel_loop3A_576 : i32 to index
      %parallel_loop3A_578 = arith.index_cast %parallel_loop3A_575 : i32 to index
      %parallel_loop3A_579 = tpu.vector_load %arg7[%parallel_loop3A_577, %parallel_loop3A_578] {strides = array<i32>} : memref<8x6400xf32, #tpu.memory_space<vmem>>, vector<1x16xf32>,
      %parallel_loop3A_580 = vector.shape_cast %parallel_loop3A_579 : vector<1x16xf32> to vector<16xf32>
      %parallel_loop3A_581 = arith.cmpf ogt, %parallel_loop3A_580, %parallel_loop3A_548 : vector<16xf32>
      %parallel_loop3A_582 = arith.select %parallel_loop3A_581, %parallel_loop3A_580, %parallel_loop3A_548 : vector<16xi1>, vector<16xf32>
      %parallel_loop3A_583 = arith.select %parallel_loop3A_581, %parallel_loop3A_563, %parallel_loop3A_549 : vector<16xi1>, vector<16xi32>
      %parallel_loop3A_584 = arith.constant 16 : i32
      %parallel_loop3A_585 = arith.muli %parallel_loop3A_545, %parallel_loop3A_584 : i32
      %parallel_loop3A_586 = arith.constant 2 : i32
      %parallel_loop3A_587 = arith.index_cast %parallel_loop3A_586 : i32 to index
      %parallel_loop3A_588 = arith.index_cast %parallel_loop3A_585 : i32 to index
      %parallel_loop3A_589 = tpu.vector_load %arg7[%parallel_loop3A_587, %parallel_loop3A_588] {strides = array<i32>} : memref<8x6400xf32, #tpu.memory_space<vmem>>, vector<1x16xf32>,
      %parallel_loop3A_590 = vector.shape_cast %parallel_loop3A_589 : vector<1x16xf32> to vector<16xf32>
      %parallel_loop3A_591 = arith.cmpf ogt, %parallel_loop3A_590, %parallel_loop3A_550 : vector<16xf32>
      %parallel_loop3A_592 = arith.select %parallel_loop3A_591, %parallel_loop3A_590, %parallel_loop3A_550 : vector<16xi1>, vector<16xf32>
      %parallel_loop3A_593 = arith.select %parallel_loop3A_591, %parallel_loop3A_563, %parallel_loop3A_551 : vector<16xi1>, vector<16xi32>
      %parallel_loop3A_594 = arith.constant 16 : i32
      %parallel_loop3A_595 = arith.muli %parallel_loop3A_545, %parallel_loop3A_594 : i32
      %parallel_loop3A_596 = arith.constant 3 : i32
      %parallel_loop3A_597 = arith.index_cast %parallel_loop3A_596 : i32 to index
      %parallel_loop3A_598 = arith.index_cast %parallel_loop3A_595 : i32 to index
      %parallel_loop3A_599 = tpu.vector_load %arg7[%parallel_loop3A_597, %parallel_loop3A_598] {strides = array<i32>} : memref<8x6400xf32, #tpu.memory_space<vmem>>, vector<1x16xf32>,
      %parallel_loop3A_600 = vector.shape_cast %parallel_loop3A_599 : vector<1x16xf32> to vector<16xf32>
      %parallel_loop3A_601 = arith.cmpf ogt, %parallel_loop3A_600, %parallel_loop3A_552 : vector<16xf32>
      %parallel_loop3A_602 = arith.select %parallel_loop3A_601, %parallel_loop3A_600, %parallel_loop3A_552 : vector<16xi1>, vector<16xf32>
      %parallel_loop3A_603 = arith.select %parallel_loop3A_601, %parallel_loop3A_563, %parallel_loop3A_553 : vector<16xi1>, vector<16xi32>
      %parallel_loop3A_604 = arith.constant 16 : i32
      %parallel_loop3A_605 = arith.muli %parallel_loop3A_545, %parallel_loop3A_604 : i32
      %parallel_loop3A_606 = arith.constant 4 : i32
      %parallel_loop3A_607 = arith.index_cast %parallel_loop3A_606 : i32 to index
      %parallel_loop3A_608 = arith.index_cast %parallel_loop3A_605 : i32 to index
      %parallel_loop3A_609 = tpu.vector_load %arg7[%parallel_loop3A_607, %parallel_loop3A_608] {strides = array<i32>} : memref<8x6400xf32, #tpu.memory_space<vmem>>, vector<1x16xf32>,
      %parallel_loop3A_610 = vector.shape_cast %parallel_loop3A_609 : vector<1x16xf32> to vector<16xf32>
      %parallel_loop3A_611 = arith.cmpf ogt, %parallel_loop3A_610, %parallel_loop3A_554 : vector<16xf32>
      %parallel_loop3A_612 = arith.select %parallel_loop3A_611, %parallel_loop3A_610, %parallel_loop3A_554 : vector<16xi1>, vector<16xf32>
      %parallel_loop3A_613 = arith.select %parallel_loop3A_611, %parallel_loop3A_563, %parallel_loop3A_555 : vector<16xi1>, vector<16xi32>
      %parallel_loop3A_614 = arith.constant 16 : i32
      %parallel_loop3A_615 = arith.muli %parallel_loop3A_545, %parallel_loop3A_614 : i32
      %parallel_loop3A_616 = arith.constant 5 : i32
      %parallel_loop3A_617 = arith.index_cast %parallel_loop3A_616 : i32 to index
      %parallel_loop3A_618 = arith.index_cast %parallel_loop3A_615 : i32 to index
      %parallel_loop3A_619 = tpu.vector_load %arg7[%parallel_loop3A_617, %parallel_loop3A_618] {strides = array<i32>} : memref<8x6400xf32, #tpu.memory_space<vmem>>, vector<1x16xf32>,
      %parallel_loop3A_620 = vector.shape_cast %parallel_loop3A_619 : vector<1x16xf32> to vector<16xf32>
      %parallel_loop3A_621 = arith.cmpf ogt, %parallel_loop3A_620, %parallel_loop3A_556 : vector<16xf32>
      %parallel_loop3A_622 = arith.select %parallel_loop3A_621, %parallel_loop3A_620, %parallel_loop3A_556 : vector<16xi1>, vector<16xf32>
      %parallel_loop3A_623 = arith.select %parallel_loop3A_621, %parallel_loop3A_563, %parallel_loop3A_557 : vector<16xi1>, vector<16xi32>
      %parallel_loop3A_624 = arith.constant 16 : i32
      %parallel_loop3A_625 = arith.muli %parallel_loop3A_545, %parallel_loop3A_624 : i32
      %parallel_loop3A_626 = arith.constant 6 : i32
      %parallel_loop3A_627 = arith.index_cast %parallel_loop3A_626 : i32 to index
      %parallel_loop3A_628 = arith.index_cast %parallel_loop3A_625 : i32 to index
      %parallel_loop3A_629 = tpu.vector_load %arg7[%parallel_loop3A_627, %parallel_loop3A_628] {strides = array<i32>} : memref<8x6400xf32, #tpu.memory_space<vmem>>, vector<1x16xf32>,
      %parallel_loop3A_630 = vector.shape_cast %parallel_loop3A_629 : vector<1x16xf32> to vector<16xf32>
      %parallel_loop3A_631 = arith.cmpf ogt, %parallel_loop3A_630, %parallel_loop3A_558 : vector<16xf32>
      %parallel_loop3A_632 = arith.select %parallel_loop3A_631, %parallel_loop3A_630, %parallel_loop3A_558 : vector<16xi1>, vector<16xf32>
      %parallel_loop3A_633 = arith.select %parallel_loop3A_631, %parallel_loop3A_563, %parallel_loop3A_559 : vector<16xi1>, vector<16xi32>
      %parallel_loop3A_634 = arith.constant 16 : i32
      %parallel_loop3A_635 = arith.muli %parallel_loop3A_545, %parallel_loop3A_634 : i32
      %parallel_loop3A_636 = arith.constant 7 : i32
      %parallel_loop3A_637 = arith.index_cast %parallel_loop3A_636 : i32 to index
      %parallel_loop3A_638 = arith.index_cast %parallel_loop3A_635 : i32 to index
      %parallel_loop3A_639 = tpu.vector_load %arg7[%parallel_loop3A_637, %parallel_loop3A_638] {strides = array<i32>} : memref<8x6400xf32, #tpu.memory_space<vmem>>, vector<1x16xf32>,
      %parallel_loop3A_640 = vector.shape_cast %parallel_loop3A_639 : vector<1x16xf32> to vector<16xf32>
      %parallel_loop3A_641 = arith.cmpf ogt, %parallel_loop3A_640, %parallel_loop3A_560 : vector<16xf32>
      %parallel_loop3A_642 = arith.select %parallel_loop3A_641, %parallel_loop3A_640, %parallel_loop3A_560 : vector<16xi1>, vector<16xf32>
      %parallel_loop3A_643 = arith.select %parallel_loop3A_641, %parallel_loop3A_563, %parallel_loop3A_561 : vector<16xi1>, vector<16xi32>
      scf.yield %parallel_loop3A_572, %parallel_loop3A_573, %parallel_loop3A_582, %parallel_loop3A_583, %parallel_loop3A_592, %parallel_loop3A_593, %parallel_loop3A_602, %parallel_loop3A_603, %parallel_loop3A_612, %parallel_loop3A_613, %parallel_loop3A_622, %parallel_loop3A_623, %parallel_loop3A_632, %parallel_loop3A_633, %parallel_loop3A_642, %parallel_loop3A_643 : vector<16xf32>, vector<16xi32>, vector<16xf32>, vector<16xi32>, vector<16xf32>, vector<16xi32>, vector<16xf32>, vector<16xi32>, vector<16xf32>, vector<16xi32>, vector<16xf32>, vector<16xi32>, vector<16xf32>, vector<16xi32>, vector<16xf32>, vector<16xi32>
    } {sc.loop_unroll_factor = 4 : i64, sc.parallel_access}
    %add3A_124 = arith.constant 51200 : i32
    %add3A_125 = arith.addi %multiple_of3A_38, %add3A_124 : i32
    %multiple_of3A_126 = tpu.assume_multiple %add3A_125, 128 : i32
    %dma_start3A_127 = tpu.memref_slice %arg2[%multiple_of3A, %multiple_of3A_126] : memref<32x1000000xf32, #tpu.memory_space<hbm>> -> memref<8x6400xf32, #tpu.memory_space<hbm>>
    %dma_start3A_128 = tpu.memref_slice %arg2[%multiple_of3A, %multiple_of3A_126] : memref<32x1000000xf32, #tpu.memory_space<hbm>> -> memref<8x6400xf32, #tpu.memory_space<hbm>>
    tpu.enqueue_dma source(%dma_start3A_128 : memref<8x6400xf32, #tpu.memory_space<hbm>>) target(%arg7 : memref<8x6400xf32, #tpu.memory_space<vmem>>) target_semaphore(%arg15 : memref<!tpu.dma_semaphore, #tpu.memory_space<semaphore_mem>>)
    %dma_wait3A_129 = tpu.memref_slice %arg2[%multiple_of3A, %multiple_of3A_114] : memref<32x1000000xf32, #tpu.memory_space<hbm>> -> memref<8x6400xf32, #tpu.memory_space<hbm>>
    %dma_wait3A_130 = tpu.memref_slice %arg2[%multiple_of3A, %multiple_of3A_114] : memref<32x1000000xf32, #tpu.memory_space<hbm>> -> memref<8x6400xf32, #tpu.memory_space<hbm>>
    tpu.wait_dma2 semaphore(%arg16 : memref<!tpu.dma_semaphore, #tpu.memory_space<semaphore_mem>>) src(%dma_wait3A_130 : memref<8x6400xf32, #tpu.memory_space<hbm>>) dst(%arg8 : memref<8x6400xf32, #tpu.memory_space<vmem>>)
    %parallel_loop3A_131 = arith.constant 0 : i32
    %parallel_loop3A_132 = arith.constant 400 : i32
    %parallel_loop3A_133 = arith.constant 1 : i32
    %parallel_loop3A_134 = arith.constant 2800 : i32
    %parallel_loop3A_135:16 = scf.for %parallel_loop3A_545 = %parallel_loop3A_131 to %parallel_loop3A_132 step %parallel_loop3A_133 iter_args(%parallel_loop3A_546 = %parallel_loop3A_123#0, %parallel_loop3A_547 = %parallel_loop3A_123#1, %parallel_loop3A_548 = %parallel_loop3A_123#2, %parallel_loop3A_549 = %parallel_loop3A_123#3, %parallel_loop3A_550 = %parallel_loop3A_123#4, %parallel_loop3A_551 = %parallel_loop3A_123#5, %parallel_loop3A_552 = %parallel_loop3A_123#6, %parallel_loop3A_553 = %parallel_loop3A_123#7, %parallel_loop3A_554 = %parallel_loop3A_123#8, %parallel_loop3A_555 = %parallel_loop3A_123#9, %parallel_loop3A_556 = %parallel_loop3A_123#10, %parallel_loop3A_557 = %parallel_loop3A_123#11, %parallel_loop3A_558 = %parallel_loop3A_123#12, %parallel_loop3A_559 = %parallel_loop3A_123#13, %parallel_loop3A_560 = %parallel_loop3A_123#14, %parallel_loop3A_561 = %parallel_loop3A_123#15) -> (vector<16xf32>, vector<16xi32>, vector<16xf32>, vector<16xi32>, vector<16xf32>, vector<16xi32>, vector<16xf32>, vector<16xi32>, vector<16xf32>, vector<16xi32>, vector<16xf32>, vector<16xi32>, vector<16xf32>, vector<16xi32>, vector<16xf32>, vector<16xi32>)  : i32 {
      %parallel_loop3A_562 = arith.addi %parallel_loop3A_134, %parallel_loop3A_545 : i32
      %parallel_loop3A_563 = vector.broadcast %parallel_loop3A_562 : i32 to vector<16xi32>
      %parallel_loop3A_564 = arith.constant 16 : i32
      %parallel_loop3A_565 = arith.muli %parallel_loop3A_545, %parallel_loop3A_564 : i32
      %parallel_loop3A_566 = arith.constant 0 : i32
      %parallel_loop3A_567 = arith.index_cast %parallel_loop3A_566 : i32 to index
      %parallel_loop3A_568 = arith.index_cast %parallel_loop3A_565 : i32 to index
      %parallel_loop3A_569 = tpu.vector_load %arg8[%parallel_loop3A_567, %parallel_loop3A_568] {strides = array<i32>} : memref<8x6400xf32, #tpu.memory_space<vmem>>, vector<1x16xf32>,
      %parallel_loop3A_570 = vector.shape_cast %parallel_loop3A_569 : vector<1x16xf32> to vector<16xf32>
      %parallel_loop3A_571 = arith.cmpf ogt, %parallel_loop3A_570, %parallel_loop3A_546 : vector<16xf32>
      %parallel_loop3A_572 = arith.select %parallel_loop3A_571, %parallel_loop3A_570, %parallel_loop3A_546 : vector<16xi1>, vector<16xf32>
      %parallel_loop3A_573 = arith.select %parallel_loop3A_571, %parallel_loop3A_563, %parallel_loop3A_547 : vector<16xi1>, vector<16xi32>
      %parallel_loop3A_574 = arith.constant 16 : i32
      %parallel_loop3A_575 = arith.muli %parallel_loop3A_545, %parallel_loop3A_574 : i32
      %parallel_loop3A_576 = arith.constant 1 : i32
      %parallel_loop3A_577 = arith.index_cast %parallel_loop3A_576 : i32 to index
      %parallel_loop3A_578 = arith.index_cast %parallel_loop3A_575 : i32 to index
      %parallel_loop3A_579 = tpu.vector_load %arg8[%parallel_loop3A_577, %parallel_loop3A_578] {strides = array<i32>} : memref<8x6400xf32, #tpu.memory_space<vmem>>, vector<1x16xf32>,
      %parallel_loop3A_580 = vector.shape_cast %parallel_loop3A_579 : vector<1x16xf32> to vector<16xf32>
      %parallel_loop3A_581 = arith.cmpf ogt, %parallel_loop3A_580, %parallel_loop3A_548 : vector<16xf32>
      %parallel_loop3A_582 = arith.select %parallel_loop3A_581, %parallel_loop3A_580, %parallel_loop3A_548 : vector<16xi1>, vector<16xf32>
      %parallel_loop3A_583 = arith.select %parallel_loop3A_581, %parallel_loop3A_563, %parallel_loop3A_549 : vector<16xi1>, vector<16xi32>
      %parallel_loop3A_584 = arith.constant 16 : i32
      %parallel_loop3A_585 = arith.muli %parallel_loop3A_545, %parallel_loop3A_584 : i32
      %parallel_loop3A_586 = arith.constant 2 : i32
      %parallel_loop3A_587 = arith.index_cast %parallel_loop3A_586 : i32 to index
      %parallel_loop3A_588 = arith.index_cast %parallel_loop3A_585 : i32 to index
      %parallel_loop3A_589 = tpu.vector_load %arg8[%parallel_loop3A_587, %parallel_loop3A_588] {strides = array<i32>} : memref<8x6400xf32, #tpu.memory_space<vmem>>, vector<1x16xf32>,
      %parallel_loop3A_590 = vector.shape_cast %parallel_loop3A_589 : vector<1x16xf32> to vector<16xf32>
      %parallel_loop3A_591 = arith.cmpf ogt, %parallel_loop3A_590, %parallel_loop3A_550 : vector<16xf32>
      %parallel_loop3A_592 = arith.select %parallel_loop3A_591, %parallel_loop3A_590, %parallel_loop3A_550 : vector<16xi1>, vector<16xf32>
      %parallel_loop3A_593 = arith.select %parallel_loop3A_591, %parallel_loop3A_563, %parallel_loop3A_551 : vector<16xi1>, vector<16xi32>
      %parallel_loop3A_594 = arith.constant 16 : i32
      %parallel_loop3A_595 = arith.muli %parallel_loop3A_545, %parallel_loop3A_594 : i32
      %parallel_loop3A_596 = arith.constant 3 : i32
      %parallel_loop3A_597 = arith.index_cast %parallel_loop3A_596 : i32 to index
      %parallel_loop3A_598 = arith.index_cast %parallel_loop3A_595 : i32 to index
      %parallel_loop3A_599 = tpu.vector_load %arg8[%parallel_loop3A_597, %parallel_loop3A_598] {strides = array<i32>} : memref<8x6400xf32, #tpu.memory_space<vmem>>, vector<1x16xf32>,
      %parallel_loop3A_600 = vector.shape_cast %parallel_loop3A_599 : vector<1x16xf32> to vector<16xf32>
      %parallel_loop3A_601 = arith.cmpf ogt, %parallel_loop3A_600, %parallel_loop3A_552 : vector<16xf32>
      %parallel_loop3A_602 = arith.select %parallel_loop3A_601, %parallel_loop3A_600, %parallel_loop3A_552 : vector<16xi1>, vector<16xf32>
      %parallel_loop3A_603 = arith.select %parallel_loop3A_601, %parallel_loop3A_563, %parallel_loop3A_553 : vector<16xi1>, vector<16xi32>
      %parallel_loop3A_604 = arith.constant 16 : i32
      %parallel_loop3A_605 = arith.muli %parallel_loop3A_545, %parallel_loop3A_604 : i32
      %parallel_loop3A_606 = arith.constant 4 : i32
      %parallel_loop3A_607 = arith.index_cast %parallel_loop3A_606 : i32 to index
      %parallel_loop3A_608 = arith.index_cast %parallel_loop3A_605 : i32 to index
      %parallel_loop3A_609 = tpu.vector_load %arg8[%parallel_loop3A_607, %parallel_loop3A_608] {strides = array<i32>} : memref<8x6400xf32, #tpu.memory_space<vmem>>, vector<1x16xf32>,
      %parallel_loop3A_610 = vector.shape_cast %parallel_loop3A_609 : vector<1x16xf32> to vector<16xf32>
      %parallel_loop3A_611 = arith.cmpf ogt, %parallel_loop3A_610, %parallel_loop3A_554 : vector<16xf32>
      %parallel_loop3A_612 = arith.select %parallel_loop3A_611, %parallel_loop3A_610, %parallel_loop3A_554 : vector<16xi1>, vector<16xf32>
      %parallel_loop3A_613 = arith.select %parallel_loop3A_611, %parallel_loop3A_563, %parallel_loop3A_555 : vector<16xi1>, vector<16xi32>
      %parallel_loop3A_614 = arith.constant 16 : i32
      %parallel_loop3A_615 = arith.muli %parallel_loop3A_545, %parallel_loop3A_614 : i32
      %parallel_loop3A_616 = arith.constant 5 : i32
      %parallel_loop3A_617 = arith.index_cast %parallel_loop3A_616 : i32 to index
      %parallel_loop3A_618 = arith.index_cast %parallel_loop3A_615 : i32 to index
      %parallel_loop3A_619 = tpu.vector_load %arg8[%parallel_loop3A_617, %parallel_loop3A_618] {strides = array<i32>} : memref<8x6400xf32, #tpu.memory_space<vmem>>, vector<1x16xf32>,
      %parallel_loop3A_620 = vector.shape_cast %parallel_loop3A_619 : vector<1x16xf32> to vector<16xf32>
      %parallel_loop3A_621 = arith.cmpf ogt, %parallel_loop3A_620, %parallel_loop3A_556 : vector<16xf32>
      %parallel_loop3A_622 = arith.select %parallel_loop3A_621, %parallel_loop3A_620, %parallel_loop3A_556 : vector<16xi1>, vector<16xf32>
      %parallel_loop3A_623 = arith.select %parallel_loop3A_621, %parallel_loop3A_563, %parallel_loop3A_557 : vector<16xi1>, vector<16xi32>
      %parallel_loop3A_624 = arith.constant 16 : i32
      %parallel_loop3A_625 = arith.muli %parallel_loop3A_545, %parallel_loop3A_624 : i32
      %parallel_loop3A_626 = arith.constant 6 : i32
      %parallel_loop3A_627 = arith.index_cast %parallel_loop3A_626 : i32 to index
      %parallel_loop3A_628 = arith.index_cast %parallel_loop3A_625 : i32 to index
      %parallel_loop3A_629 = tpu.vector_load %arg8[%parallel_loop3A_627, %parallel_loop3A_628] {strides = array<i32>} : memref<8x6400xf32, #tpu.memory_space<vmem>>, vector<1x16xf32>,
      %parallel_loop3A_630 = vector.shape_cast %parallel_loop3A_629 : vector<1x16xf32> to vector<16xf32>
      %parallel_loop3A_631 = arith.cmpf ogt, %parallel_loop3A_630, %parallel_loop3A_558 : vector<16xf32>
      %parallel_loop3A_632 = arith.select %parallel_loop3A_631, %parallel_loop3A_630, %parallel_loop3A_558 : vector<16xi1>, vector<16xf32>
      %parallel_loop3A_633 = arith.select %parallel_loop3A_631, %parallel_loop3A_563, %parallel_loop3A_559 : vector<16xi1>, vector<16xi32>
      %parallel_loop3A_634 = arith.constant 16 : i32
      %parallel_loop3A_635 = arith.muli %parallel_loop3A_545, %parallel_loop3A_634 : i32
      %parallel_loop3A_636 = arith.constant 7 : i32
      %parallel_loop3A_637 = arith.index_cast %parallel_loop3A_636 : i32 to index
      %parallel_loop3A_638 = arith.index_cast %parallel_loop3A_635 : i32 to index
      %parallel_loop3A_639 = tpu.vector_load %arg8[%parallel_loop3A_637, %parallel_loop3A_638] {strides = array<i32>} : memref<8x6400xf32, #tpu.memory_space<vmem>>, vector<1x16xf32>,
      %parallel_loop3A_640 = vector.shape_cast %parallel_loop3A_639 : vector<1x16xf32> to vector<16xf32>
      %parallel_loop3A_641 = arith.cmpf ogt, %parallel_loop3A_640, %parallel_loop3A_560 : vector<16xf32>
      %parallel_loop3A_642 = arith.select %parallel_loop3A_641, %parallel_loop3A_640, %parallel_loop3A_560 : vector<16xi1>, vector<16xf32>
      %parallel_loop3A_643 = arith.select %parallel_loop3A_641, %parallel_loop3A_563, %parallel_loop3A_561 : vector<16xi1>, vector<16xi32>
      scf.yield %parallel_loop3A_572, %parallel_loop3A_573, %parallel_loop3A_582, %parallel_loop3A_583, %parallel_loop3A_592, %parallel_loop3A_593, %parallel_loop3A_602, %parallel_loop3A_603, %parallel_loop3A_612, %parallel_loop3A_613, %parallel_loop3A_622, %parallel_loop3A_623, %parallel_loop3A_632, %parallel_loop3A_633, %parallel_loop3A_642, %parallel_loop3A_643 : vector<16xf32>, vector<16xi32>, vector<16xf32>, vector<16xi32>, vector<16xf32>, vector<16xi32>, vector<16xf32>, vector<16xi32>, vector<16xf32>, vector<16xi32>, vector<16xf32>, vector<16xi32>, vector<16xf32>, vector<16xi32>, vector<16xf32>, vector<16xi32>
    } {sc.loop_unroll_factor = 4 : i64, sc.parallel_access}
    %add3A_136 = arith.constant 57600 : i32
    %add3A_137 = arith.addi %multiple_of3A_38, %add3A_136 : i32
    %multiple_of3A_138 = tpu.assume_multiple %add3A_137, 128 : i32
    %dma_start3A_139 = tpu.memref_slice %arg2[%multiple_of3A, %multiple_of3A_138] : memref<32x1000000xf32, #tpu.memory_space<hbm>> -> memref<8x6400xf32, #tpu.memory_space<hbm>>
    %dma_start3A_140 = tpu.memref_slice %arg2[%multiple_of3A, %multiple_of3A_138] : memref<32x1000000xf32, #tpu.memory_space<hbm>> -> memref<8x6400xf32, #tpu.memory_space<hbm>>
    tpu.enqueue_dma source(%dma_start3A_140 : memref<8x6400xf32, #tpu.memory_space<hbm>>) target(%arg8 : memref<8x6400xf32, #tpu.memory_space<vmem>>) target_semaphore(%arg16 : memref<!tpu.dma_semaphore, #tpu.memory_space<semaphore_mem>>)
    %dma_wait3A_141 = tpu.memref_slice %arg2[%multiple_of3A, %multiple_of3A_126] : memref<32x1000000xf32, #tpu.memory_space<hbm>> -> memref<8x6400xf32, #tpu.memory_space<hbm>>
    %dma_wait3A_142 = tpu.memref_slice %arg2[%multiple_of3A, %multiple_of3A_126] : memref<32x1000000xf32, #tpu.memory_space<hbm>> -> memref<8x6400xf32, #tpu.memory_space<hbm>>
    tpu.wait_dma2 semaphore(%arg15 : memref<!tpu.dma_semaphore, #tpu.memory_space<semaphore_mem>>) src(%dma_wait3A_142 : memref<8x6400xf32, #tpu.memory_space<hbm>>) dst(%arg7 : memref<8x6400xf32, #tpu.memory_space<vmem>>)
    %parallel_loop3A_143 = arith.constant 0 : i32
    %parallel_loop3A_144 = arith.constant 400 : i32
    %parallel_loop3A_145 = arith.constant 1 : i32
    %parallel_loop3A_146 = arith.constant 3200 : i32
    %parallel_loop3A_147:16 = scf.for %parallel_loop3A_545 = %parallel_loop3A_143 to %parallel_loop3A_144 step %parallel_loop3A_145 iter_args(%parallel_loop3A_546 = %parallel_loop3A_135#0, %parallel_loop3A_547 = %parallel_loop3A_135#1, %parallel_loop3A_548 = %parallel_loop3A_135#2, %parallel_loop3A_549 = %parallel_loop3A_135#3, %parallel_loop3A_550 = %parallel_loop3A_135#4, %parallel_loop3A_551 = %parallel_loop3A_135#5, %parallel_loop3A_552 = %parallel_loop3A_135#6, %parallel_loop3A_553 = %parallel_loop3A_135#7, %parallel_loop3A_554 = %parallel_loop3A_135#8, %parallel_loop3A_555 = %parallel_loop3A_135#9, %parallel_loop3A_556 = %parallel_loop3A_135#10, %parallel_loop3A_557 = %parallel_loop3A_135#11, %parallel_loop3A_558 = %parallel_loop3A_135#12, %parallel_loop3A_559 = %parallel_loop3A_135#13, %parallel_loop3A_560 = %parallel_loop3A_135#14, %parallel_loop3A_561 = %parallel_loop3A_135#15) -> (vector<16xf32>, vector<16xi32>, vector<16xf32>, vector<16xi32>, vector<16xf32>, vector<16xi32>, vector<16xf32>, vector<16xi32>, vector<16xf32>, vector<16xi32>, vector<16xf32>, vector<16xi32>, vector<16xf32>, vector<16xi32>, vector<16xf32>, vector<16xi32>)  : i32 {
      %parallel_loop3A_562 = arith.addi %parallel_loop3A_146, %parallel_loop3A_545 : i32
      %parallel_loop3A_563 = vector.broadcast %parallel_loop3A_562 : i32 to vector<16xi32>
      %parallel_loop3A_564 = arith.constant 16 : i32
      %parallel_loop3A_565 = arith.muli %parallel_loop3A_545, %parallel_loop3A_564 : i32
      %parallel_loop3A_566 = arith.constant 0 : i32
      %parallel_loop3A_567 = arith.index_cast %parallel_loop3A_566 : i32 to index
      %parallel_loop3A_568 = arith.index_cast %parallel_loop3A_565 : i32 to index
      %parallel_loop3A_569 = tpu.vector_load %arg7[%parallel_loop3A_567, %parallel_loop3A_568] {strides = array<i32>} : memref<8x6400xf32, #tpu.memory_space<vmem>>, vector<1x16xf32>,
      %parallel_loop3A_570 = vector.shape_cast %parallel_loop3A_569 : vector<1x16xf32> to vector<16xf32>
      %parallel_loop3A_571 = arith.cmpf ogt, %parallel_loop3A_570, %parallel_loop3A_546 : vector<16xf32>
      %parallel_loop3A_572 = arith.select %parallel_loop3A_571, %parallel_loop3A_570, %parallel_loop3A_546 : vector<16xi1>, vector<16xf32>
      %parallel_loop3A_573 = arith.select %parallel_loop3A_571, %parallel_loop3A_563, %parallel_loop3A_547 : vector<16xi1>, vector<16xi32>
      %parallel_loop3A_574 = arith.constant 16 : i32
      %parallel_loop3A_575 = arith.muli %parallel_loop3A_545, %parallel_loop3A_574 : i32
      %parallel_loop3A_576 = arith.constant 1 : i32
      %parallel_loop3A_577 = arith.index_cast %parallel_loop3A_576 : i32 to index
      %parallel_loop3A_578 = arith.index_cast %parallel_loop3A_575 : i32 to index
      %parallel_loop3A_579 = tpu.vector_load %arg7[%parallel_loop3A_577, %parallel_loop3A_578] {strides = array<i32>} : memref<8x6400xf32, #tpu.memory_space<vmem>>, vector<1x16xf32>,
      %parallel_loop3A_580 = vector.shape_cast %parallel_loop3A_579 : vector<1x16xf32> to vector<16xf32>
      %parallel_loop3A_581 = arith.cmpf ogt, %parallel_loop3A_580, %parallel_loop3A_548 : vector<16xf32>
      %parallel_loop3A_582 = arith.select %parallel_loop3A_581, %parallel_loop3A_580, %parallel_loop3A_548 : vector<16xi1>, vector<16xf32>
      %parallel_loop3A_583 = arith.select %parallel_loop3A_581, %parallel_loop3A_563, %parallel_loop3A_549 : vector<16xi1>, vector<16xi32>
      %parallel_loop3A_584 = arith.constant 16 : i32
      %parallel_loop3A_585 = arith.muli %parallel_loop3A_545, %parallel_loop3A_584 : i32
      %parallel_loop3A_586 = arith.constant 2 : i32
      %parallel_loop3A_587 = arith.index_cast %parallel_loop3A_586 : i32 to index
      %parallel_loop3A_588 = arith.index_cast %parallel_loop3A_585 : i32 to index
      %parallel_loop3A_589 = tpu.vector_load %arg7[%parallel_loop3A_587, %parallel_loop3A_588] {strides = array<i32>} : memref<8x6400xf32, #tpu.memory_space<vmem>>, vector<1x16xf32>,
      %parallel_loop3A_590 = vector.shape_cast %parallel_loop3A_589 : vector<1x16xf32> to vector<16xf32>
      %parallel_loop3A_591 = arith.cmpf ogt, %parallel_loop3A_590, %parallel_loop3A_550 : vector<16xf32>
      %parallel_loop3A_592 = arith.select %parallel_loop3A_591, %parallel_loop3A_590, %parallel_loop3A_550 : vector<16xi1>, vector<16xf32>
      %parallel_loop3A_593 = arith.select %parallel_loop3A_591, %parallel_loop3A_563, %parallel_loop3A_551 : vector<16xi1>, vector<16xi32>
      %parallel_loop3A_594 = arith.constant 16 : i32
      %parallel_loop3A_595 = arith.muli %parallel_loop3A_545, %parallel_loop3A_594 : i32
      %parallel_loop3A_596 = arith.constant 3 : i32
      %parallel_loop3A_597 = arith.index_cast %parallel_loop3A_596 : i32 to index
      %parallel_loop3A_598 = arith.index_cast %parallel_loop3A_595 : i32 to index
      %parallel_loop3A_599 = tpu.vector_load %arg7[%parallel_loop3A_597, %parallel_loop3A_598] {strides = array<i32>} : memref<8x6400xf32, #tpu.memory_space<vmem>>, vector<1x16xf32>,
      %parallel_loop3A_600 = vector.shape_cast %parallel_loop3A_599 : vector<1x16xf32> to vector<16xf32>
      %parallel_loop3A_601 = arith.cmpf ogt, %parallel_loop3A_600, %parallel_loop3A_552 : vector<16xf32>
      %parallel_loop3A_602 = arith.select %parallel_loop3A_601, %parallel_loop3A_600, %parallel_loop3A_552 : vector<16xi1>, vector<16xf32>
      %parallel_loop3A_603 = arith.select %parallel_loop3A_601, %parallel_loop3A_563, %parallel_loop3A_553 : vector<16xi1>, vector<16xi32>
      %parallel_loop3A_604 = arith.constant 16 : i32
      %parallel_loop3A_605 = arith.muli %parallel_loop3A_545, %parallel_loop3A_604 : i32
      %parallel_loop3A_606 = arith.constant 4 : i32
      %parallel_loop3A_607 = arith.index_cast %parallel_loop3A_606 : i32 to index
      %parallel_loop3A_608 = arith.index_cast %parallel_loop3A_605 : i32 to index
      %parallel_loop3A_609 = tpu.vector_load %arg7[%parallel_loop3A_607, %parallel_loop3A_608] {strides = array<i32>} : memref<8x6400xf32, #tpu.memory_space<vmem>>, vector<1x16xf32>,
      %parallel_loop3A_610 = vector.shape_cast %parallel_loop3A_609 : vector<1x16xf32> to vector<16xf32>
      %parallel_loop3A_611 = arith.cmpf ogt, %parallel_loop3A_610, %parallel_loop3A_554 : vector<16xf32>
      %parallel_loop3A_612 = arith.select %parallel_loop3A_611, %parallel_loop3A_610, %parallel_loop3A_554 : vector<16xi1>, vector<16xf32>
      %parallel_loop3A_613 = arith.select %parallel_loop3A_611, %parallel_loop3A_563, %parallel_loop3A_555 : vector<16xi1>, vector<16xi32>
      %parallel_loop3A_614 = arith.constant 16 : i32
      %parallel_loop3A_615 = arith.muli %parallel_loop3A_545, %parallel_loop3A_614 : i32
      %parallel_loop3A_616 = arith.constant 5 : i32
      %parallel_loop3A_617 = arith.index_cast %parallel_loop3A_616 : i32 to index
      %parallel_loop3A_618 = arith.index_cast %parallel_loop3A_615 : i32 to index
      %parallel_loop3A_619 = tpu.vector_load %arg7[%parallel_loop3A_617, %parallel_loop3A_618] {strides = array<i32>} : memref<8x6400xf32, #tpu.memory_space<vmem>>, vector<1x16xf32>,
      %parallel_loop3A_620 = vector.shape_cast %parallel_loop3A_619 : vector<1x16xf32> to vector<16xf32>
      %parallel_loop3A_621 = arith.cmpf ogt, %parallel_loop3A_620, %parallel_loop3A_556 : vector<16xf32>
      %parallel_loop3A_622 = arith.select %parallel_loop3A_621, %parallel_loop3A_620, %parallel_loop3A_556 : vector<16xi1>, vector<16xf32>
      %parallel_loop3A_623 = arith.select %parallel_loop3A_621, %parallel_loop3A_563, %parallel_loop3A_557 : vector<16xi1>, vector<16xi32>
      %parallel_loop3A_624 = arith.constant 16 : i32
      %parallel_loop3A_625 = arith.muli %parallel_loop3A_545, %parallel_loop3A_624 : i32
      %parallel_loop3A_626 = arith.constant 6 : i32
      %parallel_loop3A_627 = arith.index_cast %parallel_loop3A_626 : i32 to index
      %parallel_loop3A_628 = arith.index_cast %parallel_loop3A_625 : i32 to index
      %parallel_loop3A_629 = tpu.vector_load %arg7[%parallel_loop3A_627, %parallel_loop3A_628] {strides = array<i32>} : memref<8x6400xf32, #tpu.memory_space<vmem>>, vector<1x16xf32>,
      %parallel_loop3A_630 = vector.shape_cast %parallel_loop3A_629 : vector<1x16xf32> to vector<16xf32>
      %parallel_loop3A_631 = arith.cmpf ogt, %parallel_loop3A_630, %parallel_loop3A_558 : vector<16xf32>
      %parallel_loop3A_632 = arith.select %parallel_loop3A_631, %parallel_loop3A_630, %parallel_loop3A_558 : vector<16xi1>, vector<16xf32>
      %parallel_loop3A_633 = arith.select %parallel_loop3A_631, %parallel_loop3A_563, %parallel_loop3A_559 : vector<16xi1>, vector<16xi32>
      %parallel_loop3A_634 = arith.constant 16 : i32
      %parallel_loop3A_635 = arith.muli %parallel_loop3A_545, %parallel_loop3A_634 : i32
      %parallel_loop3A_636 = arith.constant 7 : i32
      %parallel_loop3A_637 = arith.index_cast %parallel_loop3A_636 : i32 to index
      %parallel_loop3A_638 = arith.index_cast %parallel_loop3A_635 : i32 to index
      %parallel_loop3A_639 = tpu.vector_load %arg7[%parallel_loop3A_637, %parallel_loop3A_638] {strides = array<i32>} : memref<8x6400xf32, #tpu.memory_space<vmem>>, vector<1x16xf32>,
      %parallel_loop3A_640 = vector.shape_cast %parallel_loop3A_639 : vector<1x16xf32> to vector<16xf32>
      %parallel_loop3A_641 = arith.cmpf ogt, %parallel_loop3A_640, %parallel_loop3A_560 : vector<16xf32>
      %parallel_loop3A_642 = arith.select %parallel_loop3A_641, %parallel_loop3A_640, %parallel_loop3A_560 : vector<16xi1>, vector<16xf32>
      %parallel_loop3A_643 = arith.select %parallel_loop3A_641, %parallel_loop3A_563, %parallel_loop3A_561 : vector<16xi1>, vector<16xi32>
      scf.yield %parallel_loop3A_572, %parallel_loop3A_573, %parallel_loop3A_582, %parallel_loop3A_583, %parallel_loop3A_592, %parallel_loop3A_593, %parallel_loop3A_602, %parallel_loop3A_603, %parallel_loop3A_612, %parallel_loop3A_613, %parallel_loop3A_622, %parallel_loop3A_623, %parallel_loop3A_632, %parallel_loop3A_633, %parallel_loop3A_642, %parallel_loop3A_643 : vector<16xf32>, vector<16xi32>, vector<16xf32>, vector<16xi32>, vector<16xf32>, vector<16xi32>, vector<16xf32>, vector<16xi32>, vector<16xf32>, vector<16xi32>, vector<16xf32>, vector<16xi32>, vector<16xf32>, vector<16xi32>, vector<16xf32>, vector<16xi32>
    } {sc.loop_unroll_factor = 4 : i64, sc.parallel_access}
    %add3A_148 = arith.constant 64000 : i32
    %add3A_149 = arith.addi %multiple_of3A_38, %add3A_148 : i32
    %multiple_of3A_150 = tpu.assume_multiple %add3A_149, 128 : i32
    %dma_start3A_151 = tpu.memref_slice %arg2[%multiple_of3A, %multiple_of3A_150] : memref<32x1000000xf32, #tpu.memory_space<hbm>> -> memref<8x6400xf32, #tpu.memory_space<hbm>>
    %dma_start3A_152 = tpu.memref_slice %arg2[%multiple_of3A, %multiple_of3A_150] : memref<32x1000000xf32, #tpu.memory_space<hbm>> -> memref<8x6400xf32, #tpu.memory_space<hbm>>
    tpu.enqueue_dma source(%dma_start3A_152 : memref<8x6400xf32, #tpu.memory_space<hbm>>) target(%arg7 : memref<8x6400xf32, #tpu.memory_space<vmem>>) target_semaphore(%arg15 : memref<!tpu.dma_semaphore, #tpu.memory_space<semaphore_mem>>)
    %dma_wait3A_153 = tpu.memref_slice %arg2[%multiple_of3A, %multiple_of3A_138] : memref<32x1000000xf32, #tpu.memory_space<hbm>> -> memref<8x6400xf32, #tpu.memory_space<hbm>>
    %dma_wait3A_154 = tpu.memref_slice %arg2[%multiple_of3A, %multiple_of3A_138] : memref<32x1000000xf32, #tpu.memory_space<hbm>> -> memref<8x6400xf32, #tpu.memory_space<hbm>>
    tpu.wait_dma2 semaphore(%arg16 : memref<!tpu.dma_semaphore, #tpu.memory_space<semaphore_mem>>) src(%dma_wait3A_154 : memref<8x6400xf32, #tpu.memory_space<hbm>>) dst(%arg8 : memref<8x6400xf32, #tpu.memory_space<vmem>>)
    %parallel_loop3A_155 = arith.constant 0 : i32
    %parallel_loop3A_156 = arith.constant 400 : i32
    %parallel_loop3A_157 = arith.constant 1 : i32
    %parallel_loop3A_158 = arith.constant 3600 : i32
    %parallel_loop3A_159:16 = scf.for %parallel_loop3A_545 = %parallel_loop3A_155 to %parallel_loop3A_156 step %parallel_loop3A_157 iter_args(%parallel_loop3A_546 = %parallel_loop3A_147#0, %parallel_loop3A_547 = %parallel_loop3A_147#1, %parallel_loop3A_548 = %parallel_loop3A_147#2, %parallel_loop3A_549 = %parallel_loop3A_147#3, %parallel_loop3A_550 = %parallel_loop3A_147#4, %parallel_loop3A_551 = %parallel_loop3A_147#5, %parallel_loop3A_552 = %parallel_loop3A_147#6, %parallel_loop3A_553 = %parallel_loop3A_147#7, %parallel_loop3A_554 = %parallel_loop3A_147#8, %parallel_loop3A_555 = %parallel_loop3A_147#9, %parallel_loop3A_556 = %parallel_loop3A_147#10, %parallel_loop3A_557 = %parallel_loop3A_147#11, %parallel_loop3A_558 = %parallel_loop3A_147#12, %parallel_loop3A_559 = %parallel_loop3A_147#13, %parallel_loop3A_560 = %parallel_loop3A_147#14, %parallel_loop3A_561 = %parallel_loop3A_147#15) -> (vector<16xf32>, vector<16xi32>, vector<16xf32>, vector<16xi32>, vector<16xf32>, vector<16xi32>, vector<16xf32>, vector<16xi32>, vector<16xf32>, vector<16xi32>, vector<16xf32>, vector<16xi32>, vector<16xf32>, vector<16xi32>, vector<16xf32>, vector<16xi32>)  : i32 {
      %parallel_loop3A_562 = arith.addi %parallel_loop3A_158, %parallel_loop3A_545 : i32
      %parallel_loop3A_563 = vector.broadcast %parallel_loop3A_562 : i32 to vector<16xi32>
      %parallel_loop3A_564 = arith.constant 16 : i32
      %parallel_loop3A_565 = arith.muli %parallel_loop3A_545, %parallel_loop3A_564 : i32
      %parallel_loop3A_566 = arith.constant 0 : i32
      %parallel_loop3A_567 = arith.index_cast %parallel_loop3A_566 : i32 to index
      %parallel_loop3A_568 = arith.index_cast %parallel_loop3A_565 : i32 to index
      %parallel_loop3A_569 = tpu.vector_load %arg8[%parallel_loop3A_567, %parallel_loop3A_568] {strides = array<i32>} : memref<8x6400xf32, #tpu.memory_space<vmem>>, vector<1x16xf32>,
      %parallel_loop3A_570 = vector.shape_cast %parallel_loop3A_569 : vector<1x16xf32> to vector<16xf32>
      %parallel_loop3A_571 = arith.cmpf ogt, %parallel_loop3A_570, %parallel_loop3A_546 : vector<16xf32>
      %parallel_loop3A_572 = arith.select %parallel_loop3A_571, %parallel_loop3A_570, %parallel_loop3A_546 : vector<16xi1>, vector<16xf32>
      %parallel_loop3A_573 = arith.select %parallel_loop3A_571, %parallel_loop3A_563, %parallel_loop3A_547 : vector<16xi1>, vector<16xi32>
      %parallel_loop3A_574 = arith.constant 16 : i32
      %parallel_loop3A_575 = arith.muli %parallel_loop3A_545, %parallel_loop3A_574 : i32
      %parallel_loop3A_576 = arith.constant 1 : i32
      %parallel_loop3A_577 = arith.index_cast %parallel_loop3A_576 : i32 to index
      %parallel_loop3A_578 = arith.index_cast %parallel_loop3A_575 : i32 to index
      %parallel_loop3A_579 = tpu.vector_load %arg8[%parallel_loop3A_577, %parallel_loop3A_578] {strides = array<i32>} : memref<8x6400xf32, #tpu.memory_space<vmem>>, vector<1x16xf32>,
      %parallel_loop3A_580 = vector.shape_cast %parallel_loop3A_579 : vector<1x16xf32> to vector<16xf32>
      %parallel_loop3A_581 = arith.cmpf ogt, %parallel_loop3A_580, %parallel_loop3A_548 : vector<16xf32>
      %parallel_loop3A_582 = arith.select %parallel_loop3A_581, %parallel_loop3A_580, %parallel_loop3A_548 : vector<16xi1>, vector<16xf32>
      %parallel_loop3A_583 = arith.select %parallel_loop3A_581, %parallel_loop3A_563, %parallel_loop3A_549 : vector<16xi1>, vector<16xi32>
      %parallel_loop3A_584 = arith.constant 16 : i32
      %parallel_loop3A_585 = arith.muli %parallel_loop3A_545, %parallel_loop3A_584 : i32
      %parallel_loop3A_586 = arith.constant 2 : i32
      %parallel_loop3A_587 = arith.index_cast %parallel_loop3A_586 : i32 to index
      %parallel_loop3A_588 = arith.index_cast %parallel_loop3A_585 : i32 to index
      %parallel_loop3A_589 = tpu.vector_load %arg8[%parallel_loop3A_587, %parallel_loop3A_588] {strides = array<i32>} : memref<8x6400xf32, #tpu.memory_space<vmem>>, vector<1x16xf32>,
      %parallel_loop3A_590 = vector.shape_cast %parallel_loop3A_589 : vector<1x16xf32> to vector<16xf32>
      %parallel_loop3A_591 = arith.cmpf ogt, %parallel_loop3A_590, %parallel_loop3A_550 : vector<16xf32>
      %parallel_loop3A_592 = arith.select %parallel_loop3A_591, %parallel_loop3A_590, %parallel_loop3A_550 : vector<16xi1>, vector<16xf32>
      %parallel_loop3A_593 = arith.select %parallel_loop3A_591, %parallel_loop3A_563, %parallel_loop3A_551 : vector<16xi1>, vector<16xi32>
      %parallel_loop3A_594 = arith.constant 16 : i32
      %parallel_loop3A_595 = arith.muli %parallel_loop3A_545, %parallel_loop3A_594 : i32
      %parallel_loop3A_596 = arith.constant 3 : i32
      %parallel_loop3A_597 = arith.index_cast %parallel_loop3A_596 : i32 to index
      %parallel_loop3A_598 = arith.index_cast %parallel_loop3A_595 : i32 to index
      %parallel_loop3A_599 = tpu.vector_load %arg8[%parallel_loop3A_597, %parallel_loop3A_598] {strides = array<i32>} : memref<8x6400xf32, #tpu.memory_space<vmem>>, vector<1x16xf32>,
      %parallel_loop3A_600 = vector.shape_cast %parallel_loop3A_599 : vector<1x16xf32> to vector<16xf32>
      %parallel_loop3A_601 = arith.cmpf ogt, %parallel_loop3A_600, %parallel_loop3A_552 : vector<16xf32>
      %parallel_loop3A_602 = arith.select %parallel_loop3A_601, %parallel_loop3A_600, %parallel_loop3A_552 : vector<16xi1>, vector<16xf32>
      %parallel_loop3A_603 = arith.select %parallel_loop3A_601, %parallel_loop3A_563, %parallel_loop3A_553 : vector<16xi1>, vector<16xi32>
      %parallel_loop3A_604 = arith.constant 16 : i32
      %parallel_loop3A_605 = arith.muli %parallel_loop3A_545, %parallel_loop3A_604 : i32
      %parallel_loop3A_606 = arith.constant 4 : i32
      %parallel_loop3A_607 = arith.index_cast %parallel_loop3A_606 : i32 to index
      %parallel_loop3A_608 = arith.index_cast %parallel_loop3A_605 : i32 to index
      %parallel_loop3A_609 = tpu.vector_load %arg8[%parallel_loop3A_607, %parallel_loop3A_608] {strides = array<i32>} : memref<8x6400xf32, #tpu.memory_space<vmem>>, vector<1x16xf32>,
      %parallel_loop3A_610 = vector.shape_cast %parallel_loop3A_609 : vector<1x16xf32> to vector<16xf32>
      %parallel_loop3A_611 = arith.cmpf ogt, %parallel_loop3A_610, %parallel_loop3A_554 : vector<16xf32>
      %parallel_loop3A_612 = arith.select %parallel_loop3A_611, %parallel_loop3A_610, %parallel_loop3A_554 : vector<16xi1>, vector<16xf32>
      %parallel_loop3A_613 = arith.select %parallel_loop3A_611, %parallel_loop3A_563, %parallel_loop3A_555 : vector<16xi1>, vector<16xi32>
      %parallel_loop3A_614 = arith.constant 16 : i32
      %parallel_loop3A_615 = arith.muli %parallel_loop3A_545, %parallel_loop3A_614 : i32
      %parallel_loop3A_616 = arith.constant 5 : i32
      %parallel_loop3A_617 = arith.index_cast %parallel_loop3A_616 : i32 to index
      %parallel_loop3A_618 = arith.index_cast %parallel_loop3A_615 : i32 to index
      %parallel_loop3A_619 = tpu.vector_load %arg8[%parallel_loop3A_617, %parallel_loop3A_618] {strides = array<i32>} : memref<8x6400xf32, #tpu.memory_space<vmem>>, vector<1x16xf32>,
      %parallel_loop3A_620 = vector.shape_cast %parallel_loop3A_619 : vector<1x16xf32> to vector<16xf32>
      %parallel_loop3A_621 = arith.cmpf ogt, %parallel_loop3A_620, %parallel_loop3A_556 : vector<16xf32>
      %parallel_loop3A_622 = arith.select %parallel_loop3A_621, %parallel_loop3A_620, %parallel_loop3A_556 : vector<16xi1>, vector<16xf32>
      %parallel_loop3A_623 = arith.select %parallel_loop3A_621, %parallel_loop3A_563, %parallel_loop3A_557 : vector<16xi1>, vector<16xi32>
      %parallel_loop3A_624 = arith.constant 16 : i32
      %parallel_loop3A_625 = arith.muli %parallel_loop3A_545, %parallel_loop3A_624 : i32
      %parallel_loop3A_626 = arith.constant 6 : i32
      %parallel_loop3A_627 = arith.index_cast %parallel_loop3A_626 : i32 to index
      %parallel_loop3A_628 = arith.index_cast %parallel_loop3A_625 : i32 to index
      %parallel_loop3A_629 = tpu.vector_load %arg8[%parallel_loop3A_627, %parallel_loop3A_628] {strides = array<i32>} : memref<8x6400xf32, #tpu.memory_space<vmem>>, vector<1x16xf32>,
      %parallel_loop3A_630 = vector.shape_cast %parallel_loop3A_629 : vector<1x16xf32> to vector<16xf32>
      %parallel_loop3A_631 = arith.cmpf ogt, %parallel_loop3A_630, %parallel_loop3A_558 : vector<16xf32>
      %parallel_loop3A_632 = arith.select %parallel_loop3A_631, %parallel_loop3A_630, %parallel_loop3A_558 : vector<16xi1>, vector<16xf32>
      %parallel_loop3A_633 = arith.select %parallel_loop3A_631, %parallel_loop3A_563, %parallel_loop3A_559 : vector<16xi1>, vector<16xi32>
      %parallel_loop3A_634 = arith.constant 16 : i32
      %parallel_loop3A_635 = arith.muli %parallel_loop3A_545, %parallel_loop3A_634 : i32
      %parallel_loop3A_636 = arith.constant 7 : i32
      %parallel_loop3A_637 = arith.index_cast %parallel_loop3A_636 : i32 to index
      %parallel_loop3A_638 = arith.index_cast %parallel_loop3A_635 : i32 to index
      %parallel_loop3A_639 = tpu.vector_load %arg8[%parallel_loop3A_637, %parallel_loop3A_638] {strides = array<i32>} : memref<8x6400xf32, #tpu.memory_space<vmem>>, vector<1x16xf32>,
      %parallel_loop3A_640 = vector.shape_cast %parallel_loop3A_639 : vector<1x16xf32> to vector<16xf32>
      %parallel_loop3A_641 = arith.cmpf ogt, %parallel_loop3A_640, %parallel_loop3A_560 : vector<16xf32>
      %parallel_loop3A_642 = arith.select %parallel_loop3A_641, %parallel_loop3A_640, %parallel_loop3A_560 : vector<16xi1>, vector<16xf32>
      %parallel_loop3A_643 = arith.select %parallel_loop3A_641, %parallel_loop3A_563, %parallel_loop3A_561 : vector<16xi1>, vector<16xi32>
      scf.yield %parallel_loop3A_572, %parallel_loop3A_573, %parallel_loop3A_582, %parallel_loop3A_583, %parallel_loop3A_592, %parallel_loop3A_593, %parallel_loop3A_602, %parallel_loop3A_603, %parallel_loop3A_612, %parallel_loop3A_613, %parallel_loop3A_622, %parallel_loop3A_623, %parallel_loop3A_632, %parallel_loop3A_633, %parallel_loop3A_642, %parallel_loop3A_643 : vector<16xf32>, vector<16xi32>, vector<16xf32>, vector<16xi32>, vector<16xf32>, vector<16xi32>, vector<16xf32>, vector<16xi32>, vector<16xf32>, vector<16xi32>, vector<16xf32>, vector<16xi32>, vector<16xf32>, vector<16xi32>, vector<16xf32>, vector<16xi32>
    } {sc.loop_unroll_factor = 4 : i64, sc.parallel_access}
    %add3A_160 = arith.constant 70400 : i32
    %add3A_161 = arith.addi %multiple_of3A_38, %add3A_160 : i32
    %multiple_of3A_162 = tpu.assume_multiple %add3A_161, 128 : i32
    %dma_start3A_163 = tpu.memref_slice %arg2[%multiple_of3A, %multiple_of3A_162] : memref<32x1000000xf32, #tpu.memory_space<hbm>> -> memref<8x6400xf32, #tpu.memory_space<hbm>>
    %dma_start3A_164 = tpu.memref_slice %arg2[%multiple_of3A, %multiple_of3A_162] : memref<32x1000000xf32, #tpu.memory_space<hbm>> -> memref<8x6400xf32, #tpu.memory_space<hbm>>
    tpu.enqueue_dma source(%dma_start3A_164 : memref<8x6400xf32, #tpu.memory_space<hbm>>) target(%arg8 : memref<8x6400xf32, #tpu.memory_space<vmem>>) target_semaphore(%arg16 : memref<!tpu.dma_semaphore, #tpu.memory_space<semaphore_mem>>)
    %dma_wait3A_165 = tpu.memref_slice %arg2[%multiple_of3A, %multiple_of3A_150] : memref<32x1000000xf32, #tpu.memory_space<hbm>> -> memref<8x6400xf32, #tpu.memory_space<hbm>>
    %dma_wait3A_166 = tpu.memref_slice %arg2[%multiple_of3A, %multiple_of3A_150] : memref<32x1000000xf32, #tpu.memory_space<hbm>> -> memref<8x6400xf32, #tpu.memory_space<hbm>>
    tpu.wait_dma2 semaphore(%arg15 : memref<!tpu.dma_semaphore, #tpu.memory_space<semaphore_mem>>) src(%dma_wait3A_166 : memref<8x6400xf32, #tpu.memory_space<hbm>>) dst(%arg7 : memref<8x6400xf32, #tpu.memory_space<vmem>>)
    %parallel_loop3A_167 = arith.constant 0 : i32
    %parallel_loop3A_168 = arith.constant 400 : i32
    %parallel_loop3A_169 = arith.constant 1 : i32
    %parallel_loop3A_170 = arith.constant 4000 : i32
    %parallel_loop3A_171:16 = scf.for %parallel_loop3A_545 = %parallel_loop3A_167 to %parallel_loop3A_168 step %parallel_loop3A_169 iter_args(%parallel_loop3A_546 = %parallel_loop3A_159#0, %parallel_loop3A_547 = %parallel_loop3A_159#1, %parallel_loop3A_548 = %parallel_loop3A_159#2, %parallel_loop3A_549 = %parallel_loop3A_159#3, %parallel_loop3A_550 = %parallel_loop3A_159#4, %parallel_loop3A_551 = %parallel_loop3A_159#5, %parallel_loop3A_552 = %parallel_loop3A_159#6, %parallel_loop3A_553 = %parallel_loop3A_159#7, %parallel_loop3A_554 = %parallel_loop3A_159#8, %parallel_loop3A_555 = %parallel_loop3A_159#9, %parallel_loop3A_556 = %parallel_loop3A_159#10, %parallel_loop3A_557 = %parallel_loop3A_159#11, %parallel_loop3A_558 = %parallel_loop3A_159#12, %parallel_loop3A_559 = %parallel_loop3A_159#13, %parallel_loop3A_560 = %parallel_loop3A_159#14, %parallel_loop3A_561 = %parallel_loop3A_159#15) -> (vector<16xf32>, vector<16xi32>, vector<16xf32>, vector<16xi32>, vector<16xf32>, vector<16xi32>, vector<16xf32>, vector<16xi32>, vector<16xf32>, vector<16xi32>, vector<16xf32>, vector<16xi32>, vector<16xf32>, vector<16xi32>, vector<16xf32>, vector<16xi32>)  : i32 {
      %parallel_loop3A_562 = arith.addi %parallel_loop3A_170, %parallel_loop3A_545 : i32
      %parallel_loop3A_563 = vector.broadcast %parallel_loop3A_562 : i32 to vector<16xi32>
      %parallel_loop3A_564 = arith.constant 16 : i32
      %parallel_loop3A_565 = arith.muli %parallel_loop3A_545, %parallel_loop3A_564 : i32
      %parallel_loop3A_566 = arith.constant 0 : i32
      %parallel_loop3A_567 = arith.index_cast %parallel_loop3A_566 : i32 to index
      %parallel_loop3A_568 = arith.index_cast %parallel_loop3A_565 : i32 to index
      %parallel_loop3A_569 = tpu.vector_load %arg7[%parallel_loop3A_567, %parallel_loop3A_568] {strides = array<i32>} : memref<8x6400xf32, #tpu.memory_space<vmem>>, vector<1x16xf32>,
      %parallel_loop3A_570 = vector.shape_cast %parallel_loop3A_569 : vector<1x16xf32> to vector<16xf32>
      %parallel_loop3A_571 = arith.cmpf ogt, %parallel_loop3A_570, %parallel_loop3A_546 : vector<16xf32>
      %parallel_loop3A_572 = arith.select %parallel_loop3A_571, %parallel_loop3A_570, %parallel_loop3A_546 : vector<16xi1>, vector<16xf32>
      %parallel_loop3A_573 = arith.select %parallel_loop3A_571, %parallel_loop3A_563, %parallel_loop3A_547 : vector<16xi1>, vector<16xi32>
      %parallel_loop3A_574 = arith.constant 16 : i32
      %parallel_loop3A_575 = arith.muli %parallel_loop3A_545, %parallel_loop3A_574 : i32
      %parallel_loop3A_576 = arith.constant 1 : i32
      %parallel_loop3A_577 = arith.index_cast %parallel_loop3A_576 : i32 to index
      %parallel_loop3A_578 = arith.index_cast %parallel_loop3A_575 : i32 to index
      %parallel_loop3A_579 = tpu.vector_load %arg7[%parallel_loop3A_577, %parallel_loop3A_578] {strides = array<i32>} : memref<8x6400xf32, #tpu.memory_space<vmem>>, vector<1x16xf32>,
      %parallel_loop3A_580 = vector.shape_cast %parallel_loop3A_579 : vector<1x16xf32> to vector<16xf32>
      %parallel_loop3A_581 = arith.cmpf ogt, %parallel_loop3A_580, %parallel_loop3A_548 : vector<16xf32>
      %parallel_loop3A_582 = arith.select %parallel_loop3A_581, %parallel_loop3A_580, %parallel_loop3A_548 : vector<16xi1>, vector<16xf32>
      %parallel_loop3A_583 = arith.select %parallel_loop3A_581, %parallel_loop3A_563, %parallel_loop3A_549 : vector<16xi1>, vector<16xi32>
      %parallel_loop3A_584 = arith.constant 16 : i32
      %parallel_loop3A_585 = arith.muli %parallel_loop3A_545, %parallel_loop3A_584 : i32
      %parallel_loop3A_586 = arith.constant 2 : i32
      %parallel_loop3A_587 = arith.index_cast %parallel_loop3A_586 : i32 to index
      %parallel_loop3A_588 = arith.index_cast %parallel_loop3A_585 : i32 to index
      %parallel_loop3A_589 = tpu.vector_load %arg7[%parallel_loop3A_587, %parallel_loop3A_588] {strides = array<i32>} : memref<8x6400xf32, #tpu.memory_space<vmem>>, vector<1x16xf32>,
      %parallel_loop3A_590 = vector.shape_cast %parallel_loop3A_589 : vector<1x16xf32> to vector<16xf32>
      %parallel_loop3A_591 = arith.cmpf ogt, %parallel_loop3A_590, %parallel_loop3A_550 : vector<16xf32>
      %parallel_loop3A_592 = arith.select %parallel_loop3A_591, %parallel_loop3A_590, %parallel_loop3A_550 : vector<16xi1>, vector<16xf32>
      %parallel_loop3A_593 = arith.select %parallel_loop3A_591, %parallel_loop3A_563, %parallel_loop3A_551 : vector<16xi1>, vector<16xi32>
      %parallel_loop3A_594 = arith.constant 16 : i32
      %parallel_loop3A_595 = arith.muli %parallel_loop3A_545, %parallel_loop3A_594 : i32
      %parallel_loop3A_596 = arith.constant 3 : i32
      %parallel_loop3A_597 = arith.index_cast %parallel_loop3A_596 : i32 to index
      %parallel_loop3A_598 = arith.index_cast %parallel_loop3A_595 : i32 to index
      %parallel_loop3A_599 = tpu.vector_load %arg7[%parallel_loop3A_597, %parallel_loop3A_598] {strides = array<i32>} : memref<8x6400xf32, #tpu.memory_space<vmem>>, vector<1x16xf32>,
      %parallel_loop3A_600 = vector.shape_cast %parallel_loop3A_599 : vector<1x16xf32> to vector<16xf32>
      %parallel_loop3A_601 = arith.cmpf ogt, %parallel_loop3A_600, %parallel_loop3A_552 : vector<16xf32>
      %parallel_loop3A_602 = arith.select %parallel_loop3A_601, %parallel_loop3A_600, %parallel_loop3A_552 : vector<16xi1>, vector<16xf32>
      %parallel_loop3A_603 = arith.select %parallel_loop3A_601, %parallel_loop3A_563, %parallel_loop3A_553 : vector<16xi1>, vector<16xi32>
      %parallel_loop3A_604 = arith.constant 16 : i32
      %parallel_loop3A_605 = arith.muli %parallel_loop3A_545, %parallel_loop3A_604 : i32
      %parallel_loop3A_606 = arith.constant 4 : i32
      %parallel_loop3A_607 = arith.index_cast %parallel_loop3A_606 : i32 to index
      %parallel_loop3A_608 = arith.index_cast %parallel_loop3A_605 : i32 to index
      %parallel_loop3A_609 = tpu.vector_load %arg7[%parallel_loop3A_607, %parallel_loop3A_608] {strides = array<i32>} : memref<8x6400xf32, #tpu.memory_space<vmem>>, vector<1x16xf32>,
      %parallel_loop3A_610 = vector.shape_cast %parallel_loop3A_609 : vector<1x16xf32> to vector<16xf32>
      %parallel_loop3A_611 = arith.cmpf ogt, %parallel_loop3A_610, %parallel_loop3A_554 : vector<16xf32>
      %parallel_loop3A_612 = arith.select %parallel_loop3A_611, %parallel_loop3A_610, %parallel_loop3A_554 : vector<16xi1>, vector<16xf32>
      %parallel_loop3A_613 = arith.select %parallel_loop3A_611, %parallel_loop3A_563, %parallel_loop3A_555 : vector<16xi1>, vector<16xi32>
      %parallel_loop3A_614 = arith.constant 16 : i32
      %parallel_loop3A_615 = arith.muli %parallel_loop3A_545, %parallel_loop3A_614 : i32
      %parallel_loop3A_616 = arith.constant 5 : i32
      %parallel_loop3A_617 = arith.index_cast %parallel_loop3A_616 : i32 to index
      %parallel_loop3A_618 = arith.index_cast %parallel_loop3A_615 : i32 to index
      %parallel_loop3A_619 = tpu.vector_load %arg7[%parallel_loop3A_617, %parallel_loop3A_618] {strides = array<i32>} : memref<8x6400xf32, #tpu.memory_space<vmem>>, vector<1x16xf32>,
      %parallel_loop3A_620 = vector.shape_cast %parallel_loop3A_619 : vector<1x16xf32> to vector<16xf32>
      %parallel_loop3A_621 = arith.cmpf ogt, %parallel_loop3A_620, %parallel_loop3A_556 : vector<16xf32>
      %parallel_loop3A_622 = arith.select %parallel_loop3A_621, %parallel_loop3A_620, %parallel_loop3A_556 : vector<16xi1>, vector<16xf32>
      %parallel_loop3A_623 = arith.select %parallel_loop3A_621, %parallel_loop3A_563, %parallel_loop3A_557 : vector<16xi1>, vector<16xi32>
      %parallel_loop3A_624 = arith.constant 16 : i32
      %parallel_loop3A_625 = arith.muli %parallel_loop3A_545, %parallel_loop3A_624 : i32
      %parallel_loop3A_626 = arith.constant 6 : i32
      %parallel_loop3A_627 = arith.index_cast %parallel_loop3A_626 : i32 to index
      %parallel_loop3A_628 = arith.index_cast %parallel_loop3A_625 : i32 to index
      %parallel_loop3A_629 = tpu.vector_load %arg7[%parallel_loop3A_627, %parallel_loop3A_628] {strides = array<i32>} : memref<8x6400xf32, #tpu.memory_space<vmem>>, vector<1x16xf32>,
      %parallel_loop3A_630 = vector.shape_cast %parallel_loop3A_629 : vector<1x16xf32> to vector<16xf32>
      %parallel_loop3A_631 = arith.cmpf ogt, %parallel_loop3A_630, %parallel_loop3A_558 : vector<16xf32>
      %parallel_loop3A_632 = arith.select %parallel_loop3A_631, %parallel_loop3A_630, %parallel_loop3A_558 : vector<16xi1>, vector<16xf32>
      %parallel_loop3A_633 = arith.select %parallel_loop3A_631, %parallel_loop3A_563, %parallel_loop3A_559 : vector<16xi1>, vector<16xi32>
      %parallel_loop3A_634 = arith.constant 16 : i32
      %parallel_loop3A_635 = arith.muli %parallel_loop3A_545, %parallel_loop3A_634 : i32
      %parallel_loop3A_636 = arith.constant 7 : i32
      %parallel_loop3A_637 = arith.index_cast %parallel_loop3A_636 : i32 to index
      %parallel_loop3A_638 = arith.index_cast %parallel_loop3A_635 : i32 to index
      %parallel_loop3A_639 = tpu.vector_load %arg7[%parallel_loop3A_637, %parallel_loop3A_638] {strides = array<i32>} : memref<8x6400xf32, #tpu.memory_space<vmem>>, vector<1x16xf32>,
      %parallel_loop3A_640 = vector.shape_cast %parallel_loop3A_639 : vector<1x16xf32> to vector<16xf32>
      %parallel_loop3A_641 = arith.cmpf ogt, %parallel_loop3A_640, %parallel_loop3A_560 : vector<16xf32>
      %parallel_loop3A_642 = arith.select %parallel_loop3A_641, %parallel_loop3A_640, %parallel_loop3A_560 : vector<16xi1>, vector<16xf32>
      %parallel_loop3A_643 = arith.select %parallel_loop3A_641, %parallel_loop3A_563, %parallel_loop3A_561 : vector<16xi1>, vector<16xi32>
      scf.yield %parallel_loop3A_572, %parallel_loop3A_573, %parallel_loop3A_582, %parallel_loop3A_583, %parallel_loop3A_592, %parallel_loop3A_593, %parallel_loop3A_602, %parallel_loop3A_603, %parallel_loop3A_612, %parallel_loop3A_613, %parallel_loop3A_622, %parallel_loop3A_623, %parallel_loop3A_632, %parallel_loop3A_633, %parallel_loop3A_642, %parallel_loop3A_643 : vector<16xf32>, vector<16xi32>, vector<16xf32>, vector<16xi32>, vector<16xf32>, vector<16xi32>, vector<16xf32>, vector<16xi32>, vector<16xf32>, vector<16xi32>, vector<16xf32>, vector<16xi32>, vector<16xf32>, vector<16xi32>, vector<16xf32>, vector<16xi32>
    } {sc.loop_unroll_factor = 4 : i64, sc.parallel_access}
    %add3A_172 = arith.constant 76800 : i32
    %add3A_173 = arith.addi %multiple_of3A_38, %add3A_172 : i32
    %multiple_of3A_174 = tpu.assume_multiple %add3A_173, 128 : i32
    %dma_start3A_175 = tpu.memref_slice %arg2[%multiple_of3A, %multiple_of3A_174] : memref<32x1000000xf32, #tpu.memory_space<hbm>> -> memref<8x6400xf32, #tpu.memory_space<hbm>>
    %dma_start3A_176 = tpu.memref_slice %arg2[%multiple_of3A, %multiple_of3A_174] : memref<32x1000000xf32, #tpu.memory_space<hbm>> -> memref<8x6400xf32, #tpu.memory_space<hbm>>
    tpu.enqueue_dma source(%dma_start3A_176 : memref<8x6400xf32, #tpu.memory_space<hbm>>) target(%arg7 : memref<8x6400xf32, #tpu.memory_space<vmem>>) target_semaphore(%arg15 : memref<!tpu.dma_semaphore, #tpu.memory_space<semaphore_mem>>)
    %dma_wait3A_177 = tpu.memref_slice %arg2[%multiple_of3A, %multiple_of3A_162] : memref<32x1000000xf32, #tpu.memory_space<hbm>> -> memref<8x6400xf32, #tpu.memory_space<hbm>>
    %dma_wait3A_178 = tpu.memref_slice %arg2[%multiple_of3A, %multiple_of3A_162] : memref<32x1000000xf32, #tpu.memory_space<hbm>> -> memref<8x6400xf32, #tpu.memory_space<hbm>>
    tpu.wait_dma2 semaphore(%arg16 : memref<!tpu.dma_semaphore, #tpu.memory_space<semaphore_mem>>) src(%dma_wait3A_178 : memref<8x6400xf32, #tpu.memory_space<hbm>>) dst(%arg8 : memref<8x6400xf32, #tpu.memory_space<vmem>>)
    %parallel_loop3A_179 = arith.constant 0 : i32
    %parallel_loop3A_180 = arith.constant 400 : i32
    %parallel_loop3A_181 = arith.constant 1 : i32
    %parallel_loop3A_182 = arith.constant 4400 : i32
    %parallel_loop3A_183:16 = scf.for %parallel_loop3A_545 = %parallel_loop3A_179 to %parallel_loop3A_180 step %parallel_loop3A_181 iter_args(%parallel_loop3A_546 = %parallel_loop3A_171#0, %parallel_loop3A_547 = %parallel_loop3A_171#1, %parallel_loop3A_548 = %parallel_loop3A_171#2, %parallel_loop3A_549 = %parallel_loop3A_171#3, %parallel_loop3A_550 = %parallel_loop3A_171#4, %parallel_loop3A_551 = %parallel_loop3A_171#5, %parallel_loop3A_552 = %parallel_loop3A_171#6, %parallel_loop3A_553 = %parallel_loop3A_171#7, %parallel_loop3A_554 = %parallel_loop3A_171#8, %parallel_loop3A_555 = %parallel_loop3A_171#9, %parallel_loop3A_556 = %parallel_loop3A_171#10, %parallel_loop3A_557 = %parallel_loop3A_171#11, %parallel_loop3A_558 = %parallel_loop3A_171#12, %parallel_loop3A_559 = %parallel_loop3A_171#13, %parallel_loop3A_560 = %parallel_loop3A_171#14, %parallel_loop3A_561 = %parallel_loop3A_171#15) -> (vector<16xf32>, vector<16xi32>, vector<16xf32>, vector<16xi32>, vector<16xf32>, vector<16xi32>, vector<16xf32>, vector<16xi32>, vector<16xf32>, vector<16xi32>, vector<16xf32>, vector<16xi32>, vector<16xf32>, vector<16xi32>, vector<16xf32>, vector<16xi32>)  : i32 {
      %parallel_loop3A_562 = arith.addi %parallel_loop3A_182, %parallel_loop3A_545 : i32
      %parallel_loop3A_563 = vector.broadcast %parallel_loop3A_562 : i32 to vector<16xi32>
      %parallel_loop3A_564 = arith.constant 16 : i32
      %parallel_loop3A_565 = arith.muli %parallel_loop3A_545, %parallel_loop3A_564 : i32
      %parallel_loop3A_566 = arith.constant 0 : i32
      %parallel_loop3A_567 = arith.index_cast %parallel_loop3A_566 : i32 to index
      %parallel_loop3A_568 = arith.index_cast %parallel_loop3A_565 : i32 to index
      %parallel_loop3A_569 = tpu.vector_load %arg8[%parallel_loop3A_567, %parallel_loop3A_568] {strides = array<i32>} : memref<8x6400xf32, #tpu.memory_space<vmem>>, vector<1x16xf32>,
      %parallel_loop3A_570 = vector.shape_cast %parallel_loop3A_569 : vector<1x16xf32> to vector<16xf32>
      %parallel_loop3A_571 = arith.cmpf ogt, %parallel_loop3A_570, %parallel_loop3A_546 : vector<16xf32>
      %parallel_loop3A_572 = arith.select %parallel_loop3A_571, %parallel_loop3A_570, %parallel_loop3A_546 : vector<16xi1>, vector<16xf32>
      %parallel_loop3A_573 = arith.select %parallel_loop3A_571, %parallel_loop3A_563, %parallel_loop3A_547 : vector<16xi1>, vector<16xi32>
      %parallel_loop3A_574 = arith.constant 16 : i32
      %parallel_loop3A_575 = arith.muli %parallel_loop3A_545, %parallel_loop3A_574 : i32
      %parallel_loop3A_576 = arith.constant 1 : i32
      %parallel_loop3A_577 = arith.index_cast %parallel_loop3A_576 : i32 to index
      %parallel_loop3A_578 = arith.index_cast %parallel_loop3A_575 : i32 to index
      %parallel_loop3A_579 = tpu.vector_load %arg8[%parallel_loop3A_577, %parallel_loop3A_578] {strides = array<i32>} : memref<8x6400xf32, #tpu.memory_space<vmem>>, vector<1x16xf32>,
      %parallel_loop3A_580 = vector.shape_cast %parallel_loop3A_579 : vector<1x16xf32> to vector<16xf32>
      %parallel_loop3A_581 = arith.cmpf ogt, %parallel_loop3A_580, %parallel_loop3A_548 : vector<16xf32>
      %parallel_loop3A_582 = arith.select %parallel_loop3A_581, %parallel_loop3A_580, %parallel_loop3A_548 : vector<16xi1>, vector<16xf32>
      %parallel_loop3A_583 = arith.select %parallel_loop3A_581, %parallel_loop3A_563, %parallel_loop3A_549 : vector<16xi1>, vector<16xi32>
      %parallel_loop3A_584 = arith.constant 16 : i32
      %parallel_loop3A_585 = arith.muli %parallel_loop3A_545, %parallel_loop3A_584 : i32
      %parallel_loop3A_586 = arith.constant 2 : i32
      %parallel_loop3A_587 = arith.index_cast %parallel_loop3A_586 : i32 to index
      %parallel_loop3A_588 = arith.index_cast %parallel_loop3A_585 : i32 to index
      %parallel_loop3A_589 = tpu.vector_load %arg8[%parallel_loop3A_587, %parallel_loop3A_588] {strides = array<i32>} : memref<8x6400xf32, #tpu.memory_space<vmem>>, vector<1x16xf32>,
      %parallel_loop3A_590 = vector.shape_cast %parallel_loop3A_589 : vector<1x16xf32> to vector<16xf32>
      %parallel_loop3A_591 = arith.cmpf ogt, %parallel_loop3A_590, %parallel_loop3A_550 : vector<16xf32>
      %parallel_loop3A_592 = arith.select %parallel_loop3A_591, %parallel_loop3A_590, %parallel_loop3A_550 : vector<16xi1>, vector<16xf32>
      %parallel_loop3A_593 = arith.select %parallel_loop3A_591, %parallel_loop3A_563, %parallel_loop3A_551 : vector<16xi1>, vector<16xi32>
      %parallel_loop3A_594 = arith.constant 16 : i32
      %parallel_loop3A_595 = arith.muli %parallel_loop3A_545, %parallel_loop3A_594 : i32
      %parallel_loop3A_596 = arith.constant 3 : i32
      %parallel_loop3A_597 = arith.index_cast %parallel_loop3A_596 : i32 to index
      %parallel_loop3A_598 = arith.index_cast %parallel_loop3A_595 : i32 to index
      %parallel_loop3A_599 = tpu.vector_load %arg8[%parallel_loop3A_597, %parallel_loop3A_598] {strides = array<i32>} : memref<8x6400xf32, #tpu.memory_space<vmem>>, vector<1x16xf32>,
      %parallel_loop3A_600 = vector.shape_cast %parallel_loop3A_599 : vector<1x16xf32> to vector<16xf32>
      %parallel_loop3A_601 = arith.cmpf ogt, %parallel_loop3A_600, %parallel_loop3A_552 : vector<16xf32>
      %parallel_loop3A_602 = arith.select %parallel_loop3A_601, %parallel_loop3A_600, %parallel_loop3A_552 : vector<16xi1>, vector<16xf32>
      %parallel_loop3A_603 = arith.select %parallel_loop3A_601, %parallel_loop3A_563, %parallel_loop3A_553 : vector<16xi1>, vector<16xi32>
      %parallel_loop3A_604 = arith.constant 16 : i32
      %parallel_loop3A_605 = arith.muli %parallel_loop3A_545, %parallel_loop3A_604 : i32
      %parallel_loop3A_606 = arith.constant 4 : i32
      %parallel_loop3A_607 = arith.index_cast %parallel_loop3A_606 : i32 to index
      %parallel_loop3A_608 = arith.index_cast %parallel_loop3A_605 : i32 to index
      %parallel_loop3A_609 = tpu.vector_load %arg8[%parallel_loop3A_607, %parallel_loop3A_608] {strides = array<i32>} : memref<8x6400xf32, #tpu.memory_space<vmem>>, vector<1x16xf32>,
      %parallel_loop3A_610 = vector.shape_cast %parallel_loop3A_609 : vector<1x16xf32> to vector<16xf32>
      %parallel_loop3A_611 = arith.cmpf ogt, %parallel_loop3A_610, %parallel_loop3A_554 : vector<16xf32>
      %parallel_loop3A_612 = arith.select %parallel_loop3A_611, %parallel_loop3A_610, %parallel_loop3A_554 : vector<16xi1>, vector<16xf32>
      %parallel_loop3A_613 = arith.select %parallel_loop3A_611, %parallel_loop3A_563, %parallel_loop3A_555 : vector<16xi1>, vector<16xi32>
      %parallel_loop3A_614 = arith.constant 16 : i32
      %parallel_loop3A_615 = arith.muli %parallel_loop3A_545, %parallel_loop3A_614 : i32
      %parallel_loop3A_616 = arith.constant 5 : i32
      %parallel_loop3A_617 = arith.index_cast %parallel_loop3A_616 : i32 to index
      %parallel_loop3A_618 = arith.index_cast %parallel_loop3A_615 : i32 to index
      %parallel_loop3A_619 = tpu.vector_load %arg8[%parallel_loop3A_617, %parallel_loop3A_618] {strides = array<i32>} : memref<8x6400xf32, #tpu.memory_space<vmem>>, vector<1x16xf32>,
      %parallel_loop3A_620 = vector.shape_cast %parallel_loop3A_619 : vector<1x16xf32> to vector<16xf32>
      %parallel_loop3A_621 = arith.cmpf ogt, %parallel_loop3A_620, %parallel_loop3A_556 : vector<16xf32>
      %parallel_loop3A_622 = arith.select %parallel_loop3A_621, %parallel_loop3A_620, %parallel_loop3A_556 : vector<16xi1>, vector<16xf32>
      %parallel_loop3A_623 = arith.select %parallel_loop3A_621, %parallel_loop3A_563, %parallel_loop3A_557 : vector<16xi1>, vector<16xi32>
      %parallel_loop3A_624 = arith.constant 16 : i32
      %parallel_loop3A_625 = arith.muli %parallel_loop3A_545, %parallel_loop3A_624 : i32
      %parallel_loop3A_626 = arith.constant 6 : i32
      %parallel_loop3A_627 = arith.index_cast %parallel_loop3A_626 : i32 to index
      %parallel_loop3A_628 = arith.index_cast %parallel_loop3A_625 : i32 to index
      %parallel_loop3A_629 = tpu.vector_load %arg8[%parallel_loop3A_627, %parallel_loop3A_628] {strides = array<i32>} : memref<8x6400xf32, #tpu.memory_space<vmem>>, vector<1x16xf32>,
      %parallel_loop3A_630 = vector.shape_cast %parallel_loop3A_629 : vector<1x16xf32> to vector<16xf32>
      %parallel_loop3A_631 = arith.cmpf ogt, %parallel_loop3A_630, %parallel_loop3A_558 : vector<16xf32>
      %parallel_loop3A_632 = arith.select %parallel_loop3A_631, %parallel_loop3A_630, %parallel_loop3A_558 : vector<16xi1>, vector<16xf32>
      %parallel_loop3A_633 = arith.select %parallel_loop3A_631, %parallel_loop3A_563, %parallel_loop3A_559 : vector<16xi1>, vector<16xi32>
      %parallel_loop3A_634 = arith.constant 16 : i32
      %parallel_loop3A_635 = arith.muli %parallel_loop3A_545, %parallel_loop3A_634 : i32
      %parallel_loop3A_636 = arith.constant 7 : i32
      %parallel_loop3A_637 = arith.index_cast %parallel_loop3A_636 : i32 to index
      %parallel_loop3A_638 = arith.index_cast %parallel_loop3A_635 : i32 to index
      %parallel_loop3A_639 = tpu.vector_load %arg8[%parallel_loop3A_637, %parallel_loop3A_638] {strides = array<i32>} : memref<8x6400xf32, #tpu.memory_space<vmem>>, vector<1x16xf32>,
      %parallel_loop3A_640 = vector.shape_cast %parallel_loop3A_639 : vector<1x16xf32> to vector<16xf32>
      %parallel_loop3A_641 = arith.cmpf ogt, %parallel_loop3A_640, %parallel_loop3A_560 : vector<16xf32>
      %parallel_loop3A_642 = arith.select %parallel_loop3A_641, %parallel_loop3A_640, %parallel_loop3A_560 : vector<16xi1>, vector<16xf32>
      %parallel_loop3A_643 = arith.select %parallel_loop3A_641, %parallel_loop3A_563, %parallel_loop3A_561 : vector<16xi1>, vector<16xi32>
      scf.yield %parallel_loop3A_572, %parallel_loop3A_573, %parallel_loop3A_582, %parallel_loop3A_583, %parallel_loop3A_592, %parallel_loop3A_593, %parallel_loop3A_602, %parallel_loop3A_603, %parallel_loop3A_612, %parallel_loop3A_613, %parallel_loop3A_622, %parallel_loop3A_623, %parallel_loop3A_632, %parallel_loop3A_633, %parallel_loop3A_642, %parallel_loop3A_643 : vector<16xf32>, vector<16xi32>, vector<16xf32>, vector<16xi32>, vector<16xf32>, vector<16xi32>, vector<16xf32>, vector<16xi32>, vector<16xf32>, vector<16xi32>, vector<16xf32>, vector<16xi32>, vector<16xf32>, vector<16xi32>, vector<16xf32>, vector<16xi32>
    } {sc.loop_unroll_factor = 4 : i64, sc.parallel_access}
    %add3A_184 = arith.constant 83200 : i32
    %add3A_185 = arith.addi %multiple_of3A_38, %add3A_184 : i32
    %multiple_of3A_186 = tpu.assume_multiple %add3A_185, 128 : i32
    %dma_start3A_187 = tpu.memref_slice %arg2[%multiple_of3A, %multiple_of3A_186] : memref<32x1000000xf32, #tpu.memory_space<hbm>> -> memref<8x6400xf32, #tpu.memory_space<hbm>>
    %dma_start3A_188 = tpu.memref_slice %arg2[%multiple_of3A, %multiple_of3A_186] : memref<32x1000000xf32, #tpu.memory_space<hbm>> -> memref<8x6400xf32, #tpu.memory_space<hbm>>
    tpu.enqueue_dma source(%dma_start3A_188 : memref<8x6400xf32, #tpu.memory_space<hbm>>) target(%arg8 : memref<8x6400xf32, #tpu.memory_space<vmem>>) target_semaphore(%arg16 : memref<!tpu.dma_semaphore, #tpu.memory_space<semaphore_mem>>)
    %dma_wait3A_189 = tpu.memref_slice %arg2[%multiple_of3A, %multiple_of3A_174] : memref<32x1000000xf32, #tpu.memory_space<hbm>> -> memref<8x6400xf32, #tpu.memory_space<hbm>>
    %dma_wait3A_190 = tpu.memref_slice %arg2[%multiple_of3A, %multiple_of3A_174] : memref<32x1000000xf32, #tpu.memory_space<hbm>> -> memref<8x6400xf32, #tpu.memory_space<hbm>>
    tpu.wait_dma2 semaphore(%arg15 : memref<!tpu.dma_semaphore, #tpu.memory_space<semaphore_mem>>) src(%dma_wait3A_190 : memref<8x6400xf32, #tpu.memory_space<hbm>>) dst(%arg7 : memref<8x6400xf32, #tpu.memory_space<vmem>>)
    %parallel_loop3A_191 = arith.constant 0 : i32
    %parallel_loop3A_192 = arith.constant 400 : i32
    %parallel_loop3A_193 = arith.constant 1 : i32
    %parallel_loop3A_194 = arith.constant 4800 : i32
    %parallel_loop3A_195:16 = scf.for %parallel_loop3A_545 = %parallel_loop3A_191 to %parallel_loop3A_192 step %parallel_loop3A_193 iter_args(%parallel_loop3A_546 = %parallel_loop3A_183#0, %parallel_loop3A_547 = %parallel_loop3A_183#1, %parallel_loop3A_548 = %parallel_loop3A_183#2, %parallel_loop3A_549 = %parallel_loop3A_183#3, %parallel_loop3A_550 = %parallel_loop3A_183#4, %parallel_loop3A_551 = %parallel_loop3A_183#5, %parallel_loop3A_552 = %parallel_loop3A_183#6, %parallel_loop3A_553 = %parallel_loop3A_183#7, %parallel_loop3A_554 = %parallel_loop3A_183#8, %parallel_loop3A_555 = %parallel_loop3A_183#9, %parallel_loop3A_556 = %parallel_loop3A_183#10, %parallel_loop3A_557 = %parallel_loop3A_183#11, %parallel_loop3A_558 = %parallel_loop3A_183#12, %parallel_loop3A_559 = %parallel_loop3A_183#13, %parallel_loop3A_560 = %parallel_loop3A_183#14, %parallel_loop3A_561 = %parallel_loop3A_183#15) -> (vector<16xf32>, vector<16xi32>, vector<16xf32>, vector<16xi32>, vector<16xf32>, vector<16xi32>, vector<16xf32>, vector<16xi32>, vector<16xf32>, vector<16xi32>, vector<16xf32>, vector<16xi32>, vector<16xf32>, vector<16xi32>, vector<16xf32>, vector<16xi32>)  : i32 {
      %parallel_loop3A_562 = arith.addi %parallel_loop3A_194, %parallel_loop3A_545 : i32
      %parallel_loop3A_563 = vector.broadcast %parallel_loop3A_562 : i32 to vector<16xi32>
      %parallel_loop3A_564 = arith.constant 16 : i32
      %parallel_loop3A_565 = arith.muli %parallel_loop3A_545, %parallel_loop3A_564 : i32
      %parallel_loop3A_566 = arith.constant 0 : i32
      %parallel_loop3A_567 = arith.index_cast %parallel_loop3A_566 : i32 to index
      %parallel_loop3A_568 = arith.index_cast %parallel_loop3A_565 : i32 to index
      %parallel_loop3A_569 = tpu.vector_load %arg7[%parallel_loop3A_567, %parallel_loop3A_568] {strides = array<i32>} : memref<8x6400xf32, #tpu.memory_space<vmem>>, vector<1x16xf32>,
      %parallel_loop3A_570 = vector.shape_cast %parallel_loop3A_569 : vector<1x16xf32> to vector<16xf32>
      %parallel_loop3A_571 = arith.cmpf ogt, %parallel_loop3A_570, %parallel_loop3A_546 : vector<16xf32>
      %parallel_loop3A_572 = arith.select %parallel_loop3A_571, %parallel_loop3A_570, %parallel_loop3A_546 : vector<16xi1>, vector<16xf32>
      %parallel_loop3A_573 = arith.select %parallel_loop3A_571, %parallel_loop3A_563, %parallel_loop3A_547 : vector<16xi1>, vector<16xi32>
      %parallel_loop3A_574 = arith.constant 16 : i32
      %parallel_loop3A_575 = arith.muli %parallel_loop3A_545, %parallel_loop3A_574 : i32
      %parallel_loop3A_576 = arith.constant 1 : i32
      %parallel_loop3A_577 = arith.index_cast %parallel_loop3A_576 : i32 to index
      %parallel_loop3A_578 = arith.index_cast %parallel_loop3A_575 : i32 to index
      %parallel_loop3A_579 = tpu.vector_load %arg7[%parallel_loop3A_577, %parallel_loop3A_578] {strides = array<i32>} : memref<8x6400xf32, #tpu.memory_space<vmem>>, vector<1x16xf32>,
      %parallel_loop3A_580 = vector.shape_cast %parallel_loop3A_579 : vector<1x16xf32> to vector<16xf32>
      %parallel_loop3A_581 = arith.cmpf ogt, %parallel_loop3A_580, %parallel_loop3A_548 : vector<16xf32>
      %parallel_loop3A_582 = arith.select %parallel_loop3A_581, %parallel_loop3A_580, %parallel_loop3A_548 : vector<16xi1>, vector<16xf32>
      %parallel_loop3A_583 = arith.select %parallel_loop3A_581, %parallel_loop3A_563, %parallel_loop3A_549 : vector<16xi1>, vector<16xi32>
      %parallel_loop3A_584 = arith.constant 16 : i32
      %parallel_loop3A_585 = arith.muli %parallel_loop3A_545, %parallel_loop3A_584 : i32
      %parallel_loop3A_586 = arith.constant 2 : i32
      %parallel_loop3A_587 = arith.index_cast %parallel_loop3A_586 : i32 to index
      %parallel_loop3A_588 = arith.index_cast %parallel_loop3A_585 : i32 to index
      %parallel_loop3A_589 = tpu.vector_load %arg7[%parallel_loop3A_587, %parallel_loop3A_588] {strides = array<i32>} : memref<8x6400xf32, #tpu.memory_space<vmem>>, vector<1x16xf32>,
      %parallel_loop3A_590 = vector.shape_cast %parallel_loop3A_589 : vector<1x16xf32> to vector<16xf32>
      %parallel_loop3A_591 = arith.cmpf ogt, %parallel_loop3A_590, %parallel_loop3A_550 : vector<16xf32>
      %parallel_loop3A_592 = arith.select %parallel_loop3A_591, %parallel_loop3A_590, %parallel_loop3A_550 : vector<16xi1>, vector<16xf32>
      %parallel_loop3A_593 = arith.select %parallel_loop3A_591, %parallel_loop3A_563, %parallel_loop3A_551 : vector<16xi1>, vector<16xi32>
      %parallel_loop3A_594 = arith.constant 16 : i32
      %parallel_loop3A_595 = arith.muli %parallel_loop3A_545, %parallel_loop3A_594 : i32
      %parallel_loop3A_596 = arith.constant 3 : i32
      %parallel_loop3A_597 = arith.index_cast %parallel_loop3A_596 : i32 to index
      %parallel_loop3A_598 = arith.index_cast %parallel_loop3A_595 : i32 to index
      %parallel_loop3A_599 = tpu.vector_load %arg7[%parallel_loop3A_597, %parallel_loop3A_598] {strides = array<i32>} : memref<8x6400xf32, #tpu.memory_space<vmem>>, vector<1x16xf32>,
      %parallel_loop3A_600 = vector.shape_cast %parallel_loop3A_599 : vector<1x16xf32> to vector<16xf32>
      %parallel_loop3A_601 = arith.cmpf ogt, %parallel_loop3A_600, %parallel_loop3A_552 : vector<16xf32>
      %parallel_loop3A_602 = arith.select %parallel_loop3A_601, %parallel_loop3A_600, %parallel_loop3A_552 : vector<16xi1>, vector<16xf32>
      %parallel_loop3A_603 = arith.select %parallel_loop3A_601, %parallel_loop3A_563, %parallel_loop3A_553 : vector<16xi1>, vector<16xi32>
      %parallel_loop3A_604 = arith.constant 16 : i32
      %parallel_loop3A_605 = arith.muli %parallel_loop3A_545, %parallel_loop3A_604 : i32
      %parallel_loop3A_606 = arith.constant 4 : i32
      %parallel_loop3A_607 = arith.index_cast %parallel_loop3A_606 : i32 to index
      %parallel_loop3A_608 = arith.index_cast %parallel_loop3A_605 : i32 to index
      %parallel_loop3A_609 = tpu.vector_load %arg7[%parallel_loop3A_607, %parallel_loop3A_608] {strides = array<i32>} : memref<8x6400xf32, #tpu.memory_space<vmem>>, vector<1x16xf32>,
      %parallel_loop3A_610 = vector.shape_cast %parallel_loop3A_609 : vector<1x16xf32> to vector<16xf32>
      %parallel_loop3A_611 = arith.cmpf ogt, %parallel_loop3A_610, %parallel_loop3A_554 : vector<16xf32>
      %parallel_loop3A_612 = arith.select %parallel_loop3A_611, %parallel_loop3A_610, %parallel_loop3A_554 : vector<16xi1>, vector<16xf32>
      %parallel_loop3A_613 = arith.select %parallel_loop3A_611, %parallel_loop3A_563, %parallel_loop3A_555 : vector<16xi1>, vector<16xi32>
      %parallel_loop3A_614 = arith.constant 16 : i32
      %parallel_loop3A_615 = arith.muli %parallel_loop3A_545, %parallel_loop3A_614 : i32
      %parallel_loop3A_616 = arith.constant 5 : i32
      %parallel_loop3A_617 = arith.index_cast %parallel_loop3A_616 : i32 to index
      %parallel_loop3A_618 = arith.index_cast %parallel_loop3A_615 : i32 to index
      %parallel_loop3A_619 = tpu.vector_load %arg7[%parallel_loop3A_617, %parallel_loop3A_618] {strides = array<i32>} : memref<8x6400xf32, #tpu.memory_space<vmem>>, vector<1x16xf32>,
      %parallel_loop3A_620 = vector.shape_cast %parallel_loop3A_619 : vector<1x16xf32> to vector<16xf32>
      %parallel_loop3A_621 = arith.cmpf ogt, %parallel_loop3A_620, %parallel_loop3A_556 : vector<16xf32>
      %parallel_loop3A_622 = arith.select %parallel_loop3A_621, %parallel_loop3A_620, %parallel_loop3A_556 : vector<16xi1>, vector<16xf32>
      %parallel_loop3A_623 = arith.select %parallel_loop3A_621, %parallel_loop3A_563, %parallel_loop3A_557 : vector<16xi1>, vector<16xi32>
      %parallel_loop3A_624 = arith.constant 16 : i32
      %parallel_loop3A_625 = arith.muli %parallel_loop3A_545, %parallel_loop3A_624 : i32
      %parallel_loop3A_626 = arith.constant 6 : i32
      %parallel_loop3A_627 = arith.index_cast %parallel_loop3A_626 : i32 to index
      %parallel_loop3A_628 = arith.index_cast %parallel_loop3A_625 : i32 to index
      %parallel_loop3A_629 = tpu.vector_load %arg7[%parallel_loop3A_627, %parallel_loop3A_628] {strides = array<i32>} : memref<8x6400xf32, #tpu.memory_space<vmem>>, vector<1x16xf32>,
      %parallel_loop3A_630 = vector.shape_cast %parallel_loop3A_629 : vector<1x16xf32> to vector<16xf32>
      %parallel_loop3A_631 = arith.cmpf ogt, %parallel_loop3A_630, %parallel_loop3A_558 : vector<16xf32>
      %parallel_loop3A_632 = arith.select %parallel_loop3A_631, %parallel_loop3A_630, %parallel_loop3A_558 : vector<16xi1>, vector<16xf32>
      %parallel_loop3A_633 = arith.select %parallel_loop3A_631, %parallel_loop3A_563, %parallel_loop3A_559 : vector<16xi1>, vector<16xi32>
      %parallel_loop3A_634 = arith.constant 16 : i32
      %parallel_loop3A_635 = arith.muli %parallel_loop3A_545, %parallel_loop3A_634 : i32
      %parallel_loop3A_636 = arith.constant 7 : i32
      %parallel_loop3A_637 = arith.index_cast %parallel_loop3A_636 : i32 to index
      %parallel_loop3A_638 = arith.index_cast %parallel_loop3A_635 : i32 to index
      %parallel_loop3A_639 = tpu.vector_load %arg7[%parallel_loop3A_637, %parallel_loop3A_638] {strides = array<i32>} : memref<8x6400xf32, #tpu.memory_space<vmem>>, vector<1x16xf32>,
      %parallel_loop3A_640 = vector.shape_cast %parallel_loop3A_639 : vector<1x16xf32> to vector<16xf32>
      %parallel_loop3A_641 = arith.cmpf ogt, %parallel_loop3A_640, %parallel_loop3A_560 : vector<16xf32>
      %parallel_loop3A_642 = arith.select %parallel_loop3A_641, %parallel_loop3A_640, %parallel_loop3A_560 : vector<16xi1>, vector<16xf32>
      %parallel_loop3A_643 = arith.select %parallel_loop3A_641, %parallel_loop3A_563, %parallel_loop3A_561 : vector<16xi1>, vector<16xi32>
      scf.yield %parallel_loop3A_572, %parallel_loop3A_573, %parallel_loop3A_582, %parallel_loop3A_583, %parallel_loop3A_592, %parallel_loop3A_593, %parallel_loop3A_602, %parallel_loop3A_603, %parallel_loop3A_612, %parallel_loop3A_613, %parallel_loop3A_622, %parallel_loop3A_623, %parallel_loop3A_632, %parallel_loop3A_633, %parallel_loop3A_642, %parallel_loop3A_643 : vector<16xf32>, vector<16xi32>, vector<16xf32>, vector<16xi32>, vector<16xf32>, vector<16xi32>, vector<16xf32>, vector<16xi32>, vector<16xf32>, vector<16xi32>, vector<16xf32>, vector<16xi32>, vector<16xf32>, vector<16xi32>, vector<16xf32>, vector<16xi32>
    } {sc.loop_unroll_factor = 4 : i64, sc.parallel_access}
    %dma_wait3A_196 = tpu.memref_slice %arg2[%multiple_of3A, %multiple_of3A_186] : memref<32x1000000xf32, #tpu.memory_space<hbm>> -> memref<8x6400xf32, #tpu.memory_space<hbm>>
    %dma_wait3A_197 = tpu.memref_slice %arg2[%multiple_of3A, %multiple_of3A_186] : memref<32x1000000xf32, #tpu.memory_space<hbm>> -> memref<8x6400xf32, #tpu.memory_space<hbm>>
    tpu.wait_dma2 semaphore(%arg16 : memref<!tpu.dma_semaphore, #tpu.memory_space<semaphore_mem>>) src(%dma_wait3A_197 : memref<8x6400xf32, #tpu.memory_space<hbm>>) dst(%arg8 : memref<8x6400xf32, #tpu.memory_space<vmem>>)
    %parallel_loop3A_198 = arith.constant 0 : i32
    %parallel_loop3A_199 = arith.constant 400 : i32
    %parallel_loop3A_200 = arith.constant 1 : i32
    %parallel_loop3A_201 = arith.constant 5200 : i32
    %parallel_loop3A_202:16 = scf.for %parallel_loop3A_545 = %parallel_loop3A_198 to %parallel_loop3A_199 step %parallel_loop3A_200 iter_args(%parallel_loop3A_546 = %parallel_loop3A_195#0, %parallel_loop3A_547 = %parallel_loop3A_195#1, %parallel_loop3A_548 = %parallel_loop3A_195#2, %parallel_loop3A_549 = %parallel_loop3A_195#3, %parallel_loop3A_550 = %parallel_loop3A_195#4, %parallel_loop3A_551 = %parallel_loop3A_195#5, %parallel_loop3A_552 = %parallel_loop3A_195#6, %parallel_loop3A_553 = %parallel_loop3A_195#7, %parallel_loop3A_554 = %parallel_loop3A_195#8, %parallel_loop3A_555 = %parallel_loop3A_195#9, %parallel_loop3A_556 = %parallel_loop3A_195#10, %parallel_loop3A_557 = %parallel_loop3A_195#11, %parallel_loop3A_558 = %parallel_loop3A_195#12, %parallel_loop3A_559 = %parallel_loop3A_195#13, %parallel_loop3A_560 = %parallel_loop3A_195#14, %parallel_loop3A_561 = %parallel_loop3A_195#15) -> (vector<16xf32>, vector<16xi32>, vector<16xf32>, vector<16xi32>, vector<16xf32>, vector<16xi32>, vector<16xf32>, vector<16xi32>, vector<16xf32>, vector<16xi32>, vector<16xf32>, vector<16xi32>, vector<16xf32>, vector<16xi32>, vector<16xf32>, vector<16xi32>)  : i32 {
      %parallel_loop3A_562 = arith.addi %parallel_loop3A_201, %parallel_loop3A_545 : i32
      %parallel_loop3A_563 = vector.broadcast %parallel_loop3A_562 : i32 to vector<16xi32>
      %parallel_loop3A_564 = arith.constant 16 : i32
      %parallel_loop3A_565 = arith.muli %parallel_loop3A_545, %parallel_loop3A_564 : i32
      %parallel_loop3A_566 = arith.constant 0 : i32
      %parallel_loop3A_567 = arith.index_cast %parallel_loop3A_566 : i32 to index
      %parallel_loop3A_568 = arith.index_cast %parallel_loop3A_565 : i32 to index
      %parallel_loop3A_569 = tpu.vector_load %arg8[%parallel_loop3A_567, %parallel_loop3A_568] {strides = array<i32>} : memref<8x6400xf32, #tpu.memory_space<vmem>>, vector<1x16xf32>,
      %parallel_loop3A_570 = vector.shape_cast %parallel_loop3A_569 : vector<1x16xf32> to vector<16xf32>
      %parallel_loop3A_571 = arith.cmpf ogt, %parallel_loop3A_570, %parallel_loop3A_546 : vector<16xf32>
      %parallel_loop3A_572 = arith.select %parallel_loop3A_571, %parallel_loop3A_570, %parallel_loop3A_546 : vector<16xi1>, vector<16xf32>
      %parallel_loop3A_573 = arith.select %parallel_loop3A_571, %parallel_loop3A_563, %parallel_loop3A_547 : vector<16xi1>, vector<16xi32>
      %parallel_loop3A_574 = arith.constant 16 : i32
      %parallel_loop3A_575 = arith.muli %parallel_loop3A_545, %parallel_loop3A_574 : i32
      %parallel_loop3A_576 = arith.constant 1 : i32
      %parallel_loop3A_577 = arith.index_cast %parallel_loop3A_576 : i32 to index
      %parallel_loop3A_578 = arith.index_cast %parallel_loop3A_575 : i32 to index
      %parallel_loop3A_579 = tpu.vector_load %arg8[%parallel_loop3A_577, %parallel_loop3A_578] {strides = array<i32>} : memref<8x6400xf32, #tpu.memory_space<vmem>>, vector<1x16xf32>,
      %parallel_loop3A_580 = vector.shape_cast %parallel_loop3A_579 : vector<1x16xf32> to vector<16xf32>
      %parallel_loop3A_581 = arith.cmpf ogt, %parallel_loop3A_580, %parallel_loop3A_548 : vector<16xf32>
      %parallel_loop3A_582 = arith.select %parallel_loop3A_581, %parallel_loop3A_580, %parallel_loop3A_548 : vector<16xi1>, vector<16xf32>
      %parallel_loop3A_583 = arith.select %parallel_loop3A_581, %parallel_loop3A_563, %parallel_loop3A_549 : vector<16xi1>, vector<16xi32>
      %parallel_loop3A_584 = arith.constant 16 : i32
      %parallel_loop3A_585 = arith.muli %parallel_loop3A_545, %parallel_loop3A_584 : i32
      %parallel_loop3A_586 = arith.constant 2 : i32
      %parallel_loop3A_587 = arith.index_cast %parallel_loop3A_586 : i32 to index
      %parallel_loop3A_588 = arith.index_cast %parallel_loop3A_585 : i32 to index
      %parallel_loop3A_589 = tpu.vector_load %arg8[%parallel_loop3A_587, %parallel_loop3A_588] {strides = array<i32>} : memref<8x6400xf32, #tpu.memory_space<vmem>>, vector<1x16xf32>,
      %parallel_loop3A_590 = vector.shape_cast %parallel_loop3A_589 : vector<1x16xf32> to vector<16xf32>
      %parallel_loop3A_591 = arith.cmpf ogt, %parallel_loop3A_590, %parallel_loop3A_550 : vector<16xf32>
      %parallel_loop3A_592 = arith.select %parallel_loop3A_591, %parallel_loop3A_590, %parallel_loop3A_550 : vector<16xi1>, vector<16xf32>
      %parallel_loop3A_593 = arith.select %parallel_loop3A_591, %parallel_loop3A_563, %parallel_loop3A_551 : vector<16xi1>, vector<16xi32>
      %parallel_loop3A_594 = arith.constant 16 : i32
      %parallel_loop3A_595 = arith.muli %parallel_loop3A_545, %parallel_loop3A_594 : i32
      %parallel_loop3A_596 = arith.constant 3 : i32
      %parallel_loop3A_597 = arith.index_cast %parallel_loop3A_596 : i32 to index
      %parallel_loop3A_598 = arith.index_cast %parallel_loop3A_595 : i32 to index
      %parallel_loop3A_599 = tpu.vector_load %arg8[%parallel_loop3A_597, %parallel_loop3A_598] {strides = array<i32>} : memref<8x6400xf32, #tpu.memory_space<vmem>>, vector<1x16xf32>,
      %parallel_loop3A_600 = vector.shape_cast %parallel_loop3A_599 : vector<1x16xf32> to vector<16xf32>
      %parallel_loop3A_601 = arith.cmpf ogt, %parallel_loop3A_600, %parallel_loop3A_552 : vector<16xf32>
      %parallel_loop3A_602 = arith.select %parallel_loop3A_601, %parallel_loop3A_600, %parallel_loop3A_552 : vector<16xi1>, vector<16xf32>
      %parallel_loop3A_603 = arith.select %parallel_loop3A_601, %parallel_loop3A_563, %parallel_loop3A_553 : vector<16xi1>, vector<16xi32>
      %parallel_loop3A_604 = arith.constant 16 : i32
      %parallel_loop3A_605 = arith.muli %parallel_loop3A_545, %parallel_loop3A_604 : i32
      %parallel_loop3A_606 = arith.constant 4 : i32
      %parallel_loop3A_607 = arith.index_cast %parallel_loop3A_606 : i32 to index
      %parallel_loop3A_608 = arith.index_cast %parallel_loop3A_605 : i32 to index
      %parallel_loop3A_609 = tpu.vector_load %arg8[%parallel_loop3A_607, %parallel_loop3A_608] {strides = array<i32>} : memref<8x6400xf32, #tpu.memory_space<vmem>>, vector<1x16xf32>,
      %parallel_loop3A_610 = vector.shape_cast %parallel_loop3A_609 : vector<1x16xf32> to vector<16xf32>
      %parallel_loop3A_611 = arith.cmpf ogt, %parallel_loop3A_610, %parallel_loop3A_554 : vector<16xf32>
      %parallel_loop3A_612 = arith.select %parallel_loop3A_611, %parallel_loop3A_610, %parallel_loop3A_554 : vector<16xi1>, vector<16xf32>
      %parallel_loop3A_613 = arith.select %parallel_loop3A_611, %parallel_loop3A_563, %parallel_loop3A_555 : vector<16xi1>, vector<16xi32>
      %parallel_loop3A_614 = arith.constant 16 : i32
      %parallel_loop3A_615 = arith.muli %parallel_loop3A_545, %parallel_loop3A_614 : i32
      %parallel_loop3A_616 = arith.constant 5 : i32
      %parallel_loop3A_617 = arith.index_cast %parallel_loop3A_616 : i32 to index
      %parallel_loop3A_618 = arith.index_cast %parallel_loop3A_615 : i32 to index
      %parallel_loop3A_619 = tpu.vector_load %arg8[%parallel_loop3A_617, %parallel_loop3A_618] {strides = array<i32>} : memref<8x6400xf32, #tpu.memory_space<vmem>>, vector<1x16xf32>,
      %parallel_loop3A_620 = vector.shape_cast %parallel_loop3A_619 : vector<1x16xf32> to vector<16xf32>
      %parallel_loop3A_621 = arith.cmpf ogt, %parallel_loop3A_620, %parallel_loop3A_556 : vector<16xf32>
      %parallel_loop3A_622 = arith.select %parallel_loop3A_621, %parallel_loop3A_620, %parallel_loop3A_556 : vector<16xi1>, vector<16xf32>
      %parallel_loop3A_623 = arith.select %parallel_loop3A_621, %parallel_loop3A_563, %parallel_loop3A_557 : vector<16xi1>, vector<16xi32>
      %parallel_loop3A_624 = arith.constant 16 : i32
      %parallel_loop3A_625 = arith.muli %parallel_loop3A_545, %parallel_loop3A_624 : i32
      %parallel_loop3A_626 = arith.constant 6 : i32
      %parallel_loop3A_627 = arith.index_cast %parallel_loop3A_626 : i32 to index
      %parallel_loop3A_628 = arith.index_cast %parallel_loop3A_625 : i32 to index
      %parallel_loop3A_629 = tpu.vector_load %arg8[%parallel_loop3A_627, %parallel_loop3A_628] {strides = array<i32>} : memref<8x6400xf32, #tpu.memory_space<vmem>>, vector<1x16xf32>,
      %parallel_loop3A_630 = vector.shape_cast %parallel_loop3A_629 : vector<1x16xf32> to vector<16xf32>
      %parallel_loop3A_631 = arith.cmpf ogt, %parallel_loop3A_630, %parallel_loop3A_558 : vector<16xf32>
      %parallel_loop3A_632 = arith.select %parallel_loop3A_631, %parallel_loop3A_630, %parallel_loop3A_558 : vector<16xi1>, vector<16xf32>
      %parallel_loop3A_633 = arith.select %parallel_loop3A_631, %parallel_loop3A_563, %parallel_loop3A_559 : vector<16xi1>, vector<16xi32>
      %parallel_loop3A_634 = arith.constant 16 : i32
      %parallel_loop3A_635 = arith.muli %parallel_loop3A_545, %parallel_loop3A_634 : i32
      %parallel_loop3A_636 = arith.constant 7 : i32
      %parallel_loop3A_637 = arith.index_cast %parallel_loop3A_636 : i32 to index
      %parallel_loop3A_638 = arith.index_cast %parallel_loop3A_635 : i32 to index
      %parallel_loop3A_639 = tpu.vector_load %arg8[%parallel_loop3A_637, %parallel_loop3A_638] {strides = array<i32>} : memref<8x6400xf32, #tpu.memory_space<vmem>>, vector<1x16xf32>,
      %parallel_loop3A_640 = vector.shape_cast %parallel_loop3A_639 : vector<1x16xf32> to vector<16xf32>
      %parallel_loop3A_641 = arith.cmpf ogt, %parallel_loop3A_640, %parallel_loop3A_560 : vector<16xf32>
      %parallel_loop3A_642 = arith.select %parallel_loop3A_641, %parallel_loop3A_640, %parallel_loop3A_560 : vector<16xi1>, vector<16xf32>
      %parallel_loop3A_643 = arith.select %parallel_loop3A_641, %parallel_loop3A_563, %parallel_loop3A_561 : vector<16xi1>, vector<16xi32>
      scf.yield %parallel_loop3A_572, %parallel_loop3A_573, %parallel_loop3A_582, %parallel_loop3A_583, %parallel_loop3A_592, %parallel_loop3A_593, %parallel_loop3A_602, %parallel_loop3A_603, %parallel_loop3A_612, %parallel_loop3A_613, %parallel_loop3A_622, %parallel_loop3A_623, %parallel_loop3A_632, %parallel_loop3A_633, %parallel_loop3A_642, %parallel_loop3A_643 : vector<16xf32>, vector<16xi32>, vector<16xf32>, vector<16xi32>, vector<16xf32>, vector<16xi32>, vector<16xf32>, vector<16xi32>, vector<16xf32>, vector<16xi32>, vector<16xf32>, vector<16xi32>, vector<16xf32>, vector<16xi32>, vector<16xf32>, vector<16xi32>
    } {sc.loop_unroll_factor = 4 : i64, sc.parallel_access}
    %iota3A = tpu.iota {dimensions = array<i32: 0>} : vector<16xi32>
    %add3A_203 = vector.broadcast %multiple_of3A_38 : i32 to vector<16xi32>
    %add3A_204 = arith.addi %add3A_203, %iota3A : vector<16xi32>
    %swap3A = arith.constant 0 : index
    %swap3A_205 = tpu.vector_load %arg9[%swap3A] {strides = array<i32>} : memref<128xf32, #tpu.memory_space<vmem>>, vector<16xf32>,
    %swap3A_206 = vector.shape_cast %swap3A_205 : vector<16xf32> to vector<16xf32>
    %swap3A_207 = vector.shape_cast %parallel_loop3A_202#0 : vector<16xf32> to vector<16xf32>
    tpu.vector_store %arg9[%swap3A], %swap3A_207 {strides = array<i32>} : memref<128xf32, #tpu.memory_space<vmem>>, vector<16xf32>,
    %mul3A_208 = arith.constant 16 : i32
    %mul3A_209 = vector.broadcast %mul3A_208 : i32 to vector<16xi32>
    %mul3A_210 = arith.muli %parallel_loop3A_202#1, %mul3A_209 : vector<16xi32>
    %add3A_211 = arith.addi %add3A_204, %mul3A_210 : vector<16xi32>
    %swap3A_212 = arith.constant 0 : index
    %swap3A_213 = tpu.vector_load %arg10[%swap3A_212] {strides = array<i32>} : memref<128xi32, #tpu.memory_space<vmem>>, vector<16xi32>,
    %swap3A_214 = vector.shape_cast %swap3A_213 : vector<16xi32> to vector<16xi32>
    %swap3A_215 = vector.shape_cast %add3A_211 : vector<16xi32> to vector<16xi32>
    tpu.vector_store %arg10[%swap3A_212], %swap3A_215 {strides = array<i32>} : memref<128xi32, #tpu.memory_space<vmem>>, vector<16xi32>,
    %swap3A_216 = arith.constant 16 : index
    %swap3A_217 = tpu.vector_load %arg9[%swap3A_216] {strides = array<i32>} : memref<128xf32, #tpu.memory_space<vmem>>, vector<16xf32>,
    %swap3A_218 = vector.shape_cast %swap3A_217 : vector<16xf32> to vector<16xf32>
    %swap3A_219 = vector.shape_cast %parallel_loop3A_202#2 : vector<16xf32> to vector<16xf32>
    tpu.vector_store %arg9[%swap3A_216], %swap3A_219 {strides = array<i32>} : memref<128xf32, #tpu.memory_space<vmem>>, vector<16xf32>,
    %mul3A_220 = arith.constant 16 : i32
    %mul3A_221 = vector.broadcast %mul3A_220 : i32 to vector<16xi32>
    %mul3A_222 = arith.muli %parallel_loop3A_202#3, %mul3A_221 : vector<16xi32>
    %add3A_223 = arith.addi %add3A_204, %mul3A_222 : vector<16xi32>
    %swap3A_224 = arith.constant 16 : index
    %swap3A_225 = tpu.vector_load %arg10[%swap3A_224] {strides = array<i32>} : memref<128xi32, #tpu.memory_space<vmem>>, vector<16xi32>,
    %swap3A_226 = vector.shape_cast %swap3A_225 : vector<16xi32> to vector<16xi32>
    %swap3A_227 = vector.shape_cast %add3A_223 : vector<16xi32> to vector<16xi32>
    tpu.vector_store %arg10[%swap3A_224], %swap3A_227 {strides = array<i32>} : memref<128xi32, #tpu.memory_space<vmem>>, vector<16xi32>,
    %swap3A_228 = arith.constant 32 : index
    %swap3A_229 = tpu.vector_load %arg9[%swap3A_228] {strides = array<i32>} : memref<128xf32, #tpu.memory_space<vmem>>, vector<16xf32>,
    %swap3A_230 = vector.shape_cast %swap3A_229 : vector<16xf32> to vector<16xf32>
    %swap3A_231 = vector.shape_cast %parallel_loop3A_202#4 : vector<16xf32> to vector<16xf32>
    tpu.vector_store %arg9[%swap3A_228], %swap3A_231 {strides = array<i32>} : memref<128xf32, #tpu.memory_space<vmem>>, vector<16xf32>,
    %mul3A_232 = arith.constant 16 : i32
    %mul3A_233 = vector.broadcast %mul3A_232 : i32 to vector<16xi32>
    %mul3A_234 = arith.muli %parallel_loop3A_202#5, %mul3A_233 : vector<16xi32>
    %add3A_235 = arith.addi %add3A_204, %mul3A_234 : vector<16xi32>
    %swap3A_236 = arith.constant 32 : index
    %swap3A_237 = tpu.vector_load %arg10[%swap3A_236] {strides = array<i32>} : memref<128xi32, #tpu.memory_space<vmem>>, vector<16xi32>,
    %swap3A_238 = vector.shape_cast %swap3A_237 : vector<16xi32> to vector<16xi32>
    %swap3A_239 = vector.shape_cast %add3A_235 : vector<16xi32> to vector<16xi32>
    tpu.vector_store %arg10[%swap3A_236], %swap3A_239 {strides = array<i32>} : memref<128xi32, #tpu.memory_space<vmem>>, vector<16xi32>,
    %swap3A_240 = arith.constant 48 : index
    %swap3A_241 = tpu.vector_load %arg9[%swap3A_240] {strides = array<i32>} : memref<128xf32, #tpu.memory_space<vmem>>, vector<16xf32>,
    %swap3A_242 = vector.shape_cast %swap3A_241 : vector<16xf32> to vector<16xf32>
    %swap3A_243 = vector.shape_cast %parallel_loop3A_202#6 : vector<16xf32> to vector<16xf32>
    tpu.vector_store %arg9[%swap3A_240], %swap3A_243 {strides = array<i32>} : memref<128xf32, #tpu.memory_space<vmem>>, vector<16xf32>,
    %mul3A_244 = arith.constant 16 : i32
    %mul3A_245 = vector.broadcast %mul3A_244 : i32 to vector<16xi32>
    %mul3A_246 = arith.muli %parallel_loop3A_202#7, %mul3A_245 : vector<16xi32>
    %add3A_247 = arith.addi %add3A_204, %mul3A_246 : vector<16xi32>
    %swap3A_248 = arith.constant 48 : index
    %swap3A_249 = tpu.vector_load %arg10[%swap3A_248] {strides = array<i32>} : memref<128xi32, #tpu.memory_space<vmem>>, vector<16xi32>,
    %swap3A_250 = vector.shape_cast %swap3A_249 : vector<16xi32> to vector<16xi32>
    %swap3A_251 = vector.shape_cast %add3A_247 : vector<16xi32> to vector<16xi32>
    tpu.vector_store %arg10[%swap3A_248], %swap3A_251 {strides = array<i32>} : memref<128xi32, #tpu.memory_space<vmem>>, vector<16xi32>,
    %swap3A_252 = arith.constant 64 : index
    %swap3A_253 = tpu.vector_load %arg9[%swap3A_252] {strides = array<i32>} : memref<128xf32, #tpu.memory_space<vmem>>, vector<16xf32>,
    %swap3A_254 = vector.shape_cast %swap3A_253 : vector<16xf32> to vector<16xf32>
    %swap3A_255 = vector.shape_cast %parallel_loop3A_202#8 : vector<16xf32> to vector<16xf32>
    tpu.vector_store %arg9[%swap3A_252], %swap3A_255 {strides = array<i32>} : memref<128xf32, #tpu.memory_space<vmem>>, vector<16xf32>,
    %mul3A_256 = arith.constant 16 : i32
    %mul3A_257 = vector.broadcast %mul3A_256 : i32 to vector<16xi32>
    %mul3A_258 = arith.muli %parallel_loop3A_202#9, %mul3A_257 : vector<16xi32>
    %add3A_259 = arith.addi %add3A_204, %mul3A_258 : vector<16xi32>
    %swap3A_260 = arith.constant 64 : index
    %swap3A_261 = tpu.vector_load %arg10[%swap3A_260] {strides = array<i32>} : memref<128xi32, #tpu.memory_space<vmem>>, vector<16xi32>,
    %swap3A_262 = vector.shape_cast %swap3A_261 : vector<16xi32> to vector<16xi32>
    %swap3A_263 = vector.shape_cast %add3A_259 : vector<16xi32> to vector<16xi32>
    tpu.vector_store %arg10[%swap3A_260], %swap3A_263 {strides = array<i32>} : memref<128xi32, #tpu.memory_space<vmem>>, vector<16xi32>,
    %swap3A_264 = arith.constant 80 : index
    %swap3A_265 = tpu.vector_load %arg9[%swap3A_264] {strides = array<i32>} : memref<128xf32, #tpu.memory_space<vmem>>, vector<16xf32>,
    %swap3A_266 = vector.shape_cast %swap3A_265 : vector<16xf32> to vector<16xf32>
    %swap3A_267 = vector.shape_cast %parallel_loop3A_202#10 : vector<16xf32> to vector<16xf32>
    tpu.vector_store %arg9[%swap3A_264], %swap3A_267 {strides = array<i32>} : memref<128xf32, #tpu.memory_space<vmem>>, vector<16xf32>,
    %mul3A_268 = arith.constant 16 : i32
    %mul3A_269 = vector.broadcast %mul3A_268 : i32 to vector<16xi32>
    %mul3A_270 = arith.muli %parallel_loop3A_202#11, %mul3A_269 : vector<16xi32>
    %add3A_271 = arith.addi %add3A_204, %mul3A_270 : vector<16xi32>
    %swap3A_272 = arith.constant 80 : index
    %swap3A_273 = tpu.vector_load %arg10[%swap3A_272] {strides = array<i32>} : memref<128xi32, #tpu.memory_space<vmem>>, vector<16xi32>,
    %swap3A_274 = vector.shape_cast %swap3A_273 : vector<16xi32> to vector<16xi32>
    %swap3A_275 = vector.shape_cast %add3A_271 : vector<16xi32> to vector<16xi32>
    tpu.vector_store %arg10[%swap3A_272], %swap3A_275 {strides = array<i32>} : memref<128xi32, #tpu.memory_space<vmem>>, vector<16xi32>,
    %swap3A_276 = arith.constant 96 : index
    %swap3A_277 = tpu.vector_load %arg9[%swap3A_276] {strides = array<i32>} : memref<128xf32, #tpu.memory_space<vmem>>, vector<16xf32>,
    %swap3A_278 = vector.shape_cast %swap3A_277 : vector<16xf32> to vector<16xf32>
    %swap3A_279 = vector.shape_cast %parallel_loop3A_202#12 : vector<16xf32> to vector<16xf32>
    tpu.vector_store %arg9[%swap3A_276], %swap3A_279 {strides = array<i32>} : memref<128xf32, #tpu.memory_space<vmem>>, vector<16xf32>,
    %mul3A_280 = arith.constant 16 : i32
    %mul3A_281 = vector.broadcast %mul3A_280 : i32 to vector<16xi32>
    %mul3A_282 = arith.muli %parallel_loop3A_202#13, %mul3A_281 : vector<16xi32>
    %add3A_283 = arith.addi %add3A_204, %mul3A_282 : vector<16xi32>
    %swap3A_284 = arith.constant 96 : index
    %swap3A_285 = tpu.vector_load %arg10[%swap3A_284] {strides = array<i32>} : memref<128xi32, #tpu.memory_space<vmem>>, vector<16xi32>,
    %swap3A_286 = vector.shape_cast %swap3A_285 : vector<16xi32> to vector<16xi32>
    %swap3A_287 = vector.shape_cast %add3A_283 : vector<16xi32> to vector<16xi32>
    tpu.vector_store %arg10[%swap3A_284], %swap3A_287 {strides = array<i32>} : memref<128xi32, #tpu.memory_space<vmem>>, vector<16xi32>,
    %swap3A_288 = arith.constant 112 : index
    %swap3A_289 = tpu.vector_load %arg9[%swap3A_288] {strides = array<i32>} : memref<128xf32, #tpu.memory_space<vmem>>, vector<16xf32>,
    %swap3A_290 = vector.shape_cast %swap3A_289 : vector<16xf32> to vector<16xf32>
    %swap3A_291 = vector.shape_cast %parallel_loop3A_202#14 : vector<16xf32> to vector<16xf32>
    tpu.vector_store %arg9[%swap3A_288], %swap3A_291 {strides = array<i32>} : memref<128xf32, #tpu.memory_space<vmem>>, vector<16xf32>,
    %mul3A_292 = arith.constant 16 : i32
    %mul3A_293 = vector.broadcast %mul3A_292 : i32 to vector<16xi32>
    %mul3A_294 = arith.muli %parallel_loop3A_202#15, %mul3A_293 : vector<16xi32>
    %add3A_295 = arith.addi %add3A_204, %mul3A_294 : vector<16xi32>
    %swap3A_296 = arith.constant 112 : index
    %swap3A_297 = tpu.vector_load %arg10[%swap3A_296] {strides = array<i32>} : memref<128xi32, #tpu.memory_space<vmem>>, vector<16xi32>,
    %swap3A_298 = vector.shape_cast %swap3A_297 : vector<16xi32> to vector<16xi32>
    %swap3A_299 = vector.shape_cast %add3A_295 : vector<16xi32> to vector<16xi32>
    tpu.vector_store %arg10[%swap3A_296], %swap3A_299 {strides = array<i32>} : memref<128xi32, #tpu.memory_space<vmem>>, vector<16xi32>,
    %mul3A_300 = arith.constant 128 : i32
    %mul3A_301 = arith.muli %add3A, %mul3A_300 : i32
    "tpu.region"() ({
      %run_scoped3A = tpu.sem_alloc : memref<!tpu.dma_semaphore, #tpu.memory_space<semaphore_mem>>
      %dma_start3A_545 = tpu.memref_slice %arg3[%mul3A_301] : memref<4096xf32, #tpu.memory_space<hbm>> -> memref<128xf32, #tpu.memory_space<hbm>>
      %dma_start3A_546 = tpu.memref_slice %arg3[%mul3A_301] : memref<4096xf32, #tpu.memory_space<hbm>> -> memref<128xf32, #tpu.memory_space<hbm>>
      tpu.enqueue_dma source(%arg9 : memref<128xf32, #tpu.memory_space<vmem>>) target(%dma_start3A_546 : memref<128xf32, #tpu.memory_space<hbm>>) target_semaphore(%run_scoped3A : memref<!tpu.dma_semaphore, #tpu.memory_space<semaphore_mem>>)
      %dma_wait3A_547 = tpu.memref_slice %arg3[%mul3A_301] : memref<4096xf32, #tpu.memory_space<hbm>> -> memref<128xf32, #tpu.memory_space<hbm>>
      %dma_wait3A_548 = tpu.memref_slice %arg3[%mul3A_301] : memref<4096xf32, #tpu.memory_space<hbm>> -> memref<128xf32, #tpu.memory_space<hbm>>
      tpu.wait_dma2 semaphore(%run_scoped3A : memref<!tpu.dma_semaphore, #tpu.memory_space<semaphore_mem>>) src(%arg9 : memref<128xf32, #tpu.memory_space<vmem>>) dst(%dma_wait3A_548 : memref<128xf32, #tpu.memory_space<hbm>>)
      tpu.yield
    }) : () -> ()
    %mul3A_302 = arith.constant 128 : i32
    %mul3A_303 = arith.muli %add3A, %mul3A_302 : i32
    "tpu.region"() ({
      %run_scoped3A = tpu.sem_alloc : memref<!tpu.dma_semaphore, #tpu.memory_space<semaphore_mem>>
      %dma_start3A_545 = tpu.memref_slice %arg4[%mul3A_303] : memref<4096xi32, #tpu.memory_space<hbm>> -> memref<128xi32, #tpu.memory_space<hbm>>
      %dma_start3A_546 = tpu.memref_slice %arg4[%mul3A_303] : memref<4096xi32, #tpu.memory_space<hbm>> -> memref<128xi32, #tpu.memory_space<hbm>>
      tpu.enqueue_dma source(%arg10 : memref<128xi32, #tpu.memory_space<vmem>>) target(%dma_start3A_546 : memref<128xi32, #tpu.memory_space<hbm>>) target_semaphore(%run_scoped3A : memref<!tpu.dma_semaphore, #tpu.memory_space<semaphore_mem>>)
      %dma_wait3A_547 = tpu.memref_slice %arg4[%mul3A_303] : memref<4096xi32, #tpu.memory_space<hbm>> -> memref<128xi32, #tpu.memory_space<hbm>>
      %dma_wait3A_548 = tpu.memref_slice %arg4[%mul3A_303] : memref<4096xi32, #tpu.memory_space<hbm>> -> memref<128xi32, #tpu.memory_space<hbm>>
      tpu.wait_dma2 semaphore(%run_scoped3A : memref<!tpu.dma_semaphore, #tpu.memory_space<semaphore_mem>>) src(%arg10 : memref<128xi32, #tpu.memory_space<vmem>>) dst(%dma_wait3A_548 : memref<128xi32, #tpu.memory_space<hbm>>)
      tpu.yield
    }) : () -> ()
    %barrier3A = arith.constant 0 : index
    tpu.barrier barrier_id(%barrier3A)
    %jit3A_304 = arith.constant 8 : i32
    %div3A_305 = arith.divsi %add3A, %jit3A_304 : i32
    %sign3A_306 = arith.constant 0 : i32
    %sign3A_307 = arith.cmpi sgt, %add3A, %sign3A_306 : i32
    %sign3A_308 = arith.extui %sign3A_307 : i1 to i32
    %sign3A_309 = arith.constant 0 : i32
    %sign3A_310 = arith.cmpi slt, %add3A, %sign3A_309 : i32
    %sign3A_311 = arith.extui %sign3A_310 : i1 to i32
    %sign3A_312 = arith.subi %sign3A_308, %sign3A_311 : i32
    %sign3A_313 = arith.constant 0 : i32
    %sign3A_314 = arith.cmpi sgt, %jit3A_304, %sign3A_313 : i32
    %sign3A_315 = arith.extui %sign3A_314 : i1 to i32
    %sign3A_316 = arith.constant 0 : i32
    %sign3A_317 = arith.cmpi slt, %jit3A_304, %sign3A_316 : i32
    %sign3A_318 = arith.extui %sign3A_317 : i1 to i32
    %sign3A_319 = arith.subi %sign3A_315, %sign3A_318 : i32
    %ne3A_320 = arith.cmpi ne, %sign3A_312, %sign3A_319 : i32
    %rem3A_321 = arith.remsi %add3A, %jit3A_304 : i32
    %ne3A_322 = arith.constant 0 : i32
    %ne3A_323 = arith.cmpi ne, %rem3A_321, %ne3A_322 : i32
    %and3A_324 = arith.andi %ne3A_320, %ne3A_323 : i1
    %sub3A_325 = arith.constant 1 : i32
    %sub3A_326 = arith.subi %div3A_305, %sub3A_325 : i32
    %select_n3A_327 = arith.select %and3A_324, %sub3A_326, %div3A_305 : i32
    %mul3A_328 = arith.constant 1024 : i32
    %mul3A_329 = arith.muli %select_n3A_327, %mul3A_328 : i32
    %multiple_of3A_330 = tpu.assume_multiple %mul3A_329, 1024 : i32
    "tpu.region"() ({
      %run_scoped3A = tpu.sem_alloc : memref<!tpu.dma_semaphore, #tpu.memory_space<semaphore_mem>>
      %dma_start3A_545 = tpu.memref_slice %arg3[%multiple_of3A_330] : memref<4096xf32, #tpu.memory_space<hbm>> -> memref<1024xf32, #tpu.memory_space<hbm>>
      %dma_start3A_546 = tpu.memref_slice %arg3[%multiple_of3A_330] : memref<4096xf32, #tpu.memory_space<hbm>> -> memref<1024xf32, #tpu.memory_space<hbm>>
      tpu.enqueue_dma source(%dma_start3A_546 : memref<1024xf32, #tpu.memory_space<hbm>>) target(%arg11 : memref<1024xf32, #tpu.memory_space<vmem>>) target_semaphore(%run_scoped3A : memref<!tpu.dma_semaphore, #tpu.memory_space<semaphore_mem>>)
      %dma_wait3A_547 = tpu.memref_slice %arg3[%multiple_of3A_330] : memref<4096xf32, #tpu.memory_space<hbm>> -> memref<1024xf32, #tpu.memory_space<hbm>>
      %dma_wait3A_548 = tpu.memref_slice %arg3[%multiple_of3A_330] : memref<4096xf32, #tpu.memory_space<hbm>> -> memref<1024xf32, #tpu.memory_space<hbm>>
      tpu.wait_dma2 semaphore(%run_scoped3A : memref<!tpu.dma_semaphore, #tpu.memory_space<semaphore_mem>>) src(%dma_wait3A_548 : memref<1024xf32, #tpu.memory_space<hbm>>) dst(%arg11 : memref<1024xf32, #tpu.memory_space<vmem>>)
      tpu.yield
    }) : () -> ()
    "tpu.region"() ({
      %run_scoped3A = tpu.sem_alloc : memref<!tpu.dma_semaphore, #tpu.memory_space<semaphore_mem>>
      %dma_start3A_545 = tpu.memref_slice %arg4[%multiple_of3A_330] : memref<4096xi32, #tpu.memory_space<hbm>> -> memref<1024xi32, #tpu.memory_space<hbm>>
      %dma_start3A_546 = tpu.memref_slice %arg4[%multiple_of3A_330] : memref<4096xi32, #tpu.memory_space<hbm>> -> memref<1024xi32, #tpu.memory_space<hbm>>
      tpu.enqueue_dma source(%dma_start3A_546 : memref<1024xi32, #tpu.memory_space<hbm>>) target(%arg12 : memref<1024xi32, #tpu.memory_space<vmem>>) target_semaphore(%run_scoped3A : memref<!tpu.dma_semaphore, #tpu.memory_space<semaphore_mem>>)
      %dma_wait3A_547 = tpu.memref_slice %arg4[%multiple_of3A_330] : memref<4096xi32, #tpu.memory_space<hbm>> -> memref<1024xi32, #tpu.memory_space<hbm>>
      %dma_wait3A_548 = tpu.memref_slice %arg4[%multiple_of3A_330] : memref<4096xi32, #tpu.memory_space<hbm>> -> memref<1024xi32, #tpu.memory_space<hbm>>
      tpu.wait_dma2 semaphore(%run_scoped3A : memref<!tpu.dma_semaphore, #tpu.memory_space<semaphore_mem>>) src(%dma_wait3A_548 : memref<1024xi32, #tpu.memory_space<hbm>>) dst(%arg12 : memref<1024xi32, #tpu.memory_space<vmem>>)
      tpu.yield
    }) : () -> ()
    %jit3A_331 = arith.constant 8 : i32
    %eq3A_332 = arith.constant 0 : i32
    %eq3A_333 = arith.cmpi eq, %jit3A_331, %eq3A_332 : i32
    %jit3A_334 = arith.constant 1 : i32
    %select_n3A_335 = arith.select %eq3A_333, %jit3A_334, %jit3A_331 : i32
    %rem3A_336 = arith.remsi %add3A, %select_n3A_335 : i32
    %ne3A_337 = arith.constant 0 : i32
    %ne3A_338 = arith.cmpi ne, %rem3A_336, %ne3A_337 : i32
    %lt3A_339 = arith.constant 0 : i32
    %lt3A_340 = arith.cmpi slt, %rem3A_336, %lt3A_339 : i32
    %lt3A_341 = arith.constant 0 : i32
    %lt3A_342 = arith.cmpi slt, %select_n3A_335, %lt3A_341 : i32
    %ne3A_343 = arith.xori %lt3A_340, %lt3A_342 : i1
    %and3A_344 = arith.andi %ne3A_343, %ne3A_338 : i1
    %add3A_345 = arith.addi %rem3A_336, %select_n3A_335 : i32
    %select_n3A_346 = arith.select %and3A_344, %add3A_345, %rem3A_336 : i32
    %mul3A_347 = arith.constant 16 : i32
    %mul3A_348 = arith.muli %select_n3A_346, %mul3A_347 : i32
    %get3A = arith.index_cast %mul3A_348 : i32 to index
    %get3A_349 = tpu.vector_load %arg11[%get3A] {strides = array<i32>} : memref<1024xf32, #tpu.memory_space<vmem>>, vector<16xf32>,
    %get3A_350 = vector.shape_cast %get3A_349 : vector<16xf32> to vector<16xf32>
    %get3A_351 = arith.index_cast %mul3A_348 : i32 to index
    %get3A_352 = tpu.vector_load %arg12[%get3A_351] {strides = array<i32>} : memref<1024xi32, #tpu.memory_space<vmem>>, vector<16xi32>,
    %get3A_353 = vector.shape_cast %get3A_352 : vector<16xi32> to vector<16xi32>
    %add3A_354 = arith.constant 128 : i32
    %add3A_355 = arith.addi %add3A_354, %mul3A_348 : i32
    %get3A_356 = arith.index_cast %add3A_355 : i32 to index
    %get3A_357 = tpu.vector_load %arg11[%get3A_356] {strides = array<i32>} : memref<1024xf32, #tpu.memory_space<vmem>>, vector<16xf32>,
    %get3A_358 = vector.shape_cast %get3A_357 : vector<16xf32> to vector<16xf32>
    %add3A_359 = arith.constant 128 : i32
    %add3A_360 = arith.addi %add3A_359, %mul3A_348 : i32
    %get3A_361 = arith.index_cast %add3A_360 : i32 to index
    %get3A_362 = tpu.vector_load %arg12[%get3A_361] {strides = array<i32>} : memref<1024xi32, #tpu.memory_space<vmem>>, vector<16xi32>,
    %get3A_363 = vector.shape_cast %get3A_362 : vector<16xi32> to vector<16xi32>
    %gt3A = arith.cmpf ogt, %get3A_358, %get3A_350 : vector<16xf32>
    %eq3A_364 = arith.cmpf oeq, %get3A_358, %get3A_350 : vector<16xf32>
    %lt3A_365 = arith.cmpi slt, %get3A_363, %get3A_353 : vector<16xi32>
    %and3A_366 = arith.andi %eq3A_364, %lt3A_365 : vector<16xi1>
    %or3A = arith.ori %gt3A, %and3A_366 : vector<16xi1>
    %select_n3A_367 = arith.select %or3A, %get3A_358, %get3A_350 : vector<16xi1>, vector<16xf32>
    %select_n3A_368 = arith.select %or3A, %get3A_363, %get3A_353 : vector<16xi1>, vector<16xi32>
    %add3A_369 = arith.constant 256 : i32
    %add3A_370 = arith.addi %add3A_369, %mul3A_348 : i32
    %get3A_371 = arith.index_cast %add3A_370 : i32 to index
    %get3A_372 = tpu.vector_load %arg11[%get3A_371] {strides = array<i32>} : memref<1024xf32, #tpu.memory_space<vmem>>, vector<16xf32>,
    %get3A_373 = vector.shape_cast %get3A_372 : vector<16xf32> to vector<16xf32>
    %add3A_374 = arith.constant 256 : i32
    %add3A_375 = arith.addi %add3A_374, %mul3A_348 : i32
    %get3A_376 = arith.index_cast %add3A_375 : i32 to index
    %get3A_377 = tpu.vector_load %arg12[%get3A_376] {strides = array<i32>} : memref<1024xi32, #tpu.memory_space<vmem>>, vector<16xi32>,
    %get3A_378 = vector.shape_cast %get3A_377 : vector<16xi32> to vector<16xi32>
    %gt3A_379 = arith.cmpf ogt, %get3A_373, %select_n3A_367 : vector<16xf32>
    %eq3A_380 = arith.cmpf oeq, %get3A_373, %select_n3A_367 : vector<16xf32>
    %lt3A_381 = arith.cmpi slt, %get3A_378, %select_n3A_368 : vector<16xi32>
    %and3A_382 = arith.andi %eq3A_380, %lt3A_381 : vector<16xi1>
    %or3A_383 = arith.ori %gt3A_379, %and3A_382 : vector<16xi1>
    %select_n3A_384 = arith.select %or3A_383, %get3A_373, %select_n3A_367 : vector<16xi1>, vector<16xf32>
    %select_n3A_385 = arith.select %or3A_383, %get3A_378, %select_n3A_368 : vector<16xi1>, vector<16xi32>
    %add3A_386 = arith.constant 384 : i32
    %add3A_387 = arith.addi %add3A_386, %mul3A_348 : i32
    %get3A_388 = arith.index_cast %add3A_387 : i32 to index
    %get3A_389 = tpu.vector_load %arg11[%get3A_388] {strides = array<i32>} : memref<1024xf32, #tpu.memory_space<vmem>>, vector<16xf32>,
    %get3A_390 = vector.shape_cast %get3A_389 : vector<16xf32> to vector<16xf32>
    %add3A_391 = arith.constant 384 : i32
    %add3A_392 = arith.addi %add3A_391, %mul3A_348 : i32
    %get3A_393 = arith.index_cast %add3A_392 : i32 to index
    %get3A_394 = tpu.vector_load %arg12[%get3A_393] {strides = array<i32>} : memref<1024xi32, #tpu.memory_space<vmem>>, vector<16xi32>,
    %get3A_395 = vector.shape_cast %get3A_394 : vector<16xi32> to vector<16xi32>
    %gt3A_396 = arith.cmpf ogt, %get3A_390, %select_n3A_384 : vector<16xf32>
    %eq3A_397 = arith.cmpf oeq, %get3A_390, %select_n3A_384 : vector<16xf32>
    %lt3A_398 = arith.cmpi slt, %get3A_395, %select_n3A_385 : vector<16xi32>
    %and3A_399 = arith.andi %eq3A_397, %lt3A_398 : vector<16xi1>
    %or3A_400 = arith.ori %gt3A_396, %and3A_399 : vector<16xi1>
    %select_n3A_401 = arith.select %or3A_400, %get3A_390, %select_n3A_384 : vector<16xi1>, vector<16xf32>
    %select_n3A_402 = arith.select %or3A_400, %get3A_395, %select_n3A_385 : vector<16xi1>, vector<16xi32>
    %add3A_403 = arith.constant 512 : i32
    %add3A_404 = arith.addi %add3A_403, %mul3A_348 : i32
    %get3A_405 = arith.index_cast %add3A_404 : i32 to index
    %get3A_406 = tpu.vector_load %arg11[%get3A_405] {strides = array<i32>} : memref<1024xf32, #tpu.memory_space<vmem>>, vector<16xf32>,
    %get3A_407 = vector.shape_cast %get3A_406 : vector<16xf32> to vector<16xf32>
    %add3A_408 = arith.constant 512 : i32
    %add3A_409 = arith.addi %add3A_408, %mul3A_348 : i32
    %get3A_410 = arith.index_cast %add3A_409 : i32 to index
    %get3A_411 = tpu.vector_load %arg12[%get3A_410] {strides = array<i32>} : memref<1024xi32, #tpu.memory_space<vmem>>, vector<16xi32>,
    %get3A_412 = vector.shape_cast %get3A_411 : vector<16xi32> to vector<16xi32>
    %gt3A_413 = arith.cmpf ogt, %get3A_407, %select_n3A_401 : vector<16xf32>
    %eq3A_414 = arith.cmpf oeq, %get3A_407, %select_n3A_401 : vector<16xf32>
    %lt3A_415 = arith.cmpi slt, %get3A_412, %select_n3A_402 : vector<16xi32>
    %and3A_416 = arith.andi %eq3A_414, %lt3A_415 : vector<16xi1>
    %or3A_417 = arith.ori %gt3A_413, %and3A_416 : vector<16xi1>
    %select_n3A_418 = arith.select %or3A_417, %get3A_407, %select_n3A_401 : vector<16xi1>, vector<16xf32>
    %select_n3A_419 = arith.select %or3A_417, %get3A_412, %select_n3A_402 : vector<16xi1>, vector<16xi32>
    %add3A_420 = arith.constant 640 : i32
    %add3A_421 = arith.addi %add3A_420, %mul3A_348 : i32
    %get3A_422 = arith.index_cast %add3A_421 : i32 to index
    %get3A_423 = tpu.vector_load %arg11[%get3A_422] {strides = array<i32>} : memref<1024xf32, #tpu.memory_space<vmem>>, vector<16xf32>,
    %get3A_424 = vector.shape_cast %get3A_423 : vector<16xf32> to vector<16xf32>
    %add3A_425 = arith.constant 640 : i32
    %add3A_426 = arith.addi %add3A_425, %mul3A_348 : i32
    %get3A_427 = arith.index_cast %add3A_426 : i32 to index
    %get3A_428 = tpu.vector_load %arg12[%get3A_427] {strides = array<i32>} : memref<1024xi32, #tpu.memory_space<vmem>>, vector<16xi32>,
    %get3A_429 = vector.shape_cast %get3A_428 : vector<16xi32> to vector<16xi32>
    %gt3A_430 = arith.cmpf ogt, %get3A_424, %select_n3A_418 : vector<16xf32>
    %eq3A_431 = arith.cmpf oeq, %get3A_424, %select_n3A_418 : vector<16xf32>
    %lt3A_432 = arith.cmpi slt, %get3A_429, %select_n3A_419 : vector<16xi32>
    %and3A_433 = arith.andi %eq3A_431, %lt3A_432 : vector<16xi1>
    %or3A_434 = arith.ori %gt3A_430, %and3A_433 : vector<16xi1>
    %select_n3A_435 = arith.select %or3A_434, %get3A_424, %select_n3A_418 : vector<16xi1>, vector<16xf32>
    %select_n3A_436 = arith.select %or3A_434, %get3A_429, %select_n3A_419 : vector<16xi1>, vector<16xi32>
    %add3A_437 = arith.constant 768 : i32
    %add3A_438 = arith.addi %add3A_437, %mul3A_348 : i32
    %get3A_439 = arith.index_cast %add3A_438 : i32 to index
    %get3A_440 = tpu.vector_load %arg11[%get3A_439] {strides = array<i32>} : memref<1024xf32, #tpu.memory_space<vmem>>, vector<16xf32>,
    %get3A_441 = vector.shape_cast %get3A_440 : vector<16xf32> to vector<16xf32>
    %add3A_442 = arith.constant 768 : i32
    %add3A_443 = arith.addi %add3A_442, %mul3A_348 : i32
    %get3A_444 = arith.index_cast %add3A_443 : i32 to index
    %get3A_445 = tpu.vector_load %arg12[%get3A_444] {strides = array<i32>} : memref<1024xi32, #tpu.memory_space<vmem>>, vector<16xi32>,
    %get3A_446 = vector.shape_cast %get3A_445 : vector<16xi32> to vector<16xi32>
    %gt3A_447 = arith.cmpf ogt, %get3A_441, %select_n3A_435 : vector<16xf32>
    %eq3A_448 = arith.cmpf oeq, %get3A_441, %select_n3A_435 : vector<16xf32>
    %lt3A_449 = arith.cmpi slt, %get3A_446, %select_n3A_436 : vector<16xi32>
    %and3A_450 = arith.andi %eq3A_448, %lt3A_449 : vector<16xi1>
    %or3A_451 = arith.ori %gt3A_447, %and3A_450 : vector<16xi1>
    %select_n3A_452 = arith.select %or3A_451, %get3A_441, %select_n3A_435 : vector<16xi1>, vector<16xf32>
    %select_n3A_453 = arith.select %or3A_451, %get3A_446, %select_n3A_436 : vector<16xi1>, vector<16xi32>
    %add3A_454 = arith.constant 896 : i32
    %add3A_455 = arith.addi %add3A_454, %mul3A_348 : i32
    %get3A_456 = arith.index_cast %add3A_455 : i32 to index
    %get3A_457 = tpu.vector_load %arg11[%get3A_456] {strides = array<i32>} : memref<1024xf32, #tpu.memory_space<vmem>>, vector<16xf32>,
    %get3A_458 = vector.shape_cast %get3A_457 : vector<16xf32> to vector<16xf32>
    %add3A_459 = arith.constant 896 : i32
    %add3A_460 = arith.addi %add3A_459, %mul3A_348 : i32
    %get3A_461 = arith.index_cast %add3A_460 : i32 to index
    %get3A_462 = tpu.vector_load %arg12[%get3A_461] {strides = array<i32>} : memref<1024xi32, #tpu.memory_space<vmem>>, vector<16xi32>,
    %get3A_463 = vector.shape_cast %get3A_462 : vector<16xi32> to vector<16xi32>
    %gt3A_464 = arith.cmpf ogt, %get3A_458, %select_n3A_452 : vector<16xf32>
    %eq3A_465 = arith.cmpf oeq, %get3A_458, %select_n3A_452 : vector<16xf32>
    %lt3A_466 = arith.cmpi slt, %get3A_463, %select_n3A_453 : vector<16xi32>
    %and3A_467 = arith.andi %eq3A_465, %lt3A_466 : vector<16xi1>
    %or3A_468 = arith.ori %gt3A_464, %and3A_467 : vector<16xi1>
    %select_n3A_469 = arith.select %or3A_468, %get3A_458, %select_n3A_452 : vector<16xi1>, vector<16xf32>
    %select_n3A_470 = arith.select %or3A_468, %get3A_463, %select_n3A_453 : vector<16xi1>, vector<16xi32>
    %xor3A = arith.constant 8 : i32
    %xor3A_471 = vector.broadcast %xor3A : i32 to vector<16xi32>
    %xor3A_472 = arith.xori %iota3A, %xor3A_471 : vector<16xi32>
    %broadcast_in_dim3A_473 = vector.shape_cast %xor3A_472 : vector<16xi32> to vector<16x1xi32>
    %gather3A = vector.shape_cast %broadcast_in_dim3A_473 : vector<16x1xi32> to vector<16xi32>
    %gather3A_474 = tpu.dynamic_gather %select_n3A_469[%gather3A] in [0] : vector<16xf32>, vector<16xi32> -> vector<16xf32>
    %broadcast_in_dim3A_475 = vector.shape_cast %xor3A_472 : vector<16xi32> to vector<16x1xi32>
    %gather3A_476 = vector.shape_cast %broadcast_in_dim3A_475 : vector<16x1xi32> to vector<16xi32>
    %gather3A_477 = tpu.dynamic_gather %select_n3A_470[%gather3A_476] in [0] : vector<16xi32>, vector<16xi32> -> vector<16xi32>
    %gt3A_478 = arith.cmpf ogt, %gather3A_474, %select_n3A_469 : vector<16xf32>
    %eq3A_479 = arith.cmpf oeq, %gather3A_474, %select_n3A_469 : vector<16xf32>
    %lt3A_480 = arith.cmpi slt, %gather3A_477, %select_n3A_470 : vector<16xi32>
    %and3A_481 = arith.andi %eq3A_479, %lt3A_480 : vector<16xi1>
    %or3A_482 = arith.ori %gt3A_478, %and3A_481 : vector<16xi1>
    %select_n3A_483 = arith.select %or3A_482, %gather3A_474, %select_n3A_469 : vector<16xi1>, vector<16xf32>
    %select_n3A_484 = arith.select %or3A_482, %gather3A_477, %select_n3A_470 : vector<16xi1>, vector<16xi32>
    %xor3A_485 = arith.constant 4 : i32
    %xor3A_486 = vector.broadcast %xor3A_485 : i32 to vector<16xi32>
    %xor3A_487 = arith.xori %iota3A, %xor3A_486 : vector<16xi32>
    %broadcast_in_dim3A_488 = vector.shape_cast %xor3A_487 : vector<16xi32> to vector<16x1xi32>
    %gather3A_489 = vector.shape_cast %broadcast_in_dim3A_488 : vector<16x1xi32> to vector<16xi32>
    %gather3A_490 = tpu.dynamic_gather %select_n3A_483[%gather3A_489] in [0] : vector<16xf32>, vector<16xi32> -> vector<16xf32>
    %broadcast_in_dim3A_491 = vector.shape_cast %xor3A_487 : vector<16xi32> to vector<16x1xi32>
    %gather3A_492 = vector.shape_cast %broadcast_in_dim3A_491 : vector<16x1xi32> to vector<16xi32>
    %gather3A_493 = tpu.dynamic_gather %select_n3A_484[%gather3A_492] in [0] : vector<16xi32>, vector<16xi32> -> vector<16xi32>
    %gt3A_494 = arith.cmpf ogt, %gather3A_490, %select_n3A_483 : vector<16xf32>
    %eq3A_495 = arith.cmpf oeq, %gather3A_490, %select_n3A_483 : vector<16xf32>
    %lt3A_496 = arith.cmpi slt, %gather3A_493, %select_n3A_484 : vector<16xi32>
    %and3A_497 = arith.andi %eq3A_495, %lt3A_496 : vector<16xi1>
    %or3A_498 = arith.ori %gt3A_494, %and3A_497 : vector<16xi1>
    %select_n3A_499 = arith.select %or3A_498, %gather3A_490, %select_n3A_483 : vector<16xi1>, vector<16xf32>
    %select_n3A_500 = arith.select %or3A_498, %gather3A_493, %select_n3A_484 : vector<16xi1>, vector<16xi32>
    %xor3A_501 = arith.constant 2 : i32
    %xor3A_502 = vector.broadcast %xor3A_501 : i32 to vector<16xi32>
    %xor3A_503 = arith.xori %iota3A, %xor3A_502 : vector<16xi32>
    %broadcast_in_dim3A_504 = vector.shape_cast %xor3A_503 : vector<16xi32> to vector<16x1xi32>
    %gather3A_505 = vector.shape_cast %broadcast_in_dim3A_504 : vector<16x1xi32> to vector<16xi32>
    %gather3A_506 = tpu.dynamic_gather %select_n3A_499[%gather3A_505] in [0] : vector<16xf32>, vector<16xi32> -> vector<16xf32>
    %broadcast_in_dim3A_507 = vector.shape_cast %xor3A_503 : vector<16xi32> to vector<16x1xi32>
    %gather3A_508 = vector.shape_cast %broadcast_in_dim3A_507 : vector<16x1xi32> to vector<16xi32>
    %gather3A_509 = tpu.dynamic_gather %select_n3A_500[%gather3A_508] in [0] : vector<16xi32>, vector<16xi32> -> vector<16xi32>
    %gt3A_510 = arith.cmpf ogt, %gather3A_506, %select_n3A_499 : vector<16xf32>
    %eq3A_511 = arith.cmpf oeq, %gather3A_506, %select_n3A_499 : vector<16xf32>
    %lt3A_512 = arith.cmpi slt, %gather3A_509, %select_n3A_500 : vector<16xi32>
    %and3A_513 = arith.andi %eq3A_511, %lt3A_512 : vector<16xi1>
    %or3A_514 = arith.ori %gt3A_510, %and3A_513 : vector<16xi1>
    %select_n3A_515 = arith.select %or3A_514, %gather3A_506, %select_n3A_499 : vector<16xi1>, vector<16xf32>
    %select_n3A_516 = arith.select %or3A_514, %gather3A_509, %select_n3A_500 : vector<16xi1>, vector<16xi32>
    %xor3A_517 = arith.constant 1 : i32
    %xor3A_518 = vector.broadcast %xor3A_517 : i32 to vector<16xi32>
    %xor3A_519 = arith.xori %iota3A, %xor3A_518 : vector<16xi32>
    %broadcast_in_dim3A_520 = vector.shape_cast %xor3A_519 : vector<16xi32> to vector<16x1xi32>
    %gather3A_521 = vector.shape_cast %broadcast_in_dim3A_520 : vector<16x1xi32> to vector<16xi32>
    %gather3A_522 = tpu.dynamic_gather %select_n3A_515[%gather3A_521] in [0] : vector<16xf32>, vector<16xi32> -> vector<16xf32>
    %broadcast_in_dim3A_523 = vector.shape_cast %xor3A_519 : vector<16xi32> to vector<16x1xi32>
    %gather3A_524 = vector.shape_cast %broadcast_in_dim3A_523 : vector<16x1xi32> to vector<16xi32>
    %gather3A_525 = tpu.dynamic_gather %select_n3A_516[%gather3A_524] in [0] : vector<16xi32>, vector<16xi32> -> vector<16xi32>
    %gt3A_526 = arith.cmpf ogt, %gather3A_522, %select_n3A_515 : vector<16xf32>
    %eq3A_527 = arith.cmpf oeq, %gather3A_522, %select_n3A_515 : vector<16xf32>
    %lt3A_528 = arith.cmpi slt, %gather3A_525, %select_n3A_516 : vector<16xi32>
    %and3A_529 = arith.andi %eq3A_527, %lt3A_528 : vector<16xi1>
    %or3A_530 = arith.ori %gt3A_526, %and3A_529 : vector<16xi1>
    %select_n3A_531 = arith.select %or3A_530, %gather3A_522, %select_n3A_515 : vector<16xi1>, vector<16xf32>
    %select_n3A_532 = arith.select %or3A_530, %gather3A_525, %select_n3A_516 : vector<16xi1>, vector<16xi32>
    %swap3A_533 = arith.constant 0 : index
    %swap3A_534 = tpu.vector_load %arg13[%swap3A_533] {strides = array<i32>} : memref<16xf32, #tpu.memory_space<vmem>>, vector<16xf32>,
    %swap3A_535 = vector.shape_cast %swap3A_534 : vector<16xf32> to vector<16xf32>
    %swap3A_536 = vector.shape_cast %select_n3A_531 : vector<16xf32> to vector<16xf32>
    tpu.vector_store %arg13[%swap3A_533], %swap3A_536 {strides = array<i32>} : memref<16xf32, #tpu.memory_space<vmem>>, vector<16xf32>,
    %swap3A_537 = arith.constant 0 : index
    %swap3A_538 = tpu.vector_load %arg14[%swap3A_537] {strides = array<i32>} : memref<16xi32, #tpu.memory_space<vmem>>, vector<16xi32>,
    %swap3A_539 = vector.shape_cast %swap3A_538 : vector<16xi32> to vector<16xi32>
    %swap3A_540 = vector.shape_cast %select_n3A_532 : vector<16xi32> to vector<16xi32>
    tpu.vector_store %arg14[%swap3A_537], %swap3A_540 {strides = array<i32>} : memref<16xi32, #tpu.memory_space<vmem>>, vector<16xi32>,
    %mul3A_541 = arith.constant 16 : i32
    %mul3A_542 = arith.muli %add3A, %mul3A_541 : i32
    "tpu.region"() ({
      %run_scoped3A = tpu.sem_alloc : memref<!tpu.dma_semaphore, #tpu.memory_space<semaphore_mem>>
      %dma_start3A_545 = tpu.memref_slice %arg5[%mul3A_542] : memref<512xf32, #tpu.memory_space<hbm>> -> memref<16xf32, #tpu.memory_space<hbm>>
      %dma_start3A_546 = tpu.memref_slice %arg5[%mul3A_542] : memref<512xf32, #tpu.memory_space<hbm>> -> memref<16xf32, #tpu.memory_space<hbm>>
      tpu.enqueue_dma source(%arg13 : memref<16xf32, #tpu.memory_space<vmem>>) target(%dma_start3A_546 : memref<16xf32, #tpu.memory_space<hbm>>) target_semaphore(%run_scoped3A : memref<!tpu.dma_semaphore, #tpu.memory_space<semaphore_mem>>)
      %dma_wait3A_547 = tpu.memref_slice %arg5[%mul3A_542] : memref<512xf32, #tpu.memory_space<hbm>> -> memref<16xf32, #tpu.memory_space<hbm>>
      %dma_wait3A_548 = tpu.memref_slice %arg5[%mul3A_542] : memref<512xf32, #tpu.memory_space<hbm>> -> memref<16xf32, #tpu.memory_space<hbm>>
      tpu.wait_dma2 semaphore(%run_scoped3A : memref<!tpu.dma_semaphore, #tpu.memory_space<semaphore_mem>>) src(%arg13 : memref<16xf32, #tpu.memory_space<vmem>>) dst(%dma_wait3A_548 : memref<16xf32, #tpu.memory_space<hbm>>)
      tpu.yield
    }) : () -> ()
    %mul3A_543 = arith.constant 16 : i32
    %mul3A_544 = arith.muli %add3A, %mul3A_543 : i32
    "tpu.region"() ({
      %run_scoped3A = tpu.sem_alloc : memref<!tpu.dma_semaphore, #tpu.memory_space<semaphore_mem>>
      %dma_start3A_545 = tpu.memref_slice %arg6[%mul3A_544] : memref<512xi32, #tpu.memory_space<hbm>> -> memref<16xi32, #tpu.memory_space<hbm>>
      %dma_start3A_546 = tpu.memref_slice %arg6[%mul3A_544] : memref<512xi32, #tpu.memory_space<hbm>> -> memref<16xi32, #tpu.memory_space<hbm>>
      tpu.enqueue_dma source(%arg14 : memref<16xi32, #tpu.memory_space<vmem>>) target(%dma_start3A_546 : memref<16xi32, #tpu.memory_space<hbm>>) target_semaphore(%run_scoped3A : memref<!tpu.dma_semaphore, #tpu.memory_space<semaphore_mem>>)
      %dma_wait3A_547 = tpu.memref_slice %arg6[%mul3A_544] : memref<512xi32, #tpu.memory_space<hbm>> -> memref<16xi32, #tpu.memory_space<hbm>>
      %dma_wait3A_548 = tpu.memref_slice %arg6[%mul3A_544] : memref<512xi32, #tpu.memory_space<hbm>> -> memref<16xi32, #tpu.memory_space<hbm>>
      tpu.wait_dma2 semaphore(%run_scoped3A : memref<!tpu.dma_semaphore, #tpu.memory_space<semaphore_mem>>) src(%arg14 : memref<16xi32, #tpu.memory_space<vmem>>) dst(%dma_wait3A_548 : memref<16xi32, #tpu.memory_space<hbm>>)
      tpu.yield
    }) : () -> ()
    return
  }
}

module attributes {stable_mosaic.version = 14 : i64} {
  func.func @_tc_body(%arg0: i32, %arg1: memref<32x12800xf32, #tpu.memory_space<vmem>>, %arg2: memref<32x1xf32, #tpu.memory_space<vmem>>, %arg3: memref<32x1xi32, #tpu.memory_space<vmem>>, %arg4: memref<32x12800xf32, #tpu.memory_space<vmem>>, %arg5: memref<32x12800xi32, #tpu.memory_space<vmem>>) attributes {dimension_semantics = [#tpu.dimension_semantics<arbitrary>], iteration_bounds = array<i64: 23>, scalar_prefetch = 0 : i64, scratch_operands = 2 : i64, tpu.core_type = #tpu.core_type<tc>, window_params = [{transform_indices = @transform_0, window_bounds = array<i64: 32, 12800>}, {pipeline_mode = #tpu.pipeline_mode<synchronous>, transform_indices = @transform_1, window_bounds = array<i64: 32, 1>}, {pipeline_mode = #tpu.pipeline_mode<synchronous>, transform_indices = @transform_2, window_bounds = array<i64: 32, 1>}]} {
    %mul3A = arith.constant 12800 : i32
    %mul3A_0 = arith.muli %arg0, %mul3A : i32
    %add3A = arith.constant 716800 : i32
    %add3A_1 = arith.addi %add3A, %mul3A_0 : i32
    %iota3A = tpu.iota {dimensions = array<i32: 1>} : vector<32x12800xi32>
    %add3A_2 = vector.broadcast %add3A_1 : i32 to vector<32x12800xi32>
    %add3A_3 = arith.addi %add3A_2, %iota3A : vector<32x12800xi32>
    %lt3A = arith.constant 1000000 : i32
    %lt3A_4 = vector.broadcast %lt3A : i32 to vector<32x12800xi32>
    %lt3A_5 = arith.cmpi slt, %add3A_3, %lt3A_4 : vector<32x12800xi32>
    %get3A = arith.constant 0 : index
    %get3A_6 = arith.constant 0 : index
    %get3A_7 = vector.load %arg1[%get3A, %get3A_6] : memref<32x12800xf32, #tpu.memory_space<vmem>>, vector<32x12800xf32>
    %jit3A = arith.constant 0xFF800000 : f32
    %broadcast_in_dim3A = vector.broadcast %jit3A : f32 to vector<32x12800xf32>
    %select_n3A = arith.select %lt3A_5, %get3A_7, %broadcast_in_dim3A : vector<32x12800xi1>, vector<32x12800xf32>
    %eq3A = arith.constant 0 : i32
    %eq3A_8 = arith.cmpi eq, %arg0, %eq3A : i32
    %convert_element_type3A = arith.extui %eq3A_8 : i1 to i32
    %cond3A = arith.constant 0 : i32
    %cond3A_9 = arith.cmpi ne, %convert_element_type3A, %cond3A : i32
    scf.if %cond3A_9 {
      %swap3A = arith.constant 0 : index
      %swap3A_19 = arith.constant 0 : index
      %swap3A_20 = vector.load %arg4[%swap3A, %swap3A_19] : memref<32x12800xf32, #tpu.memory_space<vmem>>, vector<32x12800xf32>
      tpu.vector_store %arg4[%swap3A, %swap3A_19], %select_n3A {strides = array<i32>} : memref<32x12800xf32, #tpu.memory_space<vmem>>, vector<32x12800xf32>,
      %swap3A_21 = arith.constant 0 : index
      %swap3A_22 = arith.constant 0 : index
      %swap3A_23 = vector.load %arg5[%swap3A_21, %swap3A_22] : memref<32x12800xi32, #tpu.memory_space<vmem>>, vector<32x12800xi32>
      tpu.vector_store %arg5[%swap3A_21, %swap3A_22], %add3A_3 {strides = array<i32>} : memref<32x12800xi32, #tpu.memory_space<vmem>>, vector<32x12800xi32>,
    } else {
    }
    %gt3A = arith.constant 0 : i32
    %gt3A_10 = arith.cmpi sgt, %arg0, %gt3A : i32
    %convert_element_type3A_11 = arith.extui %gt3A_10 : i1 to i32
    %cond3A_12 = arith.constant 0 : i32
    %cond3A_13 = arith.cmpi ne, %convert_element_type3A_11, %cond3A_12 : i32
    scf.if %cond3A_13 {
      %get3A_19 = arith.constant 0 : index
      %get3A_20 = arith.constant 0 : index
      %get3A_21 = vector.load %arg4[%get3A_19, %get3A_20] : memref<32x12800xf32, #tpu.memory_space<vmem>>, vector<32x12800xf32>
      %gt3A_22 = arith.cmpf ogt, %select_n3A, %get3A_21 : vector<32x12800xf32>
      %get3A_23 = arith.constant 0 : index
      %get3A_24 = arith.constant 0 : index
      %get3A_25 = vector.load %arg4[%get3A_23, %get3A_24] : memref<32x12800xf32, #tpu.memory_space<vmem>>, vector<32x12800xf32>
      %select_n3A_26 = arith.select %gt3A_22, %select_n3A, %get3A_25 : vector<32x12800xi1>, vector<32x12800xf32>
      %swap3A = arith.constant 0 : index
      %swap3A_27 = arith.constant 0 : index
      %swap3A_28 = vector.load %arg4[%swap3A, %swap3A_27] : memref<32x12800xf32, #tpu.memory_space<vmem>>, vector<32x12800xf32>
      tpu.vector_store %arg4[%swap3A, %swap3A_27], %select_n3A_26 {strides = array<i32>} : memref<32x12800xf32, #tpu.memory_space<vmem>>, vector<32x12800xf32>,
      %get3A_29 = arith.constant 0 : index
      %get3A_30 = arith.constant 0 : index
      %get3A_31 = vector.load %arg5[%get3A_29, %get3A_30] : memref<32x12800xi32, #tpu.memory_space<vmem>>, vector<32x12800xi32>
      %select_n3A_32 = arith.select %gt3A_22, %add3A_3, %get3A_31 : vector<32x12800xi1>, vector<32x12800xi32>
      %swap3A_33 = arith.constant 0 : index
      %swap3A_34 = arith.constant 0 : index
      %swap3A_35 = vector.load %arg5[%swap3A_33, %swap3A_34] : memref<32x12800xi32, #tpu.memory_space<vmem>>, vector<32x12800xi32>
      tpu.vector_store %arg5[%swap3A_33, %swap3A_34], %select_n3A_32 {strides = array<i32>} : memref<32x12800xi32, #tpu.memory_space<vmem>>, vector<32x12800xi32>,
    } else {
    }
    %eq3A_14 = arith.constant 22 : i32
    %eq3A_15 = arith.cmpi eq, %arg0, %eq3A_14 : i32
    %convert_element_type3A_16 = arith.extui %eq3A_15 : i1 to i32
    %cond3A_17 = arith.constant 0 : i32
    %cond3A_18 = arith.cmpi ne, %convert_element_type3A_16, %cond3A_17 : i32
    scf.if %cond3A_18 {
      %get3A_19 = arith.constant 0 : index
      %get3A_20 = arith.constant 0 : index
      %get3A_21 = vector.load %arg4[%get3A_19, %get3A_20] : memref<32x12800xf32, #tpu.memory_space<vmem>>, vector<32x12800xf32>
      %reduce_max3A = arith.constant dense<0xFF800000> : vector<32xf32>
      %reduce_max3A_22 = vector.multi_reduction <maximumf>, %get3A_21, %reduce_max3A [1] : vector<32x12800xf32> to vector<32xf32>
      %broadcast_in_dim3A_23 = vector.shape_cast %reduce_max3A_22 : vector<32xf32> to vector<32x1xf32>
      %eq3A_24 = vector.broadcast %broadcast_in_dim3A_23 : vector<32x1xf32> to vector<32x12800xf32>
      %eq3A_25 = arith.cmpf oeq, %get3A_21, %eq3A_24 : vector<32x12800xf32>
      %get3A_26 = arith.constant 0 : index
      %get3A_27 = arith.constant 0 : index
      %get3A_28 = vector.load %arg5[%get3A_26, %get3A_27] : memref<32x12800xi32, #tpu.memory_space<vmem>>, vector<32x12800xi32>
      %jit3A_29 = arith.constant 2147483647 : i32
      %broadcast_in_dim3A_30 = vector.broadcast %jit3A_29 : i32 to vector<32x12800xi32>
      %select_n3A_31 = arith.select %eq3A_25, %get3A_28, %broadcast_in_dim3A_30 : vector<32x12800xi1>, vector<32x12800xi32>
      %swap3A = arith.constant 0 : index
      %swap3A_32 = arith.constant 0 : index
      %swap3A_33 = vector.load %arg2[%swap3A, %swap3A_32] : memref<32x1xf32, #tpu.memory_space<vmem>>, vector<32x1xf32>
      tpu.vector_store %arg2[%swap3A, %swap3A_32], %broadcast_in_dim3A_23 {strides = array<i32>} : memref<32x1xf32, #tpu.memory_space<vmem>>, vector<32x1xf32>,
      %reduce_min3A = arith.constant dense<2147483647> : vector<32xi32>
      %reduce_min3A_34 = vector.multi_reduction <minsi>, %select_n3A_31, %reduce_min3A [1] : vector<32x12800xi32> to vector<32xi32>
      %broadcast_in_dim3A_35 = vector.shape_cast %reduce_min3A_34 : vector<32xi32> to vector<32x1xi32>
      %swap3A_36 = arith.constant 0 : index
      %swap3A_37 = arith.constant 0 : index
      %swap3A_38 = vector.load %arg3[%swap3A_36, %swap3A_37] : memref<32x1xi32, #tpu.memory_space<vmem>>, vector<32x1xi32>
      tpu.vector_store %arg3[%swap3A_36, %swap3A_37], %broadcast_in_dim3A_35 {strides = array<i32>} : memref<32x1xi32, #tpu.memory_space<vmem>>, vector<32x1xi32>,
    } else {
    }
    return
  }
  func.func @transform_0(%arg0: i32) -> (i32, i32) {
    %add3A = arith.constant 56 : i32
    %add3A_0 = arith.addi %add3A, %arg0 : i32
    %c0_i32 = arith.constant 0 : i32
    %c0_i32_1 = arith.constant 0 : i32
    return %c0_i32, %add3A_0 : i32, i32
  }
  func.func @transform_1(%arg0: i32) -> (i32, i32) {
    %c0_i32 = arith.constant 0 : i32
    %c0_i32_0 = arith.constant 0 : i32
    %c0_i32_1 = arith.constant 0 : i32
    return %c0_i32, %c0_i32_0 : i32, i32
  }
  func.func @transform_2(%arg0: i32) -> (i32, i32) {
    %c0_i32 = arith.constant 0 : i32
    %c0_i32_0 = arith.constant 0 : i32
    %c0_i32_1 = arith.constant 0 : i32
    return %c0_i32, %c0_i32_0 : i32, i32
  }
}

</mosaic_0001>

<sc_bundles>
// kernel: kernel.4.cloned.1.call-start
scs
__scs_entry_jumppad:
0x0: {  	(pc) =	sbr.rel $0x88, $3  }
0x1: {  	(tag) =	ssettag $0x0;
	lr =	simm.s32 $0x1  }
0x2: {  	[smem:$0x3FA0] =	sst lr;
	_ =	strace $0xD0000000  }
0x3: {  	_ = 	snop  }
0x4: {  	_ = 	snop  }
0x5: {  	_ = 	snop  }
0x6: {  	_ = 	snop  }
0x7: {  	_ = 	snop  }
__scs_overlays_trampoline_lowered:
0x8: {  	[smem:$0x3FAF] =	sst s0  }
0x9: {  	[smem:$0x3FB0] =	sst s1  }
0xa: {  	[smem:$0x3FB1] =	sst s2  }
0xb: {  	[smem:$0x3FB2] =	sst s3  }
0xc: {  	[smem:$0x3FB3] =	sst s4  }
0xd: {  	[smem:$0x3FB4] =	sst s5  }
0xe: {  	[smem:$0x3FB5] =	sst s6  }
0xf: {  	[smem:$0x3FB6] =	sst s7  }
0x10: {  	[smem:$0x3FB7] =	sst s8  }
0x11: {  	[smem:$0x3FB8] =	sst s9;
	s0 =	simm.s32 @!p0 $0x0  }
0x12: {  	s1 =	sld [smem:$0x3F9E];
	s0 =	simm.s32 @p0 $0x1  }
0x13: {  	[smem:$0x3FB9] =	sst s0;
	s0 =	simm.s32 @!p1 $0x0  }
0x14: {  	s2 =	sld [smem:$0x3F9D];
	s0 =	simm.s32 @p1 $0x1  }
0x15: {  	[smem:$0x3FBA] =	sst s0;
	s0 =	simm.s32 @!p2 $0x0  }
0x16: {  	s3 =	sld [smem:$0x3FDB];
	s0 =	simm.s32 @p2 $0x1  }
0x17: {  	s4 =	simm.s32 $0x1BF5;
	[smem:$0x3FBC] =	sst s0  }
0x18: {  	s0 =	sld [smem:$0x3F9F];
	_ =	swait.ge [sflag:s4], $0x0  }
0x19: {  	s7 =	sld [smem:$0x3FA0]  }
0x1a: {  	s8 =	sadd.s32 $0xFFFFE003, lr  }
0x1b: {  	s9 =	sadd.s32 $0xFFFFFEF7, lr;
	s5 =	simm.s32 $0xFFFFFFFF;
	p2 =	slt.u32 s8, $0xFFFFF086  }
0x1c: {  	p1 =	slt.u32 s9, $0xF7A;
	s5 =	simm.s32 @!p2 $0x0  }
0x1d: {  	s5 =	simm.s32 @p1 $0x1;
	p0 =	seq.s32 s7, s2  }
0x1e: {  	s7 =	smul.u32 @!p0 $0xF7A, s2;
	p2 =	seq.s32 @!p0 s5, $0x0  }
0x1f: {  	s9 =	smul.u32 $0xF7A, s1;
	s8 =	simm.s32 @!p0 $0x1BF5;
	p2 =	por !p2, p0  }
0x20: {  	[sflag:s8] =	ssyncset.s32 @!p0 $0xFFFFF086;
	s6 =	sadd.s32 @!p0 s3, s7;
	s7 =	simm.s32 @!p0 $0x108  }
0x21: {  	s3 =	sadd.s32 s3, s9;
	s6 =	sadd.s32 @!p0 $0x88, s6;
	s7 =	simm.s32 @p2 $0x1082  }
0x22: {  	[simem:s7], [sflag:s8] =	dma.local @!p0 [hbm:s6], $0xF7A  }
0x23: {  	s9 =	sor.u32 $0xD0000000, s2;
	s6 =	simm.s32 $0x108;
	_ =	swait.ge @!p0 [sflag:s8], $0x0  }
0x24: {  	s3 =	sadd.s32 $0x88, s3;
	s6 =	simm.s32 @!p1 $0x1082;
	[sflag:s4] =	ssyncset.s32 $0xFFFFF086  }
0x25: {  	[simem:s6], [sflag:s4] =	dma.local [hbm:s3], $0xF7A  }
0x26: {  	[smem:$0x3FA0] =	sst s1;
	(tag) =	ssettag s2;
	_ =	strace s9  }
0x27: {  	s1 =	sld [smem:$0x3FB0]  }
0x28: {  	s2 =	sld [smem:$0x3FB1]  }
0x29: {  	s4 =	sld [smem:$0x3FB3]  }
0x2a: {  	p0 =	seq.s32 s5, $0x0;
	s5 =	sld [smem:$0x3FB4]  }
0x2b: {  	s6 =	sld [smem:$0x3FB5]  }
0x2c: {  	s7 =	sld [smem:$0x3FB6]  }
0x2d: {  	s3 =	simm.s32 $0x108;
	s8 =	sld [smem:$0x3FB7]  }
0x2e: {  	s3 =	simm.s32 @!p0 $0x1082;
	s9 =	sld [smem:$0x3FB8]  }
0x2f: {  	lr =	sadd.s32 s0, s3;
	s0 =	sld [smem:$0x3FAF]  }
0x30: {  	s3 =	sld [smem:$0x3FB2]  }
0x31: {  	[smem:$0x3FBB] =	sst s10  }
0x32: {  	s10 =	sld [smem:$0x3FB9];
	_ =	sdelay $0x3  }
0x33: {  	p0 =	seq.s32 s10, $0x1;
	s10 =	sld [smem:$0x3FBB];
	_ =	sdelay $0x3  }
0x34: {  	[smem:$0x3FBB] =	sst s10  }
0x35: {  	s10 =	sld [smem:$0x3FBA];
	_ =	sdelay $0x3  }
0x36: {  	p1 =	seq.s32 s10, $0x1;
	s10 =	sld [smem:$0x3FBB];
	_ =	sdelay $0x3  }
0x37: {  	[smem:$0x3FBB] =	sst s10  }
0x38: {  	s10 =	sld [smem:$0x3FBC]  }
0x39: {  	_ = 	snop;
	(pc) =	sbr.ind lr, $3  }
0x3a: {  	_ = 	snop  }
0x3b: {  	_ = 	snop  }
0x3c: {  	p2 =	seq.s32 s10, $0x1;
	s10 =	sld [smem:$0x3FBB]  }
0x3d: {  	_ =	shalt  }
0x3e: {  	_ =	shalt  }
0x3f: {  	_ =	shalt  }
0x40: {  	_ =	shalt  }
0x41: {  	_ =	shalt  }
0x42: {  	_ =	shalt  }
0x43: {  	_ =	shalt  }
0x44: {  	_ =	shalt  }
0x45: {  	_ =	shalt  }
0x46: {  	_ =	shalt  }
0x47: {  	_ =	shalt  }
0x48: {  	_ =	shalt  }
0x49: {  	_ =	shalt  }
0x4a: {  	_ =	shalt  }
0x4b: {  	_ =	shalt  }
0x4c: {  	_ =	shalt  }
0x4d: {  	_ =	shalt  }
0x4e: {  	_ =	shalt  }
0x4f: {  	_ =	shalt  }
0x50: {  	_ =	shalt  }
0x51: {  	_ =	shalt  }
0x52: {  	_ =	shalt  }
0x53: {  	_ =	shalt  }
0x54: {  	_ =	shalt  }
0x55: {  	_ =	shalt  }
0x56: {  	_ =	shalt  }
0x57: {  	_ =	shalt  }
0x58: {  	_ =	shalt  }
0x59: {  	_ =	shalt  }
0x5a: {  	_ =	shalt  }
0x5b: {  	_ =	shalt  }
0x5c: {  	_ =	shalt  }
0x5d: {  	_ =	shalt  }
0x5e: {  	_ =	shalt  }
0x5f: {  	_ =	shalt  }
0x60: {  	_ =	shalt  }
0x61: {  	_ =	shalt  }
0x62: {  	_ =	shalt  }
0x63: {  	_ =	shalt  }
0x64: {  	_ =	shalt  }
0x65: {  	_ =	shalt  }
0x66: {  	_ =	shalt  }
0x67: {  	_ =	shalt  }
0x68: {  	_ =	shalt  }
0x69: {  	_ =	shalt  }
0x6a: {  	_ =	shalt  }
0x6b: {  	_ =	shalt  }
0x6c: {  	_ =	shalt  }
0x6d: {  	_ =	shalt  }
0x6e: {  	_ =	shalt  }
0x6f: {  	_ =	shalt  }
0x70: {  	_ =	shalt  }
0x71: {  	_ =	shalt  }
0x72: {  	_ =	shalt  }
0x73: {  	_ =	shalt  }
0x74: {  	_ =	shalt  }
0x75: {  	_ =	shalt  }
0x76: {  	_ =	shalt  }
0x77: {  	_ =	shalt  }
0x78: {  	_ =	shalt  }
0x79: {  	_ =	shalt  }
0x7a: {  	_ =	shalt  }
0x7b: {  	_ =	shalt  }
0x7c: {  	_ =	shalt  }
0x7d: {  	_ =	shalt  }
0x7e: {  	_ =	shalt  }
0x7f: {  	_ =	shalt  }
0x80: {  	_ =	shalt  }
0x81: {  	_ =	shalt  }
0x82: {  	_ =	shalt  }
0x83: {  	_ =	shalt  }
0x84: {  	_ =	shalt  }
0x85: {  	_ =	shalt  }
0x86: {  	_ =	shalt  }
0x87: {  	_ =	shalt  }
.Lfunc_end0:
.L_simem_size_0:
called_computation_lowered:
.L_overlay_start_0:
0x88: {  	s2 =	sld [smem:$0x3FD9]  }
0x89: {  	s3 =	sld [smem:$0x3FFE];
	_ =	sdelay $0x1  }
0x8a: {  	s1 =	srdreg.scid  }
0x8b: {  	s0 =	sand.u32 $0x1, s1  }
0x8c: {  	s17 =	sshll.u32 s0, $0xA;
	s2 =	sadd.s32 s3, s2  }
0x8d: {  	s2 =	sadd.s32 s2, s17  }
0x8e: {  	[smem:$0x3FC7] =	sst s2  }
0x8f: {  	_ = 	snop  }
0x90: {  	s2 =	sld [smem:$0x3FC9];
	(tm) =	ssettm $0x1  }
0x91: {  	s18 =	sld [smem:$0x3FFB];
	_ =	sdelay $0x3  }
0x92: {  	_ =	strace s18  }
0x93: {  	s3 =	sld [smem:$0x3FFC];
	_ =	sdelay $0x3  }
0x94: {  	_ =	strace s3  }
0x95: {  	s3 =	sld [smem:$0x3FFD];
	_ =	sdelay $0x3  }
0x96: {  	_ =	strace s3  }
0x97: {  	_ =	strace $0x8FFFFFFF  }
0x98: {  	s19 =	sld [smem:$0x3FDB];
	_ =	sdelay $0x1  }
0x99: {  	s4 =	simm.s32 $_scs_section_size  }
0x9a: {  	s5 =	simm.s32 $_size__tile_overlayer_lowered;
	s6 =	simm.s32 $_tile_overlayer_lowered  }
0x9b: {  	s22 =	simm.s32 $0x1BFF;
	s21 =	sshll.u32 s6, $0x1;
	s3 =	sadd.s32 s4, s19  }
0x9c: {  	s7 =	simm.s32 $0x0;
	s20 =	sshll.u32 s5, $0x1;
	s5 =	sadd.s32 s21, s3  }
0x9d: {  	[timem:s7], [sflag:s22] =	dma.local [hbm:s5], s20  }
0x9e: {  	_ =	swait.ge [sflag:s22], s20  }
0x9f: {  	s4 =	ssub.s32 $0x0, s20;
	[sflag:s22] =	ssyncset.done $0x0  }
0xa0: {  	[sflag:s22] =	ssyncadd.s32 s4;
	_ =	sdelay $0x1  }
0xa1: {  	s23 =	simm.s32 $0x1B8B  }
0xa2: {  	_ =	swait.ge [sflag:s23], $0x1  }
0xa3: {  	[sflag:s23] =	ssyncset.done $0x0  }
0xa4: {  	s25 =	simm.s32 $0x1B8E;
	s24 =	sld [smem:$0x3FFE];
	[sflag:s23] =	ssyncadd.s32 $0xFFFFFFFF  }
0xa5: {  	s26 =	simm.s32 $execute0_lowered;
	[smem:$0x3FD2] =	sst s25  }
0xa6: {  	s5 =	sshll.u32 s26, $0x1;
	_ =	strace $0x80000046;
	[dreg:$0x1] =	wrdreg $0xFFFFFFFF  }
0xa7: {  	s28 =	simm.s32 $_size_execute0_lowered;
	s3 =	sadd.s32 s3, s5;
	[dreg:$0x0] =	wrdreg $0x0  }
0xa8: {  	s5 =	sshll.u32 s28, $0x1;
	[dreg:$0x2] =	wrdreg s3  }
0xa9: {  	[dreg:$0x3] =	wrdreg s5  }
0xaa: {  	[dreg:$0x4] =	wrdreg $0xC0  }
0xab: {  	_ =	task [dreg:s7], $0x5FFFF  }
0xac: {  	[dreg:$0x1] =	wrdreg $0xFFFFFFFF  }
0xad: {  	[dreg:$0x0] =	wrdreg $0x60  }
0xae: {  	[dreg:$0x2] =	wrdreg s2  }
0xaf: {  	[dreg:$0x3] =	wrdreg s24  }
0xb0: {  	[dreg:$0x4] =	wrdreg $0x9  }
0xb1: {  	_ =	task.clear_ibuf [dreg:s7], $0x5FFFF;
	_ =	strace $0x90000046  }
0xb2: {  	s29 =	simm.s32 $0x9;
	_ =	strace $0x80000048  }
0xb3: {  	_ =	swait.ge [sflag:s29], $0x1  }
0xb4: {  	[sflag:s29] =	ssyncadd.s32 $0xFFFFFFFF  }
0xb5: {  	_ =	strace $0x90000048  }
0xb6: {  	_ =	sfence  }
0xb7: {  	s30 =	sld [smem:$0x0];
	_ =	sdelay $0x2  }
0xb8: {  	s31 =	sshll.u32 s1, $0xD;
	s1 =	sshrl.u32 s1, $0x2  }
0xb9: {  	s3 =	sand.u32 $0x4000, s31;
	s1 =	sadd.s32 s1, s30  }
0xba: {  	s0 =	sor.u32 s3, s0;
	s1 =	sshll.u32 s1, $0x11  }
0xbb: {  	s0 =	sor.u32 s1, s0  }
0xbc: {  	s0 =	sadd.s32 $0x8F2B, s0  }
0xbd: {  	[sflag:s0] =	ssyncadd.remote.s32 $0x1  }
0xbe: {  	_ =	sfence.sel $0xFFFF  }
0xbf: {  	[dreg:$0x0] =	wrdreg $0xFFFFFFFF;
	(pc) =	sbr.abs _section_cstart, $3  }
0xc0: {  	[dreg:$0x1] =	wrdreg $0xFFFFFFFF  }
0xc1: {  	_ =	task.clear_ibuf [dreg:s7], $0x2FFFF;
	_ =	strace $0x9FFFFFFF  }
0xc2: {  	(tm) =	ssettm $0x7FFFFFFF  }
0xc3: {  	_ =	shalt  }
tec
execute0_lowered:
.L_overlay_start_1:
0x0: {  	(tag) =	ssettag $0x1  }
0x1: {  	s0 =	srdreg.scid  }
0x2: {  	s10 =	stileid.u32;
	s0 =	sand.u32 $0x1, s0  }
0x3: {  	s1 =	rddreg [dreg:$0x0];
	s4 =	sshrl.u32 s10, $0x3;
	s5 =	sshll.u32 s0, $0x1  }
0x4: {  	s3 =	rddreg [dreg:$0x1];
	s4 =	sor.u32 s4, s5  }
0x5: {  	s2 =	simm.s32 $0x0;
	s5 =	sand.u32 $0x7, s10;
	s4 =	smul.u32 $0x7A1400, s4  }
0x6: {  	[smem:$0x7FF] =	sst s2;
	s7 =	sshll.u32 s0, $0x4;
	s6 =	smul.u32 $0xAF000, s5  }
0x7: {  	s8 =	sadd.s32 $0xA00, s3;
	s9 =	sadd.s32 $0xC00, s3;
	s10 =	sor.u32 s10, s7  }
0x8: {  	s12 =	sshll.u32 s10, $0x1;
	p0 =	seq.s32 s10, $0x0;
	s4 =	sadd.s32 s6, s4  }
0x9: {  	s23 =	sshrl.u32 s10, $0x3;
	s26 =	sshll.u32 s10, $0x4;
	s4 =	sshrl.u32 s4, $0x3  }
0xa: {  	s10 =	sadd.s32 s8, s26;
	s6 =	sadd.s32 s12, s3;
	s3 =	sadd.s32 s1, s4  }
0xb: {  	_ =	strace $0x80000047;
	[dreg:$0x10] =	wrdreg s10;
	s1 =	sadd.s32 $0x1900, s3  }
0xc: {  	s15 =	sadd.s32 $0x3200, s3;
	[dreg:$0x3] =	wrdreg s1  }
0xd: {  	s16 =	sadd.s32 $0x4B00, s3;
	[dreg:$0x4] =	wrdreg s15  }
0xe: {  	s17 =	sadd.s32 $0x6400, s3;
	[dreg:$0x5] =	wrdreg s16  }
0xf: {  	s18 =	sadd.s32 $0x7D00, s3;
	[dreg:$0x6] =	wrdreg s17  }
0x10: {  	s0 =	ssub.s32 $0x2, s0;
	s19 =	sadd.s32 $0x9600, s3;
	[dreg:$0x7] =	wrdreg s18  }
0x11: {  	s13 =	sshrl.u32 s0, $0x1;
	s20 =	sadd.s32 $0xAF00, s3;
	[dreg:$0x8] =	wrdreg s19  }
0x12: {  	s7 =	simm.s32 $0x0;
	s21 =	sadd.s32 $0xC800, s3;
	[dreg:$0x9] =	wrdreg s20  }
0x13: {  	v0 =	vimm.s32 $0x76543210;
	v1 =	vimm.s32 $0xFEDCBA98;
	s0 =	ssub.s32 s0, s13;
	s22 =	sadd.s32 $0xE100, s3;
	[dreg:$0xa] =	wrdreg s21  }
0x14: {  	v2 =	vimm.s32 $0xBA98FEDC;
	v3 =	vimm.s32 $0x32107654;
	s14 =	smul.u32 $0x15E00, s5;
	s4 =	sadd.s32 $0xFA00, s3;
	[dreg:$0xb] =	wrdreg s22  }
0x15: {  	v4 =	vimm.s32 $0xDCFE98BA;
	v5 =	vimm.s32 $0x54761032;
	p1 =	sne.s32 s5, $0x0;
	s11 =	sadd.s32 $0x11300, s3;
	[dreg:$0xc] =	wrdreg s4  }
0x16: {  	v6 =	vimm.s32 $0xEFCDAB89;
	v7 =	vimm.s32 $0x67452301;
	p0 =	por !p1, !p0;
	s24 =	sadd.s32 $0x12C00, s3;
	[dreg:$0xd] =	wrdreg s11  }
0x17: {  	v0 =	vunpack.c.l.s4.s8 v0;
	v1 =	vunpack.c.l.s4.s8 v1;
	v2 =	vunpack.c.l.s4.s8 v2;
	p0 =	por !p0, !p0;
	s25 =	sadd.s32 $0x14500, s3;
	[dreg:$0xe] =	wrdreg s24  }
0x18: {  	v3 =	vunpack.c.l.s4.s8 v3;
	v4 =	vunpack.c.l.s4.s8 v4;
	v5 =	vunpack.c.l.s4.s8 v5;
	s1 =	simm.s32 $0x1;
	[dreg:$0xf] =	wrdreg s25;
	s18 =	sadd.s32 s9, s26  }
0x19: {  	v6 =	vunpack.c.l.s4.s8 v6;
	v7 =	vunpack.c.l.s4.s8 v7;
	v2 =	vunpack.c.0.s8.s32 v2;
	s21 =	sshll.u32 s5, $0x4;
	s22 =	sadd.s32 $0x1000, s6;
	s24 =	smax.u32 s0, $0x1  }
0x1a: {  	v3 =	vunpack.c.0.s8.s32 v3;
	v4 =	vunpack.c.0.s8.s32 v4;
	v5 =	vunpack.c.0.s8.s32 v5;
	s25 =	simm.s32 $0x1;
	s4 =	simm.s32 $0xC800;
	s5 =	simm.s32 $0x2  }
0x1b: {  	v1 =	vunpack.c.0.s8.s32 v1;
	v6 =	vunpack.c.0.s8.s32 v6;
	v7 =	vunpack.c.0.s8.s32 v7;
	s1 =	simm.s32 @!p0 $0x0;
	s26 =	sor.u32 $0x80, s21;
	s28 =	sor.u32 $0x100, s21  }
0x1c: {  	v2 =	vcombine.low v3, v2;
	v3 =	vcombine.low v5, v4;
	v4 =	vunpack.c.0.s8.s32 v0;
	s29 =	sor.u32 $0x180, s21;
	s30 =	sor.u32 $0x200, s21;
	s1 =	ssub.s32 s23, s1  }
0x1d: {  	v5 =	vcombine.low v7, v6;
	v0 =	vlaneseq.u32;
	v1 =	vand.u32 $0xF, v1;
	s31 =	sor.u32 $0x280, s21;
	s0 =	sor.u32 $0x380, s21;
	s1 =	sshll.u32 s1, $0x7  }
0x1e: {  	v0 =	vor.u32 s14, v0;
	v1 =	vcombine.low v1, v4;
	s23 =	sadd.s32 $0xE00, s6;
	s6 =	simm.s32 $0x3;
	s1 =	sand.u32 $0x1FFFFF80, s1  }
0x1f: {  	v2 =	vand.u32 $0xF, v2;
	v3 =	vand.u32 $0xF, v3;
	v4 =	vand.u32 $0xF, v5;
	s19 =	sadd.s32 s8, s1;
	s20 =	sadd.s32 s9, s1;
	s1 =	sor.u32 $0x300, s21  }
.LBB2_1:
0x20: {  	[tilespmem:s2], [sflag:$0x1] =	stream.linear.gather [hbm4b:s3+s2], $0xC800, $0x38;
	[tilespmem:$0x19A00] =	vst v63  }
0x21: {  	s8 =	rddreg [dreg:$0x3]  }
0x22: {  	[tilespmem:s4], [sflag:$0x2] =	stream.linear.gather [hbm4b:s8+s2], $0xC800, $0x38;
	[tilespmem:$0x19A00] =	vst v63  }
0x23: {  	_ =	swait.ge [sflag:s25], $0xC800  }
0x24: {  	s15 =	sand.u32 $0x70, s2;
	s9 =	sand.u32 $0xFC00, s2;
	[sflag:s25] =	ssyncset.done $0x0  }
0x25: {  	s8 =	sor.u32 s15, s9;
	[sflag:s25] =	ssyncadd.s32 $0xFFFF3800  }
0x26: {  	v5 =	vld [tilespmem:s8+$0x0]  }
0x27: {  	v7 =	vld [tilespmem:s8+$0x80]  }
0x28: {  	v8 =	vld [tilespmem:s8+$0x100]  }
0x29: {  	s16 =	sand.u32 $0x7, s2;
	v10 =	vld [tilespmem:s8+$0x180]  }
0x2a: {  	s9 =	sshll.u32 s16, $0x4;
	v15 =	vld [tilespmem:s8+$0x200]  }
0x2b: {  	v12 =	vimm.f32 $-Inf;
	v11 =	vimm.s32 $0x0;
	s10 =	simm.s32 $0x10;
	v21 =	vimm.f32 $-Inf;
	s11 =	sadd.s32 $0x0, s9;
	s9 =	simm.s32 $0x80;
	v13 =	vld [tilespmem:s8+$0x280]  }
0x2c: {  	v23 =	vimm.f32 $-Inf;
	v24 =	vimm.s32 $0x0;
	v25 =	vimm.s32 $0x0;
	s12 =	sand.u32 $0x70, s10;
	s13 =	sand.u32 $0xFC00, s9;
	s17 =	sor.u32 $0x380, s11;
	v16 =	vld [tilespmem:s8+$0x300]  }
0x2d: {  	v20 =	vimm.s32 $0x0;
	v26 =	vimm.s32 $0x0;
	v27 =	vimm.s32 $0x0;
	s12 =	sor.u32 s12, s13;
	v22 =	vld [tilespmem:s17+$0x0]  }
0x2e: {  	v19 =	vimm.s32 $0x0;
	v18 =	vld [tilespmem:s12+$0x0];
	vm1 =	vgt.f32 v5, v12;
	vm0 =	vgt.f32 v7, v12  }
0x2f: {  	v14 =	vld [tilespmem:s12+$0x80];
	vm3 =	vgt.f32 v8, v12;
	vm2 =	vgt.f32 v15, v12;
	v5 =	vsel vm1, v5, v12  }
0x30: {  	s14 =	simm.s32 $0x1;
	s8 =	simm.s32 $0x1;
	v17 =	vld [tilespmem:s12+$0x100];
	v6 =	vsel vm1, s2, v11;
	v9 =	vsel vm0, v7, v12;
	vm1 =	vgt.f32 v10, v12  }
0x31: {  	s11 =	simm.s32 $0x0;
	s13 =	simm.s32 $0x2;
	s15 =	sand.u32 $0x7, s8;
	v7 =	vsel vm3, v8, v12;
	v8 =	vsel vm1, v10, v12;
	v10 =	vsel vm2, v15, v12;
	v15 =	vld [tilespmem:s12+$0x180]  }
.LBB2_2:
0x32: {  	p0 =	sne.s32 s13, $0x18F;
	s15 =	sshll.u32 s15, $0x4;
	v28 =	vld [tilespmem:s12+$0x200];
	vm4 =	vgt.f32 v13, v12;
	vm5 =	vgt.f32 v16, v21;
	vm6 =	vgt.f32 v22, v23  }
0x33: {  	s10 =	sadd.s32 $0x10, s10;
	s15 =	sadd.s32 s15, s9;
	s9 =	sadd.s32 $0x80, s9;
	v12 =	vsel vm4, v13, v12;
	v13 =	vld [tilespmem:s12+$0x280];
	v21 =	vsel vm5, v16, v21;
	v23 =	vsel vm6, v22, v23;
	v29 =	vmovc v18  }
0x34: {  	v11 =	vsel vm0, s11, v11;
	v24 =	vsel vm3, s11, v24;
	s16 =	sand.u32 $0x70, s10;
	v25 =	vsel vm6, s11, v25;
	s17 =	sand.u32 $0xFC00, s9;
	v16 =	vld [tilespmem:s12+$0x300];
	s15 =	sor.u32 $0x380, s15  }
.Ltmp0:
0x35: {  	v20 =	vsel vm1, s11, v20;
	v26 =	vsel vm2, s11, v26;
	v27 =	vsel vm4, s11, v27;
	s12 =	sor.u32 s16, s17;
	v22 =	vld [tilespmem:s15+$0x0];
	v30 =	vmovc v17;
	(pc) =	sbr.rel @p0 .LBB2_2-.Ltmp0, $4  }
0x36: {  	v19 =	vsel vm5, s11, v19;
	s11 =	smov.u32 s8;
	s8 =	smov.u32 s13;
	vm1 =	vgt.f32 v29, v5;
	vm0 =	vgt.f32 v14, v9;
	v18 =	vld [tilespmem:s12+$0x0]  }
0x37: {  	v5 =	vsel vm1, v29, v5;
	v6 =	vsel vm1, s11, v6;
	v9 =	vsel vm0, v14, v9;
	v14 =	vld [tilespmem:s12+$0x80]  }
0x38: {  	s14 =	sadd.s32 $0x1, s14;
	vm3 =	vgt.f32 v30, v7;
	vm1 =	vgt.f32 v15, v8;
	vm2 =	vgt.f32 v28, v10;
	v17 =	vld [tilespmem:s12+$0x100]  }
0x39: {  	s13 =	sadd.s32 $0x1, s13;
	s15 =	sand.u32 $0x7, s14;
	v7 =	vsel vm3, v30, v7;
	v8 =	vsel vm1, v15, v8;
	v10 =	vsel vm2, v28, v10;
	v15 =	vld [tilespmem:s12+$0x180]  }
0x3a: {  	s10 =	sshll.u32 s15, $0x4;
	v28 =	vld [tilespmem:s12+$0x200]  }
0x3b: {  	v29 =	vld [tilespmem:s12+$0x280];
	s9 =	sadd.s32 s10, s9  }
0x3c: {  	v30 =	vld [tilespmem:s12+$0x300];
	s14 =	simm.s32 $0x0;
	s15 =	rddreg [dreg:$0x4];
	s9 =	sor.u32 $0x380, s9  }
0x3d: {  	vm4 =	vgt.f32 v13, v12;
	vm5 =	vgt.f32 v16, v21;
	vm6 =	vgt.f32 v22, v23;
	v31 =	vld [tilespmem:s9+$0x0];
	[tilespmem:s14], [sflag:$0x1] =	stream.linear.gather [hbm4b:s15+s14], $0xC800, $0x38  }
0x3e: {  	v11 =	vsel vm0, s11, v11;
	v20 =	vsel vm1, s11, v20;
	v12 =	vsel vm4, v13, v12;
	_ =	swait.ge [sflag:s5], $0xC800  }
0x3f: {  	v13 =	vsel vm5, v16, v21;
	v16 =	vsel vm6, v22, v23;
	v21 =	vsel vm3, s11, v24;
	s16 =	sand.u32 $0x70, s14;
	s17 =	sand.u32 $0xFC00, s14;
	[sflag:s5] =	ssyncset.done $0x0  }
0x40: {  	v22 =	vsel vm6, s11, v25;
	v23 =	vsel vm2, s11, v26;
	v24 =	vsel vm4, s11, v27;
	s12 =	sor.u32 s16, s17;
	[sflag:s5] =	ssyncadd.s32 $0xFFFF3800  }
0x41: {  	vm0 =	vgt.f32 v18, v5;
	v19 =	vsel vm5, s11, v19;
	vm1 =	vgt.f32 v14, v9;
	v32 =	vld [tilespmem:s12+$0xC800]  }
0x42: {  	v18 =	vsel vm0, v18, v5;
	v33 =	vsel vm0, s8, v6;
	v34 =	vsel vm1, v14, v9;
	v35 =	vld [tilespmem:s12+$0xC880]  }
0x43: {  	vm0 =	vgt.f32 v17, v7;
	s9 =	sand.u32 $0x7, s14;
	v9 =	vsel vm1, s8, v11;
	vm2 =	vgt.f32 v15, v8;
	v36 =	vld [tilespmem:s12+$0xC900]  }
0x44: {  	v37 =	vsel vm0, v17, v7;
	s9 =	sshll.u32 s9, $0x4;
	vm3 =	vgt.f32 v28, v10;
	v38 =	vsel vm2, v15, v8;
	v39 =	vld [tilespmem:s12+$0xC980]  }
0x45: {  	vm4 =	vgt.f32 v29, v12;
	vm5 =	vgt.f32 v30, v13;
	s9 =	sadd.s32 $0x0, s9;
	v28 =	vsel vm3, v28, v10;
	v40 =	vld [tilespmem:s12+$0xCA00]  }
0x46: {  	s10 =	simm.s32 $0x80;
	s11 =	simm.s32 $0x10;
	v5 =	vsel vm4, v29, v12;
	v6 =	vsel vm5, v30, v13;
	v10 =	vsel vm0, s8, v21;
	s9 =	sor.u32 $0x380, s9;
	v25 =	vld [tilespmem:s12+$0xCB00]  }
0x47: {  	s13 =	sand.u32 $0x70, s11;
	s14 =	sand.u32 $0xFC00, s10;
	v12 =	vsel vm2, s8, v20;
	v13 =	vsel vm3, s8, v23;
	v27 =	vld [tilespmem:s9+$0xC800];
	vm15 =	vgt.f32 v31, v16  }
0x48: {  	v14 =	vsel vm4, s8, v24;
	v8 =	vsel vm5, s8, v19;
	v7 =	vsel vm15, v31, v16;
	v16 =	vld [tilespmem:s12+$0xCA80];
	s12 =	sor.u32 s13, s14  }
0x49: {  	v11 =	vsel vm15, s8, v22;
	v26 =	vld [tilespmem:s12+$0xC800];
	vm1 =	vgt.f32 v32, v18;
	vm0 =	vgt.f32 v35, v34  }
0x4a: {  	s9 =	simm.s32 $0x190;
	v15 =	vld [tilespmem:s12+$0xC880];
	vm3 =	vgt.f32 v36, v37;
	vm2 =	vgt.f32 v40, v28;
	v17 =	vsel vm1, v32, v18  }
0x4b: {  	s13 =	simm.s32 $0x1;
	v24 =	vld [tilespmem:s12+$0xC900];
	v19 =	vsel vm1, s9, v33;
	v18 =	vsel vm0, v35, v34;
	vm1 =	vgt.f32 v39, v38  }
0x4c: {  	s8 =	simm.s32 $0x191;
	s14 =	simm.s32 $0x192;
	s15 =	sand.u32 $0x7, s13;
	v20 =	vld [tilespmem:s12+$0xC980];
	v21 =	vsel vm3, v36, v37;
	v23 =	vsel vm2, v40, v28;
	v22 =	vsel vm1, v39, v38  }
.LBB2_4:
0x4d: {  	p0 =	sne.s32 s14, $0x31F;
	s15 =	sshll.u32 s15, $0x4;
	v28 =	vld [tilespmem:s12+$0xCA00];
	vm4 =	vgt.f32 v16, v5;
	vm5 =	vgt.f32 v25, v6;
	vm6 =	vgt.f32 v27, v7  }
0x4e: {  	s11 =	sadd.s32 $0x10, s11;
	s15 =	sadd.s32 s15, s10;
	s10 =	sadd.s32 $0x80, s10;
	v5 =	vsel vm4, v16, v5;
	v16 =	vld [tilespmem:s12+$0xCA80];
	v6 =	vsel vm5, v25, v6;
	v7 =	vsel vm6, v27, v7;
	v29 =	vmovc v26  }
0x4f: {  	v9 =	vsel vm0, s9, v9;
	v10 =	vsel vm3, s9, v10;
	s16 =	sand.u32 $0x70, s11;
	v11 =	vsel vm6, s9, v11;
	s17 =	sand.u32 $0xFC00, s10;
	v25 =	vld [tilespmem:s12+$0xCB00];
	s15 =	sor.u32 $0x380, s15  }
.Ltmp1:
0x50: {  	v12 =	vsel vm1, s9, v12;
	v13 =	vsel vm2, s9, v13;
	v14 =	vsel vm4, s9, v14;
	s12 =	sor.u32 s16, s17;
	v27 =	vld [tilespmem:s15+$0xC800];
	v30 =	vmovc v24;
	(pc) =	sbr.rel @p0 .LBB2_4-.Ltmp1, $4  }
0x51: {  	v8 =	vsel vm5, s9, v8;
	s9 =	smov.u32 s8;
	s8 =	smov.u32 s14;
	vm1 =	vgt.f32 v29, v17;
	vm0 =	vgt.f32 v15, v18;
	v26 =	vld [tilespmem:s12+$0xC800]  }
0x52: {  	v17 =	vsel vm1, v29, v17;
	v19 =	vsel vm1, s9, v19;
	v18 =	vsel vm0, v15, v18;
	v15 =	vld [tilespmem:s12+$0xC880]  }
0x53: {  	s13 =	sadd.s32 $0x1, s13;
	vm3 =	vgt.f32 v30, v21;
	vm1 =	vgt.f32 v20, v22;
	vm2 =	vgt.f32 v28, v23;
	v24 =	vld [tilespmem:s12+$0xC900]  }
0x54: {  	s14 =	sadd.s32 $0x1, s14;
	s15 =	sand.u32 $0x7, s13;
	v21 =	vsel vm3, v30, v21;
	v22 =	vsel vm1, v20, v22;
	v23 =	vsel vm2, v28, v23;
	v20 =	vld [tilespmem:s12+$0xC980]  }
0x55: {  	s11 =	sshll.u32 s15, $0x4;
	v28 =	vld [tilespmem:s12+$0xCA00]  }
0x56: {  	v29 =	vld [tilespmem:s12+$0xCA80];
	s10 =	sadd.s32 s11, s10  }
0x57: {  	v30 =	vld [tilespmem:s12+$0xCB00];
	s13 =	simm.s32 $0x0;
	s14 =	rddreg [dreg:$0x5];
	s10 =	sor.u32 $0x380, s10  }
0x58: {  	vm4 =	vgt.f32 v16, v5;
	vm5 =	vgt.f32 v25, v6;
	vm6 =	vgt.f32 v27, v7;
	v31 =	vld [tilespmem:s10+$0xC800];
	[tilespmem:s4], [sflag:$0x2] =	stream.linear.gather [hbm4b:s14+s13], $0xC800, $0x38  }
0x59: {  	v9 =	vsel vm0, s9, v9;
	v10 =	vsel vm3, s9, v10;
	v12 =	vsel vm1, s9, v12;
	_ =	swait.ge [sflag:s25], $0xC800  }
0x5a: {  	v13 =	vsel vm2, s9, v13;
	v5 =	vsel vm4, v16, v5;
	v6 =	vsel vm5, v25, v6;
	s15 =	sand.u32 $0x70, s13;
	s16 =	sand.u32 $0xFC00, s13;
	[sflag:s25] =	ssyncset.done $0x0  }
0x5b: {  	v7 =	vsel vm6, v27, v7;
	v11 =	vsel vm6, s9, v11;
	v14 =	vsel vm4, s9, v14;
	s12 =	sor.u32 s15, s16;
	[sflag:s25] =	ssyncadd.s32 $0xFFFF3800  }
0x5c: {  	vm0 =	vgt.f32 v26, v17;
	v8 =	vsel vm5, s9, v8;
	vm1 =	vgt.f32 v15, v18;
	v32 =	vld [tilespmem:s12+$0x0]  }
0x5d: {  	v17 =	vsel vm0, v26, v17;
	v19 =	vsel vm0, s8, v19;
	v18 =	vsel vm1, v15, v18;
	v33 =	vld [tilespmem:s12+$0x80]  }
0x5e: {  	vm0 =	vgt.f32 v24, v21;
	v9 =	vsel vm1, s8, v9;
	vm3 =	vgt.f32 v28, v23;
	v34 =	vld [tilespmem:s12+$0x100]  }
0x5f: {  	s17 =	sand.u32 $0x7, s13;
	vm2 =	vgt.f32 v20, v22;
	v21 =	vsel vm0, v24, v21;
	v23 =	vsel vm3, v28, v23;
	v28 =	vld [tilespmem:s12+$0x180]  }
0x60: {  	s9 =	sshll.u32 s17, $0x4;
	v10 =	vsel vm0, s8, v10;
	v22 =	vsel vm2, v20, v22;
	vm4 =	vgt.f32 v29, v5;
	v35 =	vld [tilespmem:s12+$0x200]  }
0x61: {  	s11 =	simm.s32 $0x10;
	s9 =	sadd.s32 $0x0, s9;
	s10 =	simm.s32 $0x80;
	vm5 =	vgt.f32 v30, v6;
	v12 =	vsel vm2, s8, v12;
	v5 =	vsel vm4, v29, v5;
	v16 =	vld [tilespmem:s12+$0x280]  }
0x62: {  	s13 =	sand.u32 $0x70, s11;
	s14 =	sand.u32 $0xFC00, s10;
	s9 =	sor.u32 $0x380, s9;
	v6 =	vsel vm5, v30, v6;
	v13 =	vsel vm3, s8, v13;
	v25 =	vld [tilespmem:s12+$0x300];
	vm15 =	vgt.f32 v31, v7  }
0x63: {  	v14 =	vsel vm4, s8, v14;
	v8 =	vsel vm5, s8, v8;
	s12 =	sor.u32 s13, s14;
	v27 =	vld [tilespmem:s9+$0x0];
	v7 =	vsel vm15, v31, v7  }
0x64: {  	v26 =	vld [tilespmem:s12+$0x0];
	v11 =	vsel vm15, s8, v11;
	vm1 =	vgt.f32 v32, v17;
	vm0 =	vgt.f32 v33, v18  }
0x65: {  	s9 =	simm.s32 $0x320;
	v15 =	vld [tilespmem:s12+$0x80];
	vm3 =	vgt.f32 v34, v21;
	vm2 =	vgt.f32 v35, v23;
	v17 =	vsel vm1, v32, v17  }
0x66: {  	s13 =	simm.s32 $0x1;
	v24 =	vld [tilespmem:s12+$0x100];
	v19 =	vsel vm1, s9, v19;
	v18 =	vsel vm0, v33, v18;
	vm1 =	vgt.f32 v28, v22  }
0x67: {  	s14 =	simm.s32 $0x322;
	s15 =	sand.u32 $0x7, s13;
	v20 =	vld [tilespmem:s12+$0x180];
	s8 =	simm.s32 $0x321;
	v21 =	vsel vm3, v34, v21;
	v23 =	vsel vm2, v35, v23;
	v22 =	vsel vm1, v28, v22  }
.LBB2_6:
0x68: {  	p0 =	sne.s32 s14, $0x4AF;
	s15 =	sshll.u32 s15, $0x4;
	v28 =	vld [tilespmem:s12+$0x200];
	vm4 =	vgt.f32 v16, v5;
	vm5 =	vgt.f32 v25, v6;
	vm6 =	vgt.f32 v27, v7  }
0x69: {  	s11 =	sadd.s32 $0x10, s11;
	s15 =	sadd.s32 s15, s10;
	s10 =	sadd.s32 $0x80, s10;
	v5 =	vsel vm4, v16, v5;
	v16 =	vld [tilespmem:s12+$0x280];
	v6 =	vsel vm5, v25, v6;
	v7 =	vsel vm6, v27, v7;
	v29 =	vmovc v26  }
0x6a: {  	v9 =	vsel vm0, s9, v9;
	v10 =	vsel vm3, s9, v10;
	s16 =	sand.u32 $0x70, s11;
	v11 =	vsel vm6, s9, v11;
	s17 =	sand.u32 $0xFC00, s10;
	v25 =	vld [tilespmem:s12+$0x300];
	s15 =	sor.u32 $0x380, s15  }
.Ltmp2:
0x6b: {  	v12 =	vsel vm1, s9, v12;
	v13 =	vsel vm2, s9, v13;
	v14 =	vsel vm4, s9, v14;
	s12 =	sor.u32 s16, s17;
	v27 =	vld [tilespmem:s15+$0x0];
	v30 =	vmovc v24;
	(pc) =	sbr.rel @p0 .LBB2_6-.Ltmp2, $4  }
0x6c: {  	v8 =	vsel vm5, s9, v8;
	s9 =	smov.u32 s8;
	s8 =	smov.u32 s14;
	vm1 =	vgt.f32 v29, v17;
	vm0 =	vgt.f32 v15, v18;
	v26 =	vld [tilespmem:s12+$0x0]  }
0x6d: {  	v17 =	vsel vm1, v29, v17;
	v19 =	vsel vm1, s9, v19;
	v18 =	vsel vm0, v15, v18;
	v15 =	vld [tilespmem:s12+$0x80]  }
0x6e: {  	s13 =	sadd.s32 $0x1, s13;
	vm3 =	vgt.f32 v30, v21;
	vm1 =	vgt.f32 v20, v22;
	vm2 =	vgt.f32 v28, v23;
	v24 =	vld [tilespmem:s12+$0x100]  }
0x6f: {  	s14 =	sadd.s32 $0x1, s14;
	s15 =	sand.u32 $0x7, s13;
	v21 =	vsel vm3, v30, v21;
	v22 =	vsel vm1, v20, v22;
	v23 =	vsel vm2, v28, v23;
	v20 =	vld [tilespmem:s12+$0x180]  }
0x70: {  	s11 =	sshll.u32 s15, $0x4;
	v28 =	vld [tilespmem:s12+$0x200]  }
0x71: {  	v29 =	vld [tilespmem:s12+$0x280];
	s10 =	sadd.s32 s11, s10  }
0x72: {  	v30 =	vld [tilespmem:s12+$0x300];
	s13 =	simm.s32 $0x0;
	s14 =	rddreg [dreg:$0x6];
	s10 =	sor.u32 $0x380, s10  }
0x73: {  	vm4 =	vgt.f32 v16, v5;
	vm5 =	vgt.f32 v25, v6;
	vm6 =	vgt.f32 v27, v7;
	v31 =	vld [tilespmem:s10+$0x0];
	[tilespmem:s13], [sflag:$0x1] =	stream.linear.gather [hbm4b:s14+s13], $0xC800, $0x38  }
0x74: {  	v9 =	vsel vm0, s9, v9;
	v10 =	vsel vm3, s9, v10;
	v12 =	vsel vm1, s9, v12;
	_ =	swait.ge [sflag:s5], $0xC800  }
0x75: {  	v13 =	vsel vm2, s9, v13;
	v5 =	vsel vm4, v16, v5;
	v6 =	vsel vm5, v25, v6;
	s15 =	sand.u32 $0x70, s13;
	s16 =	sand.u32 $0xFC00, s13;
	[sflag:s5] =	ssyncset.done $0x0  }
0x76: {  	v7 =	vsel vm6, v27, v7;
	v11 =	vsel vm6, s9, v11;
	v14 =	vsel vm4, s9, v14;
	s12 =	sor.u32 s15, s16;
	[sflag:s5] =	ssyncadd.s32 $0xFFFF3800  }
0x77: {  	vm0 =	vgt.f32 v26, v17;
	v8 =	vsel vm5, s9, v8;
	vm1 =	vgt.f32 v15, v18;
	v32 =	vld [tilespmem:s12+$0xC800]  }
0x78: {  	v17 =	vsel vm0, v26, v17;
	v19 =	vsel vm0, s8, v19;
	v18 =	vsel vm1, v15, v18;
	v33 =	vld [tilespmem:s12+$0xC880]  }
0x79: {  	vm0 =	vgt.f32 v24, v21;
	v9 =	vsel vm1, s8, v9;
	vm3 =	vgt.f32 v28, v23;
	v34 =	vld [tilespmem:s12+$0xC900]  }
0x7a: {  	s17 =	sand.u32 $0x7, s13;
	vm2 =	vgt.f32 v20, v22;
	v21 =	vsel vm0, v24, v21;
	v23 =	vsel vm3, v28, v23;
	v28 =	vld [tilespmem:s12+$0xC980]  }
0x7b: {  	s9 =	sshll.u32 s17, $0x4;
	v10 =	vsel vm0, s8, v10;
	v22 =	vsel vm2, v20, v22;
	vm4 =	vgt.f32 v29, v5;
	v35 =	vld [tilespmem:s12+$0xCA00]  }
0x7c: {  	s11 =	simm.s32 $0x10;
	s9 =	sadd.s32 $0x0, s9;
	s10 =	simm.s32 $0x80;
	vm5 =	vgt.f32 v30, v6;
	v12 =	vsel vm2, s8, v12;
	v5 =	vsel vm4, v29, v5;
	v16 =	vld [tilespmem:s12+$0xCA80]  }
0x7d: {  	s13 =	sand.u32 $0x70, s11;
	s14 =	sand.u32 $0xFC00, s10;
	s9 =	sor.u32 $0x380, s9;
	v6 =	vsel vm5, v30, v6;
	v13 =	vsel vm3, s8, v13;
	v25 =	vld [tilespmem:s12+$0xCB00];
	vm15 =	vgt.f32 v31, v7  }
0x7e: {  	v14 =	vsel vm4, s8, v14;
	v8 =	vsel vm5, s8, v8;
	s12 =	sor.u32 s13, s14;
	v27 =	vld [tilespmem:s9+$0xC800];
	v7 =	vsel vm15, v31, v7  }
0x7f: {  	v26 =	vld [tilespmem:s12+$0xC800];
	v11 =	vsel vm15, s8, v11;
	vm1 =	vgt.f32 v32, v17;
	vm0 =	vgt.f32 v33, v18  }
0x80: {  	s9 =	simm.s32 $0x4B0;
	v15 =	vld [tilespmem:s12+$0xC880];
	vm3 =	vgt.f32 v34, v21;
	vm2 =	vgt.f32 v35, v23;
	v17 =	vsel vm1, v32, v17  }
0x81: {  	s13 =	simm.s32 $0x1;
	v24 =	vld [tilespmem:s12+$0xC900];
	v19 =	vsel vm1, s9, v19;
	v18 =	vsel vm0, v33, v18;
	vm1 =	vgt.f32 v28, v22  }
0x82: {  	s14 =	simm.s32 $0x4B2;
	s15 =	sand.u32 $0x7, s13;
	v20 =	vld [tilespmem:s12+$0xC980];
	s8 =	simm.s32 $0x4B1;
	v21 =	vsel vm3, v34, v21;
	v23 =	vsel vm2, v35, v23;
	v22 =	vsel vm1, v28, v22  }
.LBB2_8:
0x83: {  	p0 =	sne.s32 s14, $0x63F;
	s15 =	sshll.u32 s15, $0x4;
	v28 =	vld [tilespmem:s12+$0xCA00];
	vm4 =	vgt.f32 v16, v5;
	vm5 =	vgt.f32 v25, v6;
	vm6 =	vgt.f32 v27, v7  }
0x84: {  	s11 =	sadd.s32 $0x10, s11;
	s15 =	sadd.s32 s15, s10;
	s10 =	sadd.s32 $0x80, s10;
	v5 =	vsel vm4, v16, v5;
	v16 =	vld [tilespmem:s12+$0xCA80];
	v6 =	vsel vm5, v25, v6;
	v7 =	vsel vm6, v27, v7;
	v29 =	vmovc v26  }
0x85: {  	v9 =	vsel vm0, s9, v9;
	v10 =	vsel vm3, s9, v10;
	s16 =	sand.u32 $0x70, s11;
	v11 =	vsel vm6, s9, v11;
	s17 =	sand.u32 $0xFC00, s10;
	v25 =	vld [tilespmem:s12+$0xCB00];
	s15 =	sor.u32 $0x380, s15  }
.Ltmp3:
0x86: {  	v12 =	vsel vm1, s9, v12;
	v13 =	vsel vm2, s9, v13;
	v14 =	vsel vm4, s9, v14;
	s12 =	sor.u32 s16, s17;
	v27 =	vld [tilespmem:s15+$0xC800];
	v30 =	vmovc v24;
	(pc) =	sbr.rel @p0 .LBB2_8-.Ltmp3, $4  }
0x87: {  	v8 =	vsel vm5, s9, v8;
	s9 =	smov.u32 s8;
	s8 =	smov.u32 s14;
	vm1 =	vgt.f32 v29, v17;
	vm0 =	vgt.f32 v15, v18;
	v26 =	vld [tilespmem:s12+$0xC800]  }
0x88: {  	v17 =	vsel vm1, v29, v17;
	v19 =	vsel vm1, s9, v19;
	v18 =	vsel vm0, v15, v18;
	v15 =	vld [tilespmem:s12+$0xC880]  }
0x89: {  	s13 =	sadd.s32 $0x1, s13;
	vm3 =	vgt.f32 v30, v21;
	vm1 =	vgt.f32 v20, v22;
	vm2 =	vgt.f32 v28, v23;
	v24 =	vld [tilespmem:s12+$0xC900]  }
0x8a: {  	s14 =	sadd.s32 $0x1, s14;
	s15 =	sand.u32 $0x7, s13;
	v21 =	vsel vm3, v30, v21;
	v22 =	vsel vm1, v20, v22;
	v23 =	vsel vm2, v28, v23;
	v20 =	vld [tilespmem:s12+$0xC980]  }
0x8b: {  	s11 =	sshll.u32 s15, $0x4;
	v28 =	vld [tilespmem:s12+$0xCA00]  }
0x8c: {  	v29 =	vld [tilespmem:s12+$0xCA80];
	s10 =	sadd.s32 s11, s10  }
0x8d: {  	v30 =	vld [tilespmem:s12+$0xCB00];
	s13 =	simm.s32 $0x0;
	s14 =	rddreg [dreg:$0x7];
	s10 =	sor.u32 $0x380, s10  }
0x8e: {  	vm4 =	vgt.f32 v16, v5;
	vm5 =	vgt.f32 v25, v6;
	vm6 =	vgt.f32 v27, v7;
	v31 =	vld [tilespmem:s10+$0xC800];
	[tilespmem:s4], [sflag:$0x2] =	stream.linear.gather [hbm4b:s14+s13], $0xC800, $0x38  }
0x8f: {  	v9 =	vsel vm0, s9, v9;
	v10 =	vsel vm3, s9, v10;
	v12 =	vsel vm1, s9, v12;
	_ =	swait.ge [sflag:s25], $0xC800  }
0x90: {  	v13 =	vsel vm2, s9, v13;
	v5 =	vsel vm4, v16, v5;
	v6 =	vsel vm5, v25, v6;
	s15 =	sand.u32 $0x70, s13;
	s16 =	sand.u32 $0xFC00, s13;
	[sflag:s25] =	ssyncset.done $0x0  }
0x91: {  	v7 =	vsel vm6, v27, v7;
	v11 =	vsel vm6, s9, v11;
	v14 =	vsel vm4, s9, v14;
	s12 =	sor.u32 s15, s16;
	[sflag:s25] =	ssyncadd.s32 $0xFFFF3800  }
0x92: {  	vm0 =	vgt.f32 v26, v17;
	v8 =	vsel vm5, s9, v8;
	vm1 =	vgt.f32 v15, v18;
	v32 =	vld [tilespmem:s12+$0x0]  }
0x93: {  	v17 =	vsel vm0, v26, v17;
	v19 =	vsel vm0, s8, v19;
	v18 =	vsel vm1, v15, v18;
	v33 =	vld [tilespmem:s12+$0x80]  }
0x94: {  	vm0 =	vgt.f32 v24, v21;
	v9 =	vsel vm1, s8, v9;
	vm3 =	vgt.f32 v28, v23;
	v34 =	vld [tilespmem:s12+$0x100]  }
0x95: {  	s17 =	sand.u32 $0x7, s13;
	vm2 =	vgt.f32 v20, v22;
	v21 =	vsel vm0, v24, v21;
	v23 =	vsel vm3, v28, v23;
	v28 =	vld [tilespmem:s12+$0x180]  }
0x96: {  	s9 =	sshll.u32 s17, $0x4;
	v10 =	vsel vm0, s8, v10;
	v22 =	vsel vm2, v20, v22;
	vm4 =	vgt.f32 v29, v5;
	v35 =	vld [tilespmem:s12+$0x200]  }
0x97: {  	s11 =	simm.s32 $0x10;
	s9 =	sadd.s32 $0x0, s9;
	s10 =	simm.s32 $0x80;
	vm5 =	vgt.f32 v30, v6;
	v12 =	vsel vm2, s8, v12;
	v5 =	vsel vm4, v29, v5;
	v16 =	vld [tilespmem:s12+$0x280]  }
0x98: {  	s13 =	sand.u32 $0x70, s11;
	s14 =	sand.u32 $0xFC00, s10;
	s9 =	sor.u32 $0x380, s9;
	v6 =	vsel vm5, v30, v6;
	v13 =	vsel vm3, s8, v13;
	v25 =	vld [tilespmem:s12+$0x300];
	vm15 =	vgt.f32 v31, v7  }
0x99: {  	v14 =	vsel vm4, s8, v14;
	v8 =	vsel vm5, s8, v8;
	s12 =	sor.u32 s13, s14;
	v27 =	vld [tilespmem:s9+$0x0];
	v7 =	vsel vm15, v31, v7  }
0x9a: {  	v26 =	vld [tilespmem:s12+$0x0];
	v11 =	vsel vm15, s8, v11;
	vm1 =	vgt.f32 v32, v17;
	vm0 =	vgt.f32 v33, v18  }
0x9b: {  	s9 =	simm.s32 $0x640;
	v15 =	vld [tilespmem:s12+$0x80];
	vm3 =	vgt.f32 v34, v21;
	vm2 =	vgt.f32 v35, v23;
	v17 =	vsel vm1, v32, v17  }
0x9c: {  	s13 =	simm.s32 $0x1;
	v24 =	vld [tilespmem:s12+$0x100];
	v19 =	vsel vm1, s9, v19;
	v18 =	vsel vm0, v33, v18;
	vm1 =	vgt.f32 v28, v22  }
0x9d: {  	s14 =	simm.s32 $0x642;
	s15 =	sand.u32 $0x7, s13;
	v20 =	vld [tilespmem:s12+$0x180];
	s8 =	simm.s32 $0x641;
	v21 =	vsel vm3, v34, v21;
	v23 =	vsel vm2, v35, v23;
	v22 =	vsel vm1, v28, v22  }
.LBB2_10:
0x9e: {  	p0 =	sne.s32 s14, $0x7CF;
	s15 =	sshll.u32 s15, $0x4;
	v28 =	vld [tilespmem:s12+$0x200];
	vm4 =	vgt.f32 v16, v5;
	vm5 =	vgt.f32 v25, v6;
	vm6 =	vgt.f32 v27, v7  }
0x9f: {  	s11 =	sadd.s32 $0x10, s11;
	s15 =	sadd.s32 s15, s10;
	s10 =	sadd.s32 $0x80, s10;
	v5 =	vsel vm4, v16, v5;
	v16 =	vld [tilespmem:s12+$0x280];
	v6 =	vsel vm5, v25, v6;
	v7 =	vsel vm6, v27, v7;
	v29 =	vmovc v26  }
0xa0: {  	v9 =	vsel vm0, s9, v9;
	v10 =	vsel vm3, s9, v10;
	s16 =	sand.u32 $0x70, s11;
	v11 =	vsel vm6, s9, v11;
	s17 =	sand.u32 $0xFC00, s10;
	v25 =	vld [tilespmem:s12+$0x300];
	s15 =	sor.u32 $0x380, s15  }
.Ltmp4:
0xa1: {  	v12 =	vsel vm1, s9, v12;
	v13 =	vsel vm2, s9, v13;
	v14 =	vsel vm4, s9, v14;
	s12 =	sor.u32 s16, s17;
	v27 =	vld [tilespmem:s15+$0x0];
	v30 =	vmovc v24;
	(pc) =	sbr.rel @p0 .LBB2_10-.Ltmp4, $4  }
0xa2: {  	v8 =	vsel vm5, s9, v8;
	s9 =	smov.u32 s8;
	s8 =	smov.u32 s14;
	vm1 =	vgt.f32 v29, v17;
	vm0 =	vgt.f32 v15, v18;
	v26 =	vld [tilespmem:s12+$0x0]  }
0xa3: {  	v17 =	vsel vm1, v29, v17;
	v19 =	vsel vm1, s9, v19;
	v18 =	vsel vm0, v15, v18;
	v15 =	vld [tilespmem:s12+$0x80]  }
0xa4: {  	s13 =	sadd.s32 $0x1, s13;
	vm3 =	vgt.f32 v30, v21;
	vm1 =	vgt.f32 v20, v22;
	vm2 =	vgt.f32 v28, v23;
	v24 =	vld [tilespmem:s12+$0x100]  }
0xa5: {  	s14 =	sadd.s32 $0x1, s14;
	s15 =	sand.u32 $0x7, s13;
	v21 =	vsel vm3, v30, v21;
	v22 =	vsel vm1, v20, v22;
	v23 =	vsel vm2, v28, v23;
	v20 =	vld [tilespmem:s12+$0x180]  }
0xa6: {  	s11 =	sshll.u32 s15, $0x4;
	v28 =	vld [tilespmem:s12+$0x200]  }
0xa7: {  	v29 =	vld [tilespmem:s12+$0x280];
	s10 =	sadd.s32 s11, s10  }
0xa8: {  	v30 =	vld [tilespmem:s12+$0x300];
	s13 =	simm.s32 $0x0;
	s14 =	rddreg [dreg:$0x8];
	s10 =	sor.u32 $0x380, s10  }
0xa9: {  	vm4 =	vgt.f32 v16, v5;
	vm5 =	vgt.f32 v25, v6;
	vm6 =	vgt.f32 v27, v7;
	v31 =	vld [tilespmem:s10+$0x0];
	[tilespmem:s13], [sflag:$0x1] =	stream.linear.gather [hbm4b:s14+s13], $0xC800, $0x38  }
0xaa: {  	v9 =	vsel vm0, s9, v9;
	v10 =	vsel vm3, s9, v10;
	v12 =	vsel vm1, s9, v12;
	_ =	swait.ge [sflag:s5], $0xC800  }
0xab: {  	v13 =	vsel vm2, s9, v13;
	v5 =	vsel vm4, v16, v5;
	v6 =	vsel vm5, v25, v6;
	s15 =	sand.u32 $0x70, s13;
	s16 =	sand.u32 $0xFC00, s13;
	[sflag:s5] =	ssyncset.done $0x0  }
0xac: {  	v7 =	vsel vm6, v27, v7;
	v11 =	vsel vm6, s9, v11;
	v14 =	vsel vm4, s9, v14;
	s12 =	sor.u32 s15, s16;
	[sflag:s5] =	ssyncadd.s32 $0xFFFF3800  }
0xad: {  	vm0 =	vgt.f32 v26, v17;
	v8 =	vsel vm5, s9, v8;
	vm1 =	vgt.f32 v15, v18;
	v32 =	vld [tilespmem:s12+$0xC800]  }
0xae: {  	v17 =	vsel vm0, v26, v17;
	v19 =	vsel vm0, s8, v19;
	v18 =	vsel vm1, v15, v18;
	v33 =	vld [tilespmem:s12+$0xC880]  }
0xaf: {  	vm0 =	vgt.f32 v24, v21;
	v9 =	vsel vm1, s8, v9;
	vm3 =	vgt.f32 v28, v23;
	v34 =	vld [tilespmem:s12+$0xC900]  }
0xb0: {  	s17 =	sand.u32 $0x7, s13;
	vm2 =	vgt.f32 v20, v22;
	v21 =	vsel vm0, v24, v21;
	v23 =	vsel vm3, v28, v23;
	v28 =	vld [tilespmem:s12+$0xC980]  }
0xb1: {  	s9 =	sshll.u32 s17, $0x4;
	v10 =	vsel vm0, s8, v10;
	v22 =	vsel vm2, v20, v22;
	vm4 =	vgt.f32 v29, v5;
	v35 =	vld [tilespmem:s12+$0xCA00]  }
0xb2: {  	s11 =	simm.s32 $0x10;
	s9 =	sadd.s32 $0x0, s9;
	s10 =	simm.s32 $0x80;
	vm5 =	vgt.f32 v30, v6;
	v12 =	vsel vm2, s8, v12;
	v5 =	vsel vm4, v29, v5;
	v16 =	vld [tilespmem:s12+$0xCA80]  }
0xb3: {  	s13 =	sand.u32 $0x70, s11;
	s14 =	sand.u32 $0xFC00, s10;
	s9 =	sor.u32 $0x380, s9;
	v6 =	vsel vm5, v30, v6;
	v13 =	vsel vm3, s8, v13;
	v25 =	vld [tilespmem:s12+$0xCB00];
	vm15 =	vgt.f32 v31, v7  }
0xb4: {  	v14 =	vsel vm4, s8, v14;
	v8 =	vsel vm5, s8, v8;
	s12 =	sor.u32 s13, s14;
	v27 =	vld [tilespmem:s9+$0xC800];
	v7 =	vsel vm15, v31, v7  }
0xb5: {  	v26 =	vld [tilespmem:s12+$0xC800];
	v11 =	vsel vm15, s8, v11;
	vm1 =	vgt.f32 v32, v17;
	vm0 =	vgt.f32 v33, v18  }
0xb6: {  	s9 =	simm.s32 $0x7D0;
	v15 =	vld [tilespmem:s12+$0xC880];
	vm3 =	vgt.f32 v34, v21;
	vm2 =	vgt.f32 v35, v23;
	v17 =	vsel vm1, v32, v17  }
0xb7: {  	s13 =	simm.s32 $0x1;
	v24 =	vld [tilespmem:s12+$0xC900];
	v19 =	vsel vm1, s9, v19;
	v18 =	vsel vm0, v33, v18;
	vm1 =	vgt.f32 v28, v22  }
0xb8: {  	s14 =	simm.s32 $0x7D2;
	s15 =	sand.u32 $0x7, s13;
	v20 =	vld [tilespmem:s12+$0xC980];
	s8 =	simm.s32 $0x7D1;
	v21 =	vsel vm3, v34, v21;
	v23 =	vsel vm2, v35, v23;
	v22 =	vsel vm1, v28, v22  }
.LBB2_12:
0xb9: {  	p0 =	sne.s32 s14, $0x95F;
	s15 =	sshll.u32 s15, $0x4;
	v28 =	vld [tilespmem:s12+$0xCA00];
	vm4 =	vgt.f32 v16, v5;
	vm5 =	vgt.f32 v25, v6;
	vm6 =	vgt.f32 v27, v7  }
0xba: {  	s11 =	sadd.s32 $0x10, s11;
	s15 =	sadd.s32 s15, s10;
	s10 =	sadd.s32 $0x80, s10;
	v5 =	vsel vm4, v16, v5;
	v16 =	vld [tilespmem:s12+$0xCA80];
	v6 =	vsel vm5, v25, v6;
	v7 =	vsel vm6, v27, v7;
	v29 =	vmovc v26  }
0xbb: {  	v9 =	vsel vm0, s9, v9;
	v10 =	vsel vm3, s9, v10;
	s16 =	sand.u32 $0x70, s11;
	v11 =	vsel vm6, s9, v11;
	s17 =	sand.u32 $0xFC00, s10;
	v25 =	vld [tilespmem:s12+$0xCB00];
	s15 =	sor.u32 $0x380, s15  }
.Ltmp5:
0xbc: {  	v12 =	vsel vm1, s9, v12;
	v13 =	vsel vm2, s9, v13;
	v14 =	vsel vm4, s9, v14;
	s12 =	sor.u32 s16, s17;
	v27 =	vld [tilespmem:s15+$0xC800];
	v30 =	vmovc v24;
	(pc) =	sbr.rel @p0 .LBB2_12-.Ltmp5, $4  }
0xbd: {  	v8 =	vsel vm5, s9, v8;
	s9 =	smov.u32 s8;
	s8 =	smov.u32 s14;
	vm1 =	vgt.f32 v29, v17;
	vm0 =	vgt.f32 v15, v18;
	v26 =	vld [tilespmem:s12+$0xC800]  }
0xbe: {  	v17 =	vsel vm1, v29, v17;
	v19 =	vsel vm1, s9, v19;
	v18 =	vsel vm0, v15, v18;
	v15 =	vld [tilespmem:s12+$0xC880]  }
0xbf: {  	s13 =	sadd.s32 $0x1, s13;
	vm3 =	vgt.f32 v30, v21;
	vm1 =	vgt.f32 v20, v22;
	vm2 =	vgt.f32 v28, v23;
	v24 =	vld [tilespmem:s12+$0xC900]  }
0xc0: {  	s14 =	sadd.s32 $0x1, s14;
	s15 =	sand.u32 $0x7, s13;
	v21 =	vsel vm3, v30, v21;
	v22 =	vsel vm1, v20, v22;
	v23 =	vsel vm2, v28, v23;
	v20 =	vld [tilespmem:s12+$0xC980]  }
0xc1: {  	s11 =	sshll.u32 s15, $0x4;
	v28 =	vld [tilespmem:s12+$0xCA00]  }
0xc2: {  	v29 =	vld [tilespmem:s12+$0xCA80];
	s10 =	sadd.s32 s11, s10  }
0xc3: {  	v30 =	vld [tilespmem:s12+$0xCB00];
	s13 =	simm.s32 $0x0;
	s14 =	rddreg [dreg:$0x9];
	s10 =	sor.u32 $0x380, s10  }
0xc4: {  	vm4 =	vgt.f32 v16, v5;
	vm5 =	vgt.f32 v25, v6;
	vm6 =	vgt.f32 v27, v7;
	v31 =	vld [tilespmem:s10+$0xC800];
	[tilespmem:s4], [sflag:$0x2] =	stream.linear.gather [hbm4b:s14+s13], $0xC800, $0x38  }
0xc5: {  	v9 =	vsel vm0, s9, v9;
	v10 =	vsel vm3, s9, v10;
	v12 =	vsel vm1, s9, v12;
	_ =	swait.ge [sflag:s25], $0xC800  }
0xc6: {  	v13 =	vsel vm2, s9, v13;
	v5 =	vsel vm4, v16, v5;
	v6 =	vsel vm5, v25, v6;
	s15 =	sand.u32 $0x70, s13;
	s16 =	sand.u32 $0xFC00, s13;
	[sflag:s25] =	ssyncset.done $0x0  }
0xc7: {  	v7 =	vsel vm6, v27, v7;
	v11 =	vsel vm6, s9, v11;
	v14 =	vsel vm4, s9, v14;
	s12 =	sor.u32 s15, s16;
	[sflag:s25] =	ssyncadd.s32 $0xFFFF3800  }
0xc8: {  	vm0 =	vgt.f32 v26, v17;
	v8 =	vsel vm5, s9, v8;
	vm1 =	vgt.f32 v15, v18;
	v32 =	vld [tilespmem:s12+$0x0]  }
0xc9: {  	v17 =	vsel vm0, v26, v17;
	v19 =	vsel vm0, s8, v19;
	v18 =	vsel vm1, v15, v18;
	v33 =	vld [tilespmem:s12+$0x80]  }
0xca: {  	vm0 =	vgt.f32 v24, v21;
	v9 =	vsel vm1, s8, v9;
	vm3 =	vgt.f32 v28, v23;
	v34 =	vld [tilespmem:s12+$0x100]  }
0xcb: {  	s17 =	sand.u32 $0x7, s13;
	vm2 =	vgt.f32 v20, v22;
	v21 =	vsel vm0, v24, v21;
	v23 =	vsel vm3, v28, v23;
	v28 =	vld [tilespmem:s12+$0x180]  }
0xcc: {  	s9 =	sshll.u32 s17, $0x4;
	v10 =	vsel vm0, s8, v10;
	v22 =	vsel vm2, v20, v22;
	vm4 =	vgt.f32 v29, v5;
	v35 =	vld [tilespmem:s12+$0x200]  }
0xcd: {  	s11 =	simm.s32 $0x10;
	s9 =	sadd.s32 $0x0, s9;
	s10 =	simm.s32 $0x80;
	vm5 =	vgt.f32 v30, v6;
	v12 =	vsel vm2, s8, v12;
	v5 =	vsel vm4, v29, v5;
	v16 =	vld [tilespmem:s12+$0x280]  }
0xce: {  	s13 =	sand.u32 $0x70, s11;
	s14 =	sand.u32 $0xFC00, s10;
	s9 =	sor.u32 $0x380, s9;
	v6 =	vsel vm5, v30, v6;
	v13 =	vsel vm3, s8, v13;
	v25 =	vld [tilespmem:s12+$0x300];
	vm15 =	vgt.f32 v31, v7  }
0xcf: {  	v14 =	vsel vm4, s8, v14;
	v8 =	vsel vm5, s8, v8;
	s12 =	sor.u32 s13, s14;
	v27 =	vld [tilespmem:s9+$0x0];
	v7 =	vsel vm15, v31, v7  }
0xd0: {  	v26 =	vld [tilespmem:s12+$0x0];
	v11 =	vsel vm15, s8, v11;
	vm1 =	vgt.f32 v32, v17;
	vm0 =	vgt.f32 v33, v18  }
0xd1: {  	s9 =	simm.s32 $0x960;
	v15 =	vld [tilespmem:s12+$0x80];
	vm3 =	vgt.f32 v34, v21;
	vm2 =	vgt.f32 v35, v23;
	v17 =	vsel vm1, v32, v17  }
0xd2: {  	s13 =	simm.s32 $0x1;
	v24 =	vld [tilespmem:s12+$0x100];
	v19 =	vsel vm1, s9, v19;
	v18 =	vsel vm0, v33, v18;
	vm1 =	vgt.f32 v28, v22  }
0xd3: {  	s14 =	simm.s32 $0x962;
	s15 =	sand.u32 $0x7, s13;
	v20 =	vld [tilespmem:s12+$0x180];
	s8 =	simm.s32 $0x961;
	v21 =	vsel vm3, v34, v21;
	v23 =	vsel vm2, v35, v23;
	v22 =	vsel vm1, v28, v22  }
.LBB2_14:
0xd4: {  	p0 =	sne.s32 s14, $0xAEF;
	s15 =	sshll.u32 s15, $0x4;
	v28 =	vld [tilespmem:s12+$0x200];
	vm4 =	vgt.f32 v16, v5;
	vm5 =	vgt.f32 v25, v6;
	vm6 =	vgt.f32 v27, v7  }
0xd5: {  	s11 =	sadd.s32 $0x10, s11;
	s15 =	sadd.s32 s15, s10;
	s10 =	sadd.s32 $0x80, s10;
	v5 =	vsel vm4, v16, v5;
	v16 =	vld [tilespmem:s12+$0x280];
	v6 =	vsel vm5, v25, v6;
	v7 =	vsel vm6, v27, v7;
	v29 =	vmovc v26  }
0xd6: {  	v9 =	vsel vm0, s9, v9;
	v10 =	vsel vm3, s9, v10;
	s16 =	sand.u32 $0x70, s11;
	v11 =	vsel vm6, s9, v11;
	s17 =	sand.u32 $0xFC00, s10;
	v25 =	vld [tilespmem:s12+$0x300];
	s15 =	sor.u32 $0x380, s15  }
.Ltmp6:
0xd7: {  	v12 =	vsel vm1, s9, v12;
	v13 =	vsel vm2, s9, v13;
	v14 =	vsel vm4, s9, v14;
	s12 =	sor.u32 s16, s17;
	v27 =	vld [tilespmem:s15+$0x0];
	v30 =	vmovc v24;
	(pc) =	sbr.rel @p0 .LBB2_14-.Ltmp6, $4  }
0xd8: {  	v8 =	vsel vm5, s9, v8;
	s9 =	smov.u32 s8;
	s8 =	smov.u32 s14;
	vm1 =	vgt.f32 v29, v17;
	vm0 =	vgt.f32 v15, v18;
	v26 =	vld [tilespmem:s12+$0x0]  }
0xd9: {  	v17 =	vsel vm1, v29, v17;
	v19 =	vsel vm1, s9, v19;
	v18 =	vsel vm0, v15, v18;
	v15 =	vld [tilespmem:s12+$0x80]  }
0xda: {  	s13 =	sadd.s32 $0x1, s13;
	vm3 =	vgt.f32 v30, v21;
	vm1 =	vgt.f32 v20, v22;
	vm2 =	vgt.f32 v28, v23;
	v24 =	vld [tilespmem:s12+$0x100]  }
0xdb: {  	s14 =	sadd.s32 $0x1, s14;
	s15 =	sand.u32 $0x7, s13;
	v21 =	vsel vm3, v30, v21;
	v22 =	vsel vm1, v20, v22;
	v23 =	vsel vm2, v28, v23;
	v20 =	vld [tilespmem:s12+$0x180]  }
0xdc: {  	s11 =	sshll.u32 s15, $0x4;
	v28 =	vld [tilespmem:s12+$0x200]  }
0xdd: {  	v29 =	vld [tilespmem:s12+$0x280];
	s10 =	sadd.s32 s11, s10  }
0xde: {  	v30 =	vld [tilespmem:s12+$0x300];
	s13 =	simm.s32 $0x0;
	s14 =	rddreg [dreg:$0xa];
	s10 =	sor.u32 $0x380, s10  }
0xdf: {  	vm4 =	vgt.f32 v16, v5;
	vm5 =	vgt.f32 v25, v6;
	vm6 =	vgt.f32 v27, v7;
	v31 =	vld [tilespmem:s10+$0x0];
	[tilespmem:s13], [sflag:$0x1] =	stream.linear.gather [hbm4b:s14+s13], $0xC800, $0x38  }
0xe0: {  	v9 =	vsel vm0, s9, v9;
	v10 =	vsel vm3, s9, v10;
	v12 =	vsel vm1, s9, v12;
	_ =	swait.ge [sflag:s5], $0xC800  }
0xe1: {  	v13 =	vsel vm2, s9, v13;
	v5 =	vsel vm4, v16, v5;
	v6 =	vsel vm5, v25, v6;
	s15 =	sand.u32 $0x70, s13;
	s16 =	sand.u32 $0xFC00, s13;
	[sflag:s5] =	ssyncset.done $0x0  }
0xe2: {  	v7 =	vsel vm6, v27, v7;
	v11 =	vsel vm6, s9, v11;
	v14 =	vsel vm4, s9, v14;
	s12 =	sor.u32 s15, s16;
	[sflag:s5] =	ssyncadd.s32 $0xFFFF3800  }
0xe3: {  	vm0 =	vgt.f32 v26, v17;
	v8 =	vsel vm5, s9, v8;
	vm1 =	vgt.f32 v15, v18;
	v32 =	vld [tilespmem:s12+$0xC800]  }
0xe4: {  	v17 =	vsel vm0, v26, v17;
	v19 =	vsel vm0, s8, v19;
	v18 =	vsel vm1, v15, v18;
	v33 =	vld [tilespmem:s12+$0xC880]  }
0xe5: {  	vm0 =	vgt.f32 v24, v21;
	v9 =	vsel vm1, s8, v9;
	vm3 =	vgt.f32 v28, v23;
	v34 =	vld [tilespmem:s12+$0xC900]  }
0xe6: {  	s17 =	sand.u32 $0x7, s13;
	vm2 =	vgt.f32 v20, v22;
	v21 =	vsel vm0, v24, v21;
	v23 =	vsel vm3, v28, v23;
	v28 =	vld [tilespmem:s12+$0xC980]  }
0xe7: {  	s9 =	sshll.u32 s17, $0x4;
	v10 =	vsel vm0, s8, v10;
	v22 =	vsel vm2, v20, v22;
	vm4 =	vgt.f32 v29, v5;
	v35 =	vld [tilespmem:s12+$0xCA00]  }
0xe8: {  	s11 =	simm.s32 $0x10;
	s9 =	sadd.s32 $0x0, s9;
	s10 =	simm.s32 $0x80;
	vm5 =	vgt.f32 v30, v6;
	v12 =	vsel vm2, s8, v12;
	v5 =	vsel vm4, v29, v5;
	v16 =	vld [tilespmem:s12+$0xCA80]  }
0xe9: {  	s13 =	sand.u32 $0x70, s11;
	s14 =	sand.u32 $0xFC00, s10;
	s9 =	sor.u32 $0x380, s9;
	v6 =	vsel vm5, v30, v6;
	v13 =	vsel vm3, s8, v13;
	v25 =	vld [tilespmem:s12+$0xCB00];
	vm15 =	vgt.f32 v31, v7  }
0xea: {  	v14 =	vsel vm4, s8, v14;
	v8 =	vsel vm5, s8, v8;
	s12 =	sor.u32 s13, s14;
	v27 =	vld [tilespmem:s9+$0xC800];
	v7 =	vsel vm15, v31, v7  }
0xeb: {  	v26 =	vld [tilespmem:s12+$0xC800];
	v11 =	vsel vm15, s8, v11;
	vm1 =	vgt.f32 v32, v17;
	vm0 =	vgt.f32 v33, v18  }
0xec: {  	s9 =	simm.s32 $0xAF0;
	v15 =	vld [tilespmem:s12+$0xC880];
	vm3 =	vgt.f32 v34, v21;
	vm2 =	vgt.f32 v35, v23;
	v17 =	vsel vm1, v32, v17  }
0xed: {  	s13 =	simm.s32 $0x1;
	v24 =	vld [tilespmem:s12+$0xC900];
	v19 =	vsel vm1, s9, v19;
	v18 =	vsel vm0, v33, v18;
	vm1 =	vgt.f32 v28, v22  }
0xee: {  	s14 =	simm.s32 $0xAF2;
	s15 =	sand.u32 $0x7, s13;
	v20 =	vld [tilespmem:s12+$0xC980];
	s8 =	simm.s32 $0xAF1;
	v21 =	vsel vm3, v34, v21;
	v23 =	vsel vm2, v35, v23;
	v22 =	vsel vm1, v28, v22  }
.LBB2_16:
0xef: {  	p0 =	sne.s32 s14, $0xC7F;
	s15 =	sshll.u32 s15, $0x4;
	v28 =	vld [tilespmem:s12+$0xCA00];
	vm4 =	vgt.f32 v16, v5;
	vm5 =	vgt.f32 v25, v6;
	vm6 =	vgt.f32 v27, v7  }
0xf0: {  	s11 =	sadd.s32 $0x10, s11;
	s15 =	sadd.s32 s15, s10;
	s10 =	sadd.s32 $0x80, s10;
	v5 =	vsel vm4, v16, v5;
	v16 =	vld [tilespmem:s12+$0xCA80];
	v6 =	vsel vm5, v25, v6;
	v7 =	vsel vm6, v27, v7;
	v29 =	vmovc v26  }
0xf1: {  	v9 =	vsel vm0, s9, v9;
	v10 =	vsel vm3, s9, v10;
	s16 =	sand.u32 $0x70, s11;
	v11 =	vsel vm6, s9, v11;
	s17 =	sand.u32 $0xFC00, s10;
	v25 =	vld [tilespmem:s12+$0xCB00];
	s15 =	sor.u32 $0x380, s15  }
.Ltmp7:
0xf2: {  	v12 =	vsel vm1, s9, v12;
	v13 =	vsel vm2, s9, v13;
	v14 =	vsel vm4, s9, v14;
	s12 =	sor.u32 s16, s17;
	v27 =	vld [tilespmem:s15+$0xC800];
	v30 =	vmovc v24;
	(pc) =	sbr.rel @p0 .LBB2_16-.Ltmp7, $4  }
0xf3: {  	v8 =	vsel vm5, s9, v8;
	s9 =	smov.u32 s8;
	s8 =	smov.u32 s14;
	vm1 =	vgt.f32 v29, v17;
	vm0 =	vgt.f32 v15, v18;
	v26 =	vld [tilespmem:s12+$0xC800]  }
0xf4: {  	v17 =	vsel vm1, v29, v17;
	v19 =	vsel vm1, s9, v19;
	v18 =	vsel vm0, v15, v18;
	v15 =	vld [tilespmem:s12+$0xC880]  }
0xf5: {  	s13 =	sadd.s32 $0x1, s13;
	vm3 =	vgt.f32 v30, v21;
	vm1 =	vgt.f32 v20, v22;
	vm2 =	vgt.f32 v28, v23;
	v24 =	vld [tilespmem:s12+$0xC900]  }
0xf6: {  	s14 =	sadd.s32 $0x1, s14;
	s15 =	sand.u32 $0x7, s13;
	v21 =	vsel vm3, v30, v21;
	v22 =	vsel vm1, v20, v22;
	v23 =	vsel vm2, v28, v23;
	v20 =	vld [tilespmem:s12+$0xC980]  }
0xf7: {  	s11 =	sshll.u32 s15, $0x4;
	v28 =	vld [tilespmem:s12+$0xCA00]  }
0xf8: {  	v29 =	vld [tilespmem:s12+$0xCA80];
	s10 =	sadd.s32 s11, s10  }
0xf9: {  	v30 =	vld [tilespmem:s12+$0xCB00];
	s13 =	simm.s32 $0x0;
	s14 =	rddreg [dreg:$0xb];
	s10 =	sor.u32 $0x380, s10  }
0xfa: {  	vm4 =	vgt.f32 v16, v5;
	vm5 =	vgt.f32 v25, v6;
	vm6 =	vgt.f32 v27, v7;
	v31 =	vld [tilespmem:s10+$0xC800];
	[tilespmem:s4], [sflag:$0x2] =	stream.linear.gather [hbm4b:s14+s13], $0xC800, $0x38  }
0xfb: {  	v9 =	vsel vm0, s9, v9;
	v10 =	vsel vm3, s9, v10;
	v12 =	vsel vm1, s9, v12;
	_ =	swait.ge [sflag:s25], $0xC800  }
0xfc: {  	v13 =	vsel vm2, s9, v13;
	v5 =	vsel vm4, v16, v5;
	v6 =	vsel vm5, v25, v6;
	s15 =	sand.u32 $0x70, s13;
	s16 =	sand.u32 $0xFC00, s13;
	[sflag:s25] =	ssyncset.done $0x0  }
0xfd: {  	v7 =	vsel vm6, v27, v7;
	v11 =	vsel vm6, s9, v11;
	v14 =	vsel vm4, s9, v14;
	s12 =	sor.u32 s15, s16;
	[sflag:s25] =	ssyncadd.s32 $0xFFFF3800  }
0xfe: {  	vm0 =	vgt.f32 v26, v17;
	v8 =	vsel vm5, s9, v8;
	vm1 =	vgt.f32 v15, v18;
	v32 =	vld [tilespmem:s12+$0x0]  }
0xff: {  	v17 =	vsel vm0, v26, v17;
	v19 =	vsel vm0, s8, v19;
	v18 =	vsel vm1, v15, v18;
	v33 =	vld [tilespmem:s12+$0x80]  }
0x100: {  	vm0 =	vgt.f32 v24, v21;
	v9 =	vsel vm1, s8, v9;
	vm3 =	vgt.f32 v28, v23;
	v34 =	vld [tilespmem:s12+$0x100]  }
0x101: {  	s17 =	sand.u32 $0x7, s13;
	vm2 =	vgt.f32 v20, v22;
	v21 =	vsel vm0, v24, v21;
	v23 =	vsel vm3, v28, v23;
	v28 =	vld [tilespmem:s12+$0x180]  }
0x102: {  	s9 =	sshll.u32 s17, $0x4;
	v10 =	vsel vm0, s8, v10;
	v22 =	vsel vm2, v20, v22;
	vm4 =	vgt.f32 v29, v5;
	v35 =	vld [tilespmem:s12+$0x200]  }
0x103: {  	s11 =	simm.s32 $0x10;
	s9 =	sadd.s32 $0x0, s9;
	s10 =	simm.s32 $0x80;
	vm5 =	vgt.f32 v30, v6;
	v12 =	vsel vm2, s8, v12;
	v5 =	vsel vm4, v29, v5;
	v16 =	vld [tilespmem:s12+$0x280]  }
0x104: {  	s13 =	sand.u32 $0x70, s11;
	s14 =	sand.u32 $0xFC00, s10;
	s9 =	sor.u32 $0x380, s9;
	v6 =	vsel vm5, v30, v6;
	v13 =	vsel vm3, s8, v13;
	v25 =	vld [tilespmem:s12+$0x300];
	vm15 =	vgt.f32 v31, v7  }
0x105: {  	v14 =	vsel vm4, s8, v14;
	v8 =	vsel vm5, s8, v8;
	s12 =	sor.u32 s13, s14;
	v27 =	vld [tilespmem:s9+$0x0];
	v7 =	vsel vm15, v31, v7  }
0x106: {  	v26 =	vld [tilespmem:s12+$0x0];
	v11 =	vsel vm15, s8, v11;
	vm1 =	vgt.f32 v32, v17;
	vm0 =	vgt.f32 v33, v18  }
0x107: {  	s9 =	simm.s32 $0xC80;
	v15 =	vld [tilespmem:s12+$0x80];
	vm3 =	vgt.f32 v34, v21;
	vm2 =	vgt.f32 v35, v23;
	v17 =	vsel vm1, v32, v17  }
0x108: {  	s13 =	simm.s32 $0x1;
	v24 =	vld [tilespmem:s12+$0x100];
	v19 =	vsel vm1, s9, v19;
	v18 =	vsel vm0, v33, v18;
	vm1 =	vgt.f32 v28, v22  }
0x109: {  	s14 =	simm.s32 $0xC82;
	s15 =	sand.u32 $0x7, s13;
	v20 =	vld [tilespmem:s12+$0x180];
	s8 =	simm.s32 $0xC81;
	v21 =	vsel vm3, v34, v21;
	v23 =	vsel vm2, v35, v23;
	v22 =	vsel vm1, v28, v22  }
.LBB2_18:
0x10a: {  	p0 =	sne.s32 s14, $0xE0F;
	s15 =	sshll.u32 s15, $0x4;
	v28 =	vld [tilespmem:s12+$0x200];
	vm4 =	vgt.f32 v16, v5;
	vm5 =	vgt.f32 v25, v6;
	vm6 =	vgt.f32 v27, v7  }
0x10b: {  	s11 =	sadd.s32 $0x10, s11;
	s15 =	sadd.s32 s15, s10;
	s10 =	sadd.s32 $0x80, s10;
	v5 =	vsel vm4, v16, v5;
	v16 =	vld [tilespmem:s12+$0x280];
	v6 =	vsel vm5, v25, v6;
	v7 =	vsel vm6, v27, v7;
	v29 =	vmovc v26  }
0x10c: {  	v9 =	vsel vm0, s9, v9;
	v10 =	vsel vm3, s9, v10;
	s16 =	sand.u32 $0x70, s11;
	v11 =	vsel vm6, s9, v11;
	s17 =	sand.u32 $0xFC00, s10;
	v25 =	vld [tilespmem:s12+$0x300];
	s15 =	sor.u32 $0x380, s15  }
.Ltmp8:
0x10d: {  	v12 =	vsel vm1, s9, v12;
	v13 =	vsel vm2, s9, v13;
	v14 =	vsel vm4, s9, v14;
	s12 =	sor.u32 s16, s17;
	v27 =	vld [tilespmem:s15+$0x0];
	v30 =	vmovc v24;
	(pc) =	sbr.rel @p0 .LBB2_18-.Ltmp8, $4  }
0x10e: {  	v8 =	vsel vm5, s9, v8;
	s9 =	smov.u32 s8;
	s8 =	smov.u32 s14;
	vm1 =	vgt.f32 v29, v17;
	vm0 =	vgt.f32 v15, v18;
	v26 =	vld [tilespmem:s12+$0x0]  }
0x10f: {  	v17 =	vsel vm1, v29, v17;
	v19 =	vsel vm1, s9, v19;
	v18 =	vsel vm0, v15, v18;
	v15 =	vld [tilespmem:s12+$0x80]  }
0x110: {  	s13 =	sadd.s32 $0x1, s13;
	vm3 =	vgt.f32 v30, v21;
	vm1 =	vgt.f32 v20, v22;
	vm2 =	vgt.f32 v28, v23;
	v24 =	vld [tilespmem:s12+$0x100]  }
0x111: {  	s14 =	sadd.s32 $0x1, s14;
	s15 =	sand.u32 $0x7, s13;
	v21 =	vsel vm3, v30, v21;
	v22 =	vsel vm1, v20, v22;
	v23 =	vsel vm2, v28, v23;
	v20 =	vld [tilespmem:s12+$0x180]  }
0x112: {  	s11 =	sshll.u32 s15, $0x4;
	v28 =	vld [tilespmem:s12+$0x200]  }
0x113: {  	v29 =	vld [tilespmem:s12+$0x280];
	s10 =	sadd.s32 s11, s10  }
0x114: {  	v30 =	vld [tilespmem:s12+$0x300];
	s13 =	simm.s32 $0x0;
	s14 =	rddreg [dreg:$0xc];
	s10 =	sor.u32 $0x380, s10  }
0x115: {  	vm4 =	vgt.f32 v16, v5;
	vm5 =	vgt.f32 v25, v6;
	vm6 =	vgt.f32 v27, v7;
	v31 =	vld [tilespmem:s10+$0x0];
	[tilespmem:s13], [sflag:$0x1] =	stream.linear.gather [hbm4b:s14+s13], $0xC800, $0x38  }
0x116: {  	v9 =	vsel vm0, s9, v9;
	v10 =	vsel vm3, s9, v10;
	v12 =	vsel vm1, s9, v12;
	_ =	swait.ge [sflag:s5], $0xC800  }
0x117: {  	v13 =	vsel vm2, s9, v13;
	v5 =	vsel vm4, v16, v5;
	v6 =	vsel vm5, v25, v6;
	s15 =	sand.u32 $0x70, s13;
	s16 =	sand.u32 $0xFC00, s13;
	[sflag:s5] =	ssyncset.done $0x0  }
0x118: {  	v7 =	vsel vm6, v27, v7;
	v11 =	vsel vm6, s9, v11;
	v14 =	vsel vm4, s9, v14;
	s12 =	sor.u32 s15, s16;
	[sflag:s5] =	ssyncadd.s32 $0xFFFF3800  }
0x119: {  	vm0 =	vgt.f32 v26, v17;
	v8 =	vsel vm5, s9, v8;
	vm1 =	vgt.f32 v15, v18;
	v32 =	vld [tilespmem:s12+$0xC800]  }
0x11a: {  	v17 =	vsel vm0, v26, v17;
	v19 =	vsel vm0, s8, v19;
	v18 =	vsel vm1, v15, v18;
	v33 =	vld [tilespmem:s12+$0xC880]  }
0x11b: {  	vm0 =	vgt.f32 v24, v21;
	v9 =	vsel vm1, s8, v9;
	vm3 =	vgt.f32 v28, v23;
	v34 =	vld [tilespmem:s12+$0xC900]  }
0x11c: {  	s17 =	sand.u32 $0x7, s13;
	vm2 =	vgt.f32 v20, v22;
	v21 =	vsel vm0, v24, v21;
	v23 =	vsel vm3, v28, v23;
	v28 =	vld [tilespmem:s12+$0xC980]  }
0x11d: {  	s9 =	sshll.u32 s17, $0x4;
	v10 =	vsel vm0, s8, v10;
	v22 =	vsel vm2, v20, v22;
	vm4 =	vgt.f32 v29, v5;
	v35 =	vld [tilespmem:s12+$0xCA00]  }
0x11e: {  	s11 =	simm.s32 $0x10;
	s9 =	sadd.s32 $0x0, s9;
	s10 =	simm.s32 $0x80;
	vm5 =	vgt.f32 v30, v6;
	v12 =	vsel vm2, s8, v12;
	v5 =	vsel vm4, v29, v5;
	v16 =	vld [tilespmem:s12+$0xCA80]  }
0x11f: {  	s13 =	sand.u32 $0x70, s11;
	s14 =	sand.u32 $0xFC00, s10;
	s9 =	sor.u32 $0x380, s9;
	v6 =	vsel vm5, v30, v6;
	v13 =	vsel vm3, s8, v13;
	v25 =	vld [tilespmem:s12+$0xCB00];
	vm15 =	vgt.f32 v31, v7  }
0x120: {  	v14 =	vsel vm4, s8, v14;
	v8 =	vsel vm5, s8, v8;
	s12 =	sor.u32 s13, s14;
	v27 =	vld [tilespmem:s9+$0xC800];
	v7 =	vsel vm15, v31, v7  }
0x121: {  	v26 =	vld [tilespmem:s12+$0xC800];
	v11 =	vsel vm15, s8, v11;
	vm1 =	vgt.f32 v32, v17;
	vm0 =	vgt.f32 v33, v18  }
0x122: {  	s9 =	simm.s32 $0xE10;
	v15 =	vld [tilespmem:s12+$0xC880];
	vm3 =	vgt.f32 v34, v21;
	vm2 =	vgt.f32 v35, v23;
	v17 =	vsel vm1, v32, v17  }
0x123: {  	s13 =	simm.s32 $0x1;
	v24 =	vld [tilespmem:s12+$0xC900];
	v19 =	vsel vm1, s9, v19;
	v18 =	vsel vm0, v33, v18;
	vm1 =	vgt.f32 v28, v22  }
0x124: {  	s14 =	simm.s32 $0xE12;
	s15 =	sand.u32 $0x7, s13;
	v20 =	vld [tilespmem:s12+$0xC980];
	s8 =	simm.s32 $0xE11;
	v21 =	vsel vm3, v34, v21;
	v23 =	vsel vm2, v35, v23;
	v22 =	vsel vm1, v28, v22  }
.LBB2_20:
0x125: {  	p0 =	sne.s32 s14, $0xF9F;
	s15 =	sshll.u32 s15, $0x4;
	v28 =	vld [tilespmem:s12+$0xCA00];
	vm4 =	vgt.f32 v16, v5;
	vm5 =	vgt.f32 v25, v6;
	vm6 =	vgt.f32 v27, v7  }
0x126: {  	s11 =	sadd.s32 $0x10, s11;
	s15 =	sadd.s32 s15, s10;
	s10 =	sadd.s32 $0x80, s10;
	v5 =	vsel vm4, v16, v5;
	v16 =	vld [tilespmem:s12+$0xCA80];
	v6 =	vsel vm5, v25, v6;
	v7 =	vsel vm6, v27, v7;
	v29 =	vmovc v26  }
0x127: {  	v9 =	vsel vm0, s9, v9;
	v10 =	vsel vm3, s9, v10;
	s16 =	sand.u32 $0x70, s11;
	v11 =	vsel vm6, s9, v11;
	s17 =	sand.u32 $0xFC00, s10;
	v25 =	vld [tilespmem:s12+$0xCB00];
	s15 =	sor.u32 $0x380, s15  }
.Ltmp9:
0x128: {  	v12 =	vsel vm1, s9, v12;
	v13 =	vsel vm2, s9, v13;
	v14 =	vsel vm4, s9, v14;
	s12 =	sor.u32 s16, s17;
	v27 =	vld [tilespmem:s15+$0xC800];
	v30 =	vmovc v24;
	(pc) =	sbr.rel @p0 .LBB2_20-.Ltmp9, $4  }
0x129: {  	v8 =	vsel vm5, s9, v8;
	s9 =	smov.u32 s8;
	s8 =	smov.u32 s14;
	vm1 =	vgt.f32 v29, v17;
	vm0 =	vgt.f32 v15, v18;
	v26 =	vld [tilespmem:s12+$0xC800]  }
0x12a: {  	v17 =	vsel vm1, v29, v17;
	v19 =	vsel vm1, s9, v19;
	v18 =	vsel vm0, v15, v18;
	v15 =	vld [tilespmem:s12+$0xC880]  }
0x12b: {  	s13 =	sadd.s32 $0x1, s13;
	vm3 =	vgt.f32 v30, v21;
	vm1 =	vgt.f32 v20, v22;
	vm2 =	vgt.f32 v28, v23;
	v24 =	vld [tilespmem:s12+$0xC900]  }
0x12c: {  	s14 =	sadd.s32 $0x1, s14;
	s15 =	sand.u32 $0x7, s13;
	v21 =	vsel vm3, v30, v21;
	v22 =	vsel vm1, v20, v22;
	v23 =	vsel vm2, v28, v23;
	v20 =	vld [tilespmem:s12+$0xC980]  }
0x12d: {  	s11 =	sshll.u32 s15, $0x4;
	v28 =	vld [tilespmem:s12+$0xCA00]  }
0x12e: {  	v29 =	vld [tilespmem:s12+$0xCA80];
	s10 =	sadd.s32 s11, s10  }
0x12f: {  	v30 =	vld [tilespmem:s12+$0xCB00];
	s13 =	simm.s32 $0x0;
	s14 =	rddreg [dreg:$0xd];
	s10 =	sor.u32 $0x380, s10  }
0x130: {  	vm4 =	vgt.f32 v16, v5;
	vm5 =	vgt.f32 v25, v6;
	vm6 =	vgt.f32 v27, v7;
	v31 =	vld [tilespmem:s10+$0xC800];
	[tilespmem:s4], [sflag:$0x2] =	stream.linear.gather [hbm4b:s14+s13], $0xC800, $0x38  }
0x131: {  	v9 =	vsel vm0, s9, v9;
	v10 =	vsel vm3, s9, v10;
	v12 =	vsel vm1, s9, v12;
	_ =	swait.ge [sflag:s25], $0xC800  }
0x132: {  	v13 =	vsel vm2, s9, v13;
	v5 =	vsel vm4, v16, v5;
	v6 =	vsel vm5, v25, v6;
	s15 =	sand.u32 $0x70, s13;
	s16 =	sand.u32 $0xFC00, s13;
	[sflag:s25] =	ssyncset.done $0x0  }
0x133: {  	v7 =	vsel vm6, v27, v7;
	v11 =	vsel vm6, s9, v11;
	v14 =	vsel vm4, s9, v14;
	s12 =	sor.u32 s15, s16;
	[sflag:s25] =	ssyncadd.s32 $0xFFFF3800  }
0x134: {  	vm0 =	vgt.f32 v26, v17;
	v8 =	vsel vm5, s9, v8;
	vm1 =	vgt.f32 v15, v18;
	v32 =	vld [tilespmem:s12+$0x0]  }
0x135: {  	v17 =	vsel vm0, v26, v17;
	v19 =	vsel vm0, s8, v19;
	v18 =	vsel vm1, v15, v18;
	v33 =	vld [tilespmem:s12+$0x80]  }
0x136: {  	vm0 =	vgt.f32 v24, v21;
	v9 =	vsel vm1, s8, v9;
	vm3 =	vgt.f32 v28, v23;
	v34 =	vld [tilespmem:s12+$0x100]  }
0x137: {  	s17 =	sand.u32 $0x7, s13;
	vm2 =	vgt.f32 v20, v22;
	v21 =	vsel vm0, v24, v21;
	v23 =	vsel vm3, v28, v23;
	v28 =	vld [tilespmem:s12+$0x180]  }
0x138: {  	s9 =	sshll.u32 s17, $0x4;
	v10 =	vsel vm0, s8, v10;
	v22 =	vsel vm2, v20, v22;
	vm4 =	vgt.f32 v29, v5;
	v35 =	vld [tilespmem:s12+$0x200]  }
0x139: {  	s11 =	simm.s32 $0x10;
	s9 =	sadd.s32 $0x0, s9;
	s10 =	simm.s32 $0x80;
	vm5 =	vgt.f32 v30, v6;
	v12 =	vsel vm2, s8, v12;
	v5 =	vsel vm4, v29, v5;
	v16 =	vld [tilespmem:s12+$0x280]  }
0x13a: {  	s13 =	sand.u32 $0x70, s11;
	s14 =	sand.u32 $0xFC00, s10;
	s9 =	sor.u32 $0x380, s9;
	v6 =	vsel vm5, v30, v6;
	v13 =	vsel vm3, s8, v13;
	v25 =	vld [tilespmem:s12+$0x300];
	vm15 =	vgt.f32 v31, v7  }
0x13b: {  	v14 =	vsel vm4, s8, v14;
	v8 =	vsel vm5, s8, v8;
	s12 =	sor.u32 s13, s14;
	v27 =	vld [tilespmem:s9+$0x0];
	v7 =	vsel vm15, v31, v7  }
0x13c: {  	v26 =	vld [tilespmem:s12+$0x0];
	v11 =	vsel vm15, s8, v11;
	vm1 =	vgt.f32 v32, v17;
	vm0 =	vgt.f32 v33, v18  }
0x13d: {  	s9 =	simm.s32 $0xFA0;
	v15 =	vld [tilespmem:s12+$0x80];
	vm3 =	vgt.f32 v34, v21;
	vm2 =	vgt.f32 v35, v23;
	v17 =	vsel vm1, v32, v17  }
0x13e: {  	s13 =	simm.s32 $0x1;
	v24 =	vld [tilespmem:s12+$0x100];
	v19 =	vsel vm1, s9, v19;
	v18 =	vsel vm0, v33, v18;
	vm1 =	vgt.f32 v28, v22  }
0x13f: {  	s14 =	simm.s32 $0xFA2;
	s15 =	sand.u32 $0x7, s13;
	v20 =	vld [tilespmem:s12+$0x180];
	s8 =	simm.s32 $0xFA1;
	v21 =	vsel vm3, v34, v21;
	v23 =	vsel vm2, v35, v23;
	v22 =	vsel vm1, v28, v22  }
.LBB2_22:
0x140: {  	p0 =	sne.s32 s14, $0x112F;
	s15 =	sshll.u32 s15, $0x4;
	v28 =	vld [tilespmem:s12+$0x200];
	vm4 =	vgt.f32 v16, v5;
	vm5 =	vgt.f32 v25, v6;
	vm6 =	vgt.f32 v27, v7  }
0x141: {  	s11 =	sadd.s32 $0x10, s11;
	s15 =	sadd.s32 s15, s10;
	s10 =	sadd.s32 $0x80, s10;
	v5 =	vsel vm4, v16, v5;
	v16 =	vld [tilespmem:s12+$0x280];
	v6 =	vsel vm5, v25, v6;
	v7 =	vsel vm6, v27, v7;
	v29 =	vmovc v26  }
0x142: {  	v9 =	vsel vm0, s9, v9;
	v10 =	vsel vm3, s9, v10;
	s16 =	sand.u32 $0x70, s11;
	v11 =	vsel vm6, s9, v11;
	s17 =	sand.u32 $0xFC00, s10;
	v25 =	vld [tilespmem:s12+$0x300];
	s15 =	sor.u32 $0x380, s15  }
.Ltmp10:
0x143: {  	v12 =	vsel vm1, s9, v12;
	v13 =	vsel vm2, s9, v13;
	v14 =	vsel vm4, s9, v14;
	s12 =	sor.u32 s16, s17;
	v27 =	vld [tilespmem:s15+$0x0];
	v30 =	vmovc v24;
	(pc) =	sbr.rel @p0 .LBB2_22-.Ltmp10, $4  }
0x144: {  	v8 =	vsel vm5, s9, v8;
	s9 =	smov.u32 s8;
	s8 =	smov.u32 s14;
	vm1 =	vgt.f32 v29, v17;
	vm0 =	vgt.f32 v15, v18;
	v26 =	vld [tilespmem:s12+$0x0]  }
0x145: {  	v17 =	vsel vm1, v29, v17;
	v19 =	vsel vm1, s9, v19;
	v18 =	vsel vm0, v15, v18;
	v15 =	vld [tilespmem:s12+$0x80]  }
0x146: {  	s13 =	sadd.s32 $0x1, s13;
	vm3 =	vgt.f32 v30, v21;
	vm1 =	vgt.f32 v20, v22;
	vm2 =	vgt.f32 v28, v23;
	v24 =	vld [tilespmem:s12+$0x100]  }
0x147: {  	s14 =	sadd.s32 $0x1, s14;
	s15 =	sand.u32 $0x7, s13;
	v21 =	vsel vm3, v30, v21;
	v22 =	vsel vm1, v20, v22;
	v23 =	vsel vm2, v28, v23;
	v20 =	vld [tilespmem:s12+$0x180]  }
0x148: {  	s11 =	sshll.u32 s15, $0x4;
	v28 =	vld [tilespmem:s12+$0x200]  }
0x149: {  	v29 =	vld [tilespmem:s12+$0x280];
	s10 =	sadd.s32 s11, s10  }
0x14a: {  	v30 =	vld [tilespmem:s12+$0x300];
	s13 =	simm.s32 $0x0;
	s14 =	rddreg [dreg:$0xe];
	s10 =	sor.u32 $0x380, s10  }
0x14b: {  	vm4 =	vgt.f32 v16, v5;
	vm5 =	vgt.f32 v25, v6;
	vm6 =	vgt.f32 v27, v7;
	v31 =	vld [tilespmem:s10+$0x0];
	[tilespmem:s13], [sflag:$0x1] =	stream.linear.gather [hbm4b:s14+s13], $0xC800, $0x38  }
0x14c: {  	v9 =	vsel vm0, s9, v9;
	v10 =	vsel vm3, s9, v10;
	v12 =	vsel vm1, s9, v12;
	_ =	swait.ge [sflag:s5], $0xC800  }
0x14d: {  	v13 =	vsel vm2, s9, v13;
	v5 =	vsel vm4, v16, v5;
	v6 =	vsel vm5, v25, v6;
	s15 =	sand.u32 $0x70, s13;
	s16 =	sand.u32 $0xFC00, s13;
	[sflag:s5] =	ssyncset.done $0x0  }
0x14e: {  	v7 =	vsel vm6, v27, v7;
	v11 =	vsel vm6, s9, v11;
	v14 =	vsel vm4, s9, v14;
	s12 =	sor.u32 s15, s16;
	[sflag:s5] =	ssyncadd.s32 $0xFFFF3800  }
0x14f: {  	vm0 =	vgt.f32 v26, v17;
	v8 =	vsel vm5, s9, v8;
	vm1 =	vgt.f32 v15, v18;
	v32 =	vld [tilespmem:s12+$0xC800]  }
0x150: {  	v17 =	vsel vm0, v26, v17;
	v19 =	vsel vm0, s8, v19;
	v18 =	vsel vm1, v15, v18;
	v33 =	vld [tilespmem:s12+$0xC880]  }
0x151: {  	vm0 =	vgt.f32 v24, v21;
	v9 =	vsel vm1, s8, v9;
	vm3 =	vgt.f32 v28, v23;
	v34 =	vld [tilespmem:s12+$0xC900]  }
0x152: {  	s17 =	sand.u32 $0x7, s13;
	vm2 =	vgt.f32 v20, v22;
	v21 =	vsel vm0, v24, v21;
	v23 =	vsel vm3, v28, v23;
	v28 =	vld [tilespmem:s12+$0xC980]  }
0x153: {  	s9 =	sshll.u32 s17, $0x4;
	v10 =	vsel vm0, s8, v10;
	v22 =	vsel vm2, v20, v22;
	vm4 =	vgt.f32 v29, v5;
	v35 =	vld [tilespmem:s12+$0xCA00]  }
0x154: {  	s11 =	simm.s32 $0x10;
	s9 =	sadd.s32 $0x0, s9;
	s10 =	simm.s32 $0x80;
	vm5 =	vgt.f32 v30, v6;
	v12 =	vsel vm2, s8, v12;
	v5 =	vsel vm4, v29, v5;
	v16 =	vld [tilespmem:s12+$0xCA80]  }
0x155: {  	s13 =	sand.u32 $0x70, s11;
	s14 =	sand.u32 $0xFC00, s10;
	s9 =	sor.u32 $0x380, s9;
	v6 =	vsel vm5, v30, v6;
	v13 =	vsel vm3, s8, v13;
	v25 =	vld [tilespmem:s12+$0xCB00];
	vm15 =	vgt.f32 v31, v7  }
0x156: {  	v14 =	vsel vm4, s8, v14;
	v8 =	vsel vm5, s8, v8;
	s12 =	sor.u32 s13, s14;
	v27 =	vld [tilespmem:s9+$0xC800];
	v7 =	vsel vm15, v31, v7  }
0x157: {  	v26 =	vld [tilespmem:s12+$0xC800];
	v11 =	vsel vm15, s8, v11;
	vm1 =	vgt.f32 v32, v17;
	vm0 =	vgt.f32 v33, v18  }
0x158: {  	s9 =	simm.s32 $0x1130;
	v15 =	vld [tilespmem:s12+$0xC880];
	vm3 =	vgt.f32 v34, v21;
	vm2 =	vgt.f32 v35, v23;
	v17 =	vsel vm1, v32, v17  }
0x159: {  	s13 =	simm.s32 $0x1;
	v24 =	vld [tilespmem:s12+$0xC900];
	v19 =	vsel vm1, s9, v19;
	v18 =	vsel vm0, v33, v18;
	vm1 =	vgt.f32 v28, v22  }
0x15a: {  	s14 =	simm.s32 $0x1132;
	s15 =	sand.u32 $0x7, s13;
	v20 =	vld [tilespmem:s12+$0xC980];
	s8 =	simm.s32 $0x1131;
	v21 =	vsel vm3, v34, v21;
	v23 =	vsel vm2, v35, v23;
	v22 =	vsel vm1, v28, v22  }
.LBB2_24:
0x15b: {  	p0 =	sne.s32 s14, $0x12BF;
	s15 =	sshll.u32 s15, $0x4;
	v28 =	vld [tilespmem:s12+$0xCA00];
	vm4 =	vgt.f32 v16, v5;
	vm5 =	vgt.f32 v25, v6;
	vm6 =	vgt.f32 v27, v7  }
0x15c: {  	s11 =	sadd.s32 $0x10, s11;
	s15 =	sadd.s32 s15, s10;
	s10 =	sadd.s32 $0x80, s10;
	v5 =	vsel vm4, v16, v5;
	v16 =	vld [tilespmem:s12+$0xCA80];
	v6 =	vsel vm5, v25, v6;
	v7 =	vsel vm6, v27, v7;
	v29 =	vmovc v26  }
0x15d: {  	v9 =	vsel vm0, s9, v9;
	v10 =	vsel vm3, s9, v10;
	s16 =	sand.u32 $0x70, s11;
	v11 =	vsel vm6, s9, v11;
	s17 =	sand.u32 $0xFC00, s10;
	v25 =	vld [tilespmem:s12+$0xCB00];
	s15 =	sor.u32 $0x380, s15  }
.Ltmp11:
0x15e: {  	v12 =	vsel vm1, s9, v12;
	v13 =	vsel vm2, s9, v13;
	v14 =	vsel vm4, s9, v14;
	s12 =	sor.u32 s16, s17;
	v27 =	vld [tilespmem:s15+$0xC800];
	v30 =	vmovc v24;
	(pc) =	sbr.rel @p0 .LBB2_24-.Ltmp11, $4  }
0x15f: {  	v8 =	vsel vm5, s9, v8;
	s9 =	smov.u32 s8;
	s8 =	smov.u32 s14;
	vm1 =	vgt.f32 v29, v17;
	vm0 =	vgt.f32 v15, v18;
	v26 =	vld [tilespmem:s12+$0xC800]  }
0x160: {  	v17 =	vsel vm1, v29, v17;
	v19 =	vsel vm1, s9, v19;
	v18 =	vsel vm0, v15, v18;
	v15 =	vld [tilespmem:s12+$0xC880]  }
0x161: {  	s13 =	sadd.s32 $0x1, s13;
	vm3 =	vgt.f32 v30, v21;
	vm1 =	vgt.f32 v20, v22;
	vm2 =	vgt.f32 v28, v23;
	v24 =	vld [tilespmem:s12+$0xC900]  }
0x162: {  	s14 =	sadd.s32 $0x1, s14;
	s15 =	sand.u32 $0x7, s13;
	v21 =	vsel vm3, v30, v21;
	v22 =	vsel vm1, v20, v22;
	v23 =	vsel vm2, v28, v23;
	v20 =	vld [tilespmem:s12+$0xC980]  }
0x163: {  	s11 =	sshll.u32 s15, $0x4;
	v28 =	vld [tilespmem:s12+$0xCA00]  }
0x164: {  	v29 =	vld [tilespmem:s12+$0xCA80];
	s10 =	sadd.s32 s11, s10  }
0x165: {  	v30 =	vld [tilespmem:s12+$0xCB00];
	s13 =	simm.s32 $0x0;
	s14 =	rddreg [dreg:$0xf];
	s10 =	sor.u32 $0x380, s10  }
0x166: {  	vm4 =	vgt.f32 v16, v5;
	vm5 =	vgt.f32 v25, v6;
	vm6 =	vgt.f32 v27, v7;
	v31 =	vld [tilespmem:s10+$0xC800];
	[tilespmem:s4], [sflag:$0x2] =	stream.linear.gather [hbm4b:s14+s13], $0xC800, $0x38  }
0x167: {  	v9 =	vsel vm0, s9, v9;
	v10 =	vsel vm3, s9, v10;
	v12 =	vsel vm1, s9, v12;
	_ =	swait.ge [sflag:s25], $0xC800  }
0x168: {  	v13 =	vsel vm2, s9, v13;
	v5 =	vsel vm4, v16, v5;
	v6 =	vsel vm5, v25, v6;
	s15 =	sand.u32 $0x70, s13;
	s16 =	sand.u32 $0xFC00, s13;
	[sflag:s25] =	ssyncset.done $0x0  }
0x169: {  	v7 =	vsel vm6, v27, v7;
	v11 =	vsel vm6, s9, v11;
	v14 =	vsel vm4, s9, v14;
	s12 =	sor.u32 s15, s16;
	[sflag:s25] =	ssyncadd.s32 $0xFFFF3800  }
0x16a: {  	vm0 =	vgt.f32 v26, v17;
	v8 =	vsel vm5, s9, v8;
	vm1 =	vgt.f32 v15, v18;
	v32 =	vld [tilespmem:s12+$0x0]  }
0x16b: {  	v17 =	vsel vm0, v26, v17;
	v19 =	vsel vm0, s8, v19;
	v18 =	vsel vm1, v15, v18;
	v33 =	vld [tilespmem:s12+$0x80]  }
0x16c: {  	vm0 =	vgt.f32 v24, v21;
	v9 =	vsel vm1, s8, v9;
	vm3 =	vgt.f32 v28, v23;
	v34 =	vld [tilespmem:s12+$0x100]  }
0x16d: {  	s17 =	sand.u32 $0x7, s13;
	vm2 =	vgt.f32 v20, v22;
	v21 =	vsel vm0, v24, v21;
	v23 =	vsel vm3, v28, v23;
	v28 =	vld [tilespmem:s12+$0x180]  }
0x16e: {  	s9 =	sshll.u32 s17, $0x4;
	v10 =	vsel vm0, s8, v10;
	v22 =	vsel vm2, v20, v22;
	vm4 =	vgt.f32 v29, v5;
	v35 =	vld [tilespmem:s12+$0x200]  }
0x16f: {  	s11 =	simm.s32 $0x10;
	s9 =	sadd.s32 $0x0, s9;
	s10 =	simm.s32 $0x80;
	vm5 =	vgt.f32 v30, v6;
	v12 =	vsel vm2, s8, v12;
	v5 =	vsel vm4, v29, v5;
	v16 =	vld [tilespmem:s12+$0x280]  }
0x170: {  	s13 =	sand.u32 $0x70, s11;
	s14 =	sand.u32 $0xFC00, s10;
	s9 =	sor.u32 $0x380, s9;
	v6 =	vsel vm5, v30, v6;
	v13 =	vsel vm3, s8, v13;
	v25 =	vld [tilespmem:s12+$0x300];
	vm15 =	vgt.f32 v31, v7  }
0x171: {  	v14 =	vsel vm4, s8, v14;
	v8 =	vsel vm5, s8, v8;
	s12 =	sor.u32 s13, s14;
	v27 =	vld [tilespmem:s9+$0x0];
	v7 =	vsel vm15, v31, v7  }
0x172: {  	v26 =	vld [tilespmem:s12+$0x0];
	v11 =	vsel vm15, s8, v11;
	vm1 =	vgt.f32 v32, v17;
	vm0 =	vgt.f32 v33, v18  }
0x173: {  	s9 =	simm.s32 $0x12C0;
	v15 =	vld [tilespmem:s12+$0x80];
	vm3 =	vgt.f32 v34, v21;
	vm2 =	vgt.f32 v35, v23;
	v17 =	vsel vm1, v32, v17  }
0x174: {  	s13 =	simm.s32 $0x1;
	v24 =	vld [tilespmem:s12+$0x100];
	v19 =	vsel vm1, s9, v19;
	v18 =	vsel vm0, v33, v18;
	vm1 =	vgt.f32 v28, v22  }
0x175: {  	s14 =	simm.s32 $0x12C2;
	s15 =	sand.u32 $0x7, s13;
	v20 =	vld [tilespmem:s12+$0x180];
	s8 =	simm.s32 $0x12C1;
	v21 =	vsel vm3, v34, v21;
	v23 =	vsel vm2, v35, v23;
	v22 =	vsel vm1, v28, v22  }
.LBB2_26:
0x176: {  	p0 =	sne.s32 s14, $0x144F;
	s15 =	sshll.u32 s15, $0x4;
	v28 =	vld [tilespmem:s12+$0x200];
	vm4 =	vgt.f32 v16, v5;
	vm5 =	vgt.f32 v25, v6;
	vm6 =	vgt.f32 v27, v7  }
0x177: {  	s11 =	sadd.s32 $0x10, s11;
	s15 =	sadd.s32 s15, s10;
	s10 =	sadd.s32 $0x80, s10;
	v5 =	vsel vm4, v16, v5;
	v16 =	vld [tilespmem:s12+$0x280];
	v6 =	vsel vm5, v25, v6;
	v7 =	vsel vm6, v27, v7;
	v29 =	vmovc v26  }
0x178: {  	v9 =	vsel vm0, s9, v9;
	v10 =	vsel vm3, s9, v10;
	s16 =	sand.u32 $0x70, s11;
	v11 =	vsel vm6, s9, v11;
	s17 =	sand.u32 $0xFC00, s10;
	v25 =	vld [tilespmem:s12+$0x300];
	s15 =	sor.u32 $0x380, s15  }
.Ltmp12:
0x179: {  	v12 =	vsel vm1, s9, v12;
	v13 =	vsel vm2, s9, v13;
	v14 =	vsel vm4, s9, v14;
	s12 =	sor.u32 s16, s17;
	v27 =	vld [tilespmem:s15+$0x0];
	v30 =	vmovc v24;
	(pc) =	sbr.rel @p0 .LBB2_26-.Ltmp12, $4  }
0x17a: {  	v8 =	vsel vm5, s9, v8;
	s9 =	smov.u32 s8;
	s8 =	smov.u32 s14;
	vm1 =	vgt.f32 v29, v17;
	vm0 =	vgt.f32 v15, v18;
	v26 =	vld [tilespmem:s12+$0x0]  }
0x17b: {  	v17 =	vsel vm1, v29, v17;
	v19 =	vsel vm1, s9, v19;
	v18 =	vsel vm0, v15, v18;
	v15 =	vld [tilespmem:s12+$0x80]  }
0x17c: {  	s13 =	sadd.s32 $0x1, s13;
	vm3 =	vgt.f32 v30, v21;
	vm1 =	vgt.f32 v20, v22;
	vm2 =	vgt.f32 v28, v23;
	v24 =	vld [tilespmem:s12+$0x100]  }
0x17d: {  	s14 =	sadd.s32 $0x1, s14;
	s15 =	sand.u32 $0x7, s13;
	v21 =	vsel vm3, v30, v21;
	v22 =	vsel vm1, v20, v22;
	v23 =	vsel vm2, v28, v23;
	v20 =	vld [tilespmem:s12+$0x180]  }
0x17e: {  	s11 =	sshll.u32 s15, $0x4;
	v28 =	vld [tilespmem:s12+$0x200]  }
0x17f: {  	v29 =	vld [tilespmem:s12+$0x280];
	s10 =	sadd.s32 s11, s10  }
0x180: {  	v30 =	vld [tilespmem:s12+$0x300];
	vm4 =	vgt.f32 v16, v5;
	vm5 =	vgt.f32 v25, v6;
	vm6 =	vgt.f32 v27, v7;
	s10 =	sor.u32 $0x380, s10  }
0x181: {  	s14 =	simm.s32 $0x0;
	v9 =	vsel vm0, s9, v9;
	v10 =	vsel vm3, s9, v10;
	v12 =	vsel vm1, s9, v12;
	v31 =	vld [tilespmem:s10+$0x0];
	_ =	swait.ge [sflag:s5], $0xC800  }
0x182: {  	v13 =	vsel vm2, s9, v13;
	v5 =	vsel vm4, v16, v5;
	v6 =	vsel vm5, v25, v6;
	s15 =	sand.u32 $0x70, s14;
	s16 =	sand.u32 $0xFC00, s14;
	[sflag:s5] =	ssyncset.done $0x0  }
0x183: {  	v16 =	vsel vm6, v27, v7;
	v11 =	vsel vm6, s9, v11;
	v25 =	vsel vm4, s9, v14;
	s12 =	sor.u32 s15, s16;
	[sflag:s5] =	ssyncadd.s32 $0xFFFF3800  }
0x184: {  	vm0 =	vgt.f32 v26, v17;
	v27 =	vsel vm5, s9, v8;
	vm1 =	vgt.f32 v15, v18;
	v32 =	vld [tilespmem:s12+$0xC800]  }
0x185: {  	v26 =	vsel vm0, v26, v17;
	v33 =	vsel vm0, s8, v19;
	v15 =	vsel vm1, v15, v18;
	v18 =	vld [tilespmem:s12+$0xC880]  }
0x186: {  	vm0 =	vgt.f32 v24, v21;
	v19 =	vsel vm1, s8, v9;
	vm2 =	vgt.f32 v20, v22;
	v34 =	vld [tilespmem:s12+$0xC900]  }
0x187: {  	s17 =	sand.u32 $0x7, s14;
	v35 =	vsel vm0, v24, v21;
	vm3 =	vgt.f32 v28, v23;
	v36 =	vsel vm2, v20, v22;
	v37 =	vld [tilespmem:s12+$0xC980]  }
0x188: {  	s9 =	sshll.u32 s17, $0x4;
	vm4 =	vgt.f32 v29, v5;
	vm5 =	vgt.f32 v30, v6;
	v20 =	vsel vm0, s8, v10;
	v38 =	vld [tilespmem:s12+$0xCA00]  }
0x189: {  	s11 =	simm.s32 $0x10;
	s9 =	sadd.s32 $0x0, s9;
	s10 =	simm.s32 $0x80;
	v17 =	vsel vm2, s8, v12;
	v28 =	vsel vm3, v28, v23;
	v7 =	vsel vm4, v29, v5;
	v8 =	vld [tilespmem:s12+$0xCA80]  }
0x18a: {  	s13 =	sand.u32 $0x70, s11;
	s14 =	sand.u32 $0xFC00, s10;
	s9 =	sor.u32 $0x380, s9;
	v6 =	vsel vm5, v30, v6;
	v9 =	vld [tilespmem:s12+$0xCB00];
	v14 =	vsel vm3, s8, v13;
	vm15 =	vgt.f32 v31, v16  }
0x18b: {  	v12 =	vsel vm4, s8, v25;
	s12 =	sor.u32 s13, s14;
	v10 =	vld [tilespmem:s9+$0xC800];
	v5 =	vsel vm15, v31, v16;
	v16 =	vsel vm15, s8, v11  }
0x18c: {  	v11 =	vsel vm5, s8, v27;
	v27 =	vld [tilespmem:s12+$0xC800];
	vm1 =	vgt.f32 v32, v26;
	vm0 =	vgt.f32 v18, v15  }
0x18d: {  	s9 =	simm.s32 $0x1450;
	v21 =	vld [tilespmem:s12+$0xC880];
	vm3 =	vgt.f32 v34, v35;
	vm2 =	vgt.f32 v37, v36;
	v25 =	vsel vm1, v32, v26  }
0x18e: {  	s13 =	simm.s32 $0x1;
	v24 =	vld [tilespmem:s12+$0xC900];
	v26 =	vsel vm1, s9, v33;
	v22 =	vsel vm0, v18, v15;
	vm1 =	vgt.f32 v38, v28  }
0x18f: {  	s14 =	simm.s32 $0x1452;
	s15 =	sand.u32 $0x7, s13;
	s8 =	simm.s32 $0x1451;
	v15 =	vld [tilespmem:s12+$0xC980];
	v23 =	vsel vm3, v34, v35;
	v18 =	vsel vm2, v37, v36;
	v13 =	vsel vm1, v38, v28  }
.LBB2_28:
0x190: {  	p0 =	sne.s32 s14, $0x15DF;
	s15 =	sshll.u32 s15, $0x4;
	v28 =	vld [tilespmem:s12+$0xCA00];
	vm4 =	vgt.f32 v8, v7;
	vm5 =	vgt.f32 v9, v6;
	vm6 =	vgt.f32 v10, v5  }
0x191: {  	s11 =	sadd.s32 $0x10, s11;
	s15 =	sadd.s32 s15, s10;
	s10 =	sadd.s32 $0x80, s10;
	v7 =	vsel vm4, v8, v7;
	v8 =	vld [tilespmem:s12+$0xCA80];
	v6 =	vsel vm5, v9, v6;
	v5 =	vsel vm6, v10, v5;
	v29 =	vmovc v27  }
0x192: {  	v19 =	vsel vm0, s9, v19;
	v20 =	vsel vm3, s9, v20;
	s16 =	sand.u32 $0x70, s11;
	v16 =	vsel vm6, s9, v16;
	s17 =	sand.u32 $0xFC00, s10;
	v9 =	vld [tilespmem:s12+$0xCB00];
	s15 =	sor.u32 $0x380, s15  }
.Ltmp13:
0x193: {  	v17 =	vsel vm2, s9, v17;
	v14 =	vsel vm1, s9, v14;
	v12 =	vsel vm4, s9, v12;
	s12 =	sor.u32 s16, s17;
	v10 =	vld [tilespmem:s15+$0xC800];
	v30 =	vmovc v24;
	(pc) =	sbr.rel @p0 .LBB2_28-.Ltmp13, $4  }
0x194: {  	v11 =	vsel vm5, s9, v11;
	s9 =	smov.u32 s8;
	s8 =	smov.u32 s14;
	vm1 =	vgt.f32 v29, v25;
	vm0 =	vgt.f32 v21, v22;
	v27 =	vld [tilespmem:s12+$0xC800]  }
0x195: {  	v25 =	vsel vm1, v29, v25;
	v26 =	vsel vm1, s9, v26;
	v22 =	vsel vm0, v21, v22;
	v21 =	vld [tilespmem:s12+$0xC880]  }
0x196: {  	s13 =	sadd.s32 $0x1, s13;
	vm3 =	vgt.f32 v30, v23;
	vm2 =	vgt.f32 v15, v18;
	vm1 =	vgt.f32 v28, v13;
	v24 =	vld [tilespmem:s12+$0xC900]  }
0x197: {  	s14 =	sadd.s32 $0x1, s14;
	s15 =	sand.u32 $0x7, s13;
	v23 =	vsel vm3, v30, v23;
	v18 =	vsel vm2, v15, v18;
	v13 =	vsel vm1, v28, v13;
	v15 =	vld [tilespmem:s12+$0xC980]  }
0x198: {  	vm6 =	vgt.f32 v8, v7;
	vm5 =	vgt.f32 v9, v6;
	vm4 =	vgt.f32 v10, v5  }
0x199: {  	s11 =	sshll.u32 s15, $0x4;
	v28 =	vld [tilespmem:s12+$0xCA00];
	v19 =	vsel vm0, s9, v19;
	v20 =	vsel vm3, s9, v20;
	v17 =	vsel vm2, s9, v17  }
0x19a: {  	v29 =	vld [tilespmem:s12+$0xCA80];
	v14 =	vsel vm1, s9, v14;
	s10 =	sadd.s32 s11, s10;
	vm10 =	vgt.f32 v27, v25;
	v16 =	vsel vm4, s9, v16  }
0x19b: {  	v30 =	vld [tilespmem:s12+$0xCB00];
	s10 =	sor.u32 $0x380, s10;
	v25 =	vsel vm10, v27, v25;
	v26 =	vsel vm10, s8, v26;
	vm11 =	vgt.f32 v21, v22  }
0x19c: {  	v12 =	vsel vm6, s9, v12;
	v43 =	vld [tilespmem:s10+$0xC800];
	v26 =	vshll.u32 v26, $0x4;
	[tilespmem:$0x19000] =	vst v25;
	v21 =	vsel vm11, v21, v22  }
0x19d: {  	v19 =	vsel vm11, s8, v19;
	vm12 =	vgt.f32 v24, v23;
	v44 =	vadd.s32 v0, v26;
	[tilespmem:$0x19010] =	vst v21  }
0x19e: {  	v11 =	vsel vm5, s9, v11;
	v19 =	vshll.u32 v19, $0x4;
	v45 =	vsel vm12, v24, v23;
	[tilespmem:$0x19080] =	vst v44  }
0x19f: {  	v20 =	vsel vm12, s8, v20;
	vm13 =	vgt.f32 v15, v18;
	v19 =	vadd.s32 v0, v19;
	[tilespmem:$0x19020] =	vst v45  }
0x1a0: {  	v7 =	vsel vm6, v8, v7;
	v46 =	vshll.u32 v20, $0x4;
	v15 =	vsel vm13, v15, v18;
	[tilespmem:$0x19090] =	vst v19  }
0x1a1: {  	v6 =	vsel vm5, v9, v6;
	vm14 =	vgt.f32 v28, v13;
	v19 =	vadd.s32 v0, v46;
	[tilespmem:$0x19030] =	vst v15  }
0x1a2: {  	v5 =	vsel vm4, v10, v5;
	vm15 =	vgt.f32 v29, v7;
	v13 =	vsel vm14, v28, v13;
	[tilespmem:$0x190A0] =	vst v19  }
0x1a3: {  	v17 =	vsel vm13, s8, v17;
	vm5 =	vgt.f32 v30, v6;
	v7 =	vsel vm15, v29, v7;
	[tilespmem:$0x19040] =	vst v13  }
0x1a4: {  	v17 =	vshll.u32 v17, $0x4;
	v49 =	vsel vm15, s8, v12;
	v6 =	vsel vm5, v30, v6;
	[tilespmem:$0x19050] =	vst v7  }
0x1a5: {  	v47 =	vsel vm14, s8, v14;
	v48 =	vadd.s32 v0, v17;
	v50 =	vshll.u32 v49, $0x4;
	[tilespmem:$0x19060] =	vst v6  }
0x1a6: {  	v51 =	vsel vm5, s8, v11;
	v8 =	vshll.u32 v47, $0x4;
	[tilespmem:$0x190B0] =	vst v48;
	v7 =	vadd.s32 v0, v50  }
0x1a7: {  	v8 =	vadd.s32 v0, v8;
	vm6 =	vgt.f32 v43, v5;
	[tilespmem:$0x190D0] =	vst v7;
	v7 =	vshll.u32 v51, $0x4  }
0x1a8: {  	[tilespmem:$0x190C0] =	vst v8;
	v52 =	vsel vm6, s8, v16;
	v6 =	vadd.s32 v0, v7  }
0x1a9: {  	v5 =	vsel vm6, v43, v5;
	[tilespmem:$0x190E0] =	vst v6;
	v6 =	vshll.u32 v52, $0x4  }
0x1aa: {  	[tilespmem:$0x19070] =	vst v5;
	v5 =	vadd.s32 v0, v6  }
0x1ab: {  	s12 =	simm.s32 $0x19000;
	s11 =	rddreg [dreg:$0x10];
	[tilespmem:$0x190F0] =	vst v5  }
0x1ac: {  	[hbm4b:s11+s2] =	stream.linear.scatter [tilespmem:s12], [sflag:$0x3], $0x80, $0x38;
	[tilespmem:$0x19A00] =	vst v63  }
0x1ad: {  	_ =	swait.ge [sflag:s6], $0x80  }
0x1ae: {  	[sflag:s6] =	ssyncset.done $0x0  }
0x1af: {  	s13 =	simm.s32 $0x19080;
	[sflag:s6] =	ssyncadd.s32 $0xFFFFFF80  }
0x1b0: {  	[hbm4b:s18+s2] =	stream.linear.scatter [tilespmem:s13], [sflag:$0x3], $0x80, $0x38;
	[tilespmem:$0x19A00] =	vst v63  }
0x1b1: {  	_ =	swait.ge [sflag:s6], $0x80  }
0x1b2: {  	[sflag:s6] =	ssyncset.done $0x0  }
0x1b3: {  	[sflag:s6] =	ssyncadd.s32 $0xFFFFFF80  }
0x1b4: {  	s14 =	simm.s32 $0x19100;
	[bflag:$0x0] =	sbarrier.arrive $0xFFFF  }
0x1b5: {  	[tilespmem:s14], [sflag:$0x3] =	stream.linear.gather [hbm4b:s19+s2], $0x400, $0x38;
	[tilespmem:$0x19A00] =	vst v63  }
0x1b6: {  	_ =	swait.ge [sflag:s6], $0x400  }
0x1b7: {  	[sflag:s6] =	ssyncset.done $0x0  }
0x1b8: {  	s15 =	simm.s32 $0x19500;
	[sflag:s6] =	ssyncadd.s32 $0xFFFFFC00  }
0x1b9: {  	[tilespmem:s15], [sflag:$0x3] =	stream.linear.gather [hbm4b:s20+s2], $0x400, $0x38;
	[tilespmem:$0x19A00] =	vst v63  }
0x1ba: {  	_ =	swait.ge [sflag:s6], $0x400  }
0x1bb: {  	[sflag:s6] =	ssyncset.done $0x0  }
0x1bc: {  	[sflag:s6] =	ssyncadd.s32 $0xFFFFFC00  }
0x1bd: {  	v5 =	vld [tilespmem:s21+$0x19100]  }
0x1be: {  	v6 =	vld [tilespmem:s21+$0x19500]  }
0x1bf: {  	v7 =	vld [tilespmem:s26+$0x19100]  }
0x1c0: {  	v53 =	vld [tilespmem:s26+$0x19500];
	_ =	sdelay $0x2  }
0x1c1: {  	v54 =	vld [tilespmem:s28+$0x19100]  }
0x1c2: {  	v55 =	vld [tilespmem:s28+$0x19500]  }
0x1c3: {  	vm7 =	veq.f32 v7, v5;
	vm8 =	vlt.s32 v53, v6  }
0x1c4: {  	vm9 =	vgt.f32 v7, v5;
	vm0 =	vmand vm7, vm8  }
0x1c5: {  	v56 =	vld [tilespmem:s29+$0x19100];
	vm0 =	vmor vm9, vm0  }
0x1c6: {  	v5 =	vsel vm0, v7, v5;
	v6 =	vsel vm0, v53, v6;
	v7 =	vld [tilespmem:s29+$0x19500]  }
0x1c7: {  	vm10 =	veq.f32 v54, v5;
	vm11 =	vlt.s32 v55, v6  }
0x1c8: {  	vm12 =	vgt.f32 v54, v5;
	vm0 =	vmand vm10, vm11  }
0x1c9: {  	v57 =	vld [tilespmem:s30+$0x19100];
	vm0 =	vmor vm12, vm0  }
0x1ca: {  	v58 =	vld [tilespmem:s30+$0x19500];
	v5 =	vsel vm0, v54, v5;
	v6 =	vsel vm0, v55, v6  }
0x1cb: {  	vm13 =	veq.f32 v56, v5;
	vm14 =	vlt.s32 v7, v6  }
0x1cc: {  	vm15 =	vgt.f32 v56, v5;
	vm0 =	vmand vm13, vm14  }
0x1cd: {  	v59 =	vld [tilespmem:s31+$0x19100];
	vm0 =	vmor vm15, vm0  }
0x1ce: {  	v5 =	vsel vm0, v56, v5;
	v6 =	vsel vm0, v7, v6;
	v7 =	vld [tilespmem:s31+$0x19500]  }
0x1cf: {  	vm4 =	veq.f32 v57, v5;
	vm5 =	vlt.s32 v58, v6  }
0x1d0: {  	vm6 =	vgt.f32 v57, v5;
	vm0 =	vmand vm4, vm5  }
0x1d1: {  	v60 =	vld [tilespmem:s1+$0x19100];
	vm0 =	vmor vm6, vm0  }
0x1d2: {  	v61 =	vld [tilespmem:s1+$0x19500];
	v5 =	vsel vm0, v57, v5;
	v6 =	vsel vm0, v58, v6  }
0x1d3: {  	vm7 =	veq.f32 v59, v5;
	vm8 =	vlt.s32 v7, v6  }
0x1d4: {  	vm9 =	vgt.f32 v59, v5;
	vm0 =	vmand vm7, vm8  }
0x1d5: {  	v62 =	vld [tilespmem:s0+$0x19100];
	vm0 =	vmor vm9, vm0  }
0x1d6: {  	v5 =	vsel vm0, v59, v5;
	v6 =	vsel vm0, v7, v6;
	v7 =	vld [tilespmem:s0+$0x19500]  }
0x1d7: {  	vm10 =	veq.f32 v60, v5;
	vm11 =	vlt.s32 v61, v6  }
0x1d8: {  	vm12 =	vgt.f32 v60, v5;
	vm0 =	vmand vm10, vm11  }
0x1d9: {  	vm0 =	vmor vm12, vm0  }
0x1da: {  	v5 =	vsel vm0, v60, v5;
	v6 =	vsel vm0, v61, v6  }
0x1db: {  	vm13 =	veq.f32 v62, v5;
	vm14 =	vlt.s32 v7, v6  }
0x1dc: {  	vm15 =	vgt.f32 v62, v5;
	vm0 =	vmand vm13, vm14  }
0x1dd: {  	vm0 =	vmor vm15, vm0  }
0x1de: {  	v5 =	vsel vm0, v62, v5;
	v6 =	vsel vm0, v7, v6  }
0x1df: {  	v7 =	vperm.xlane v5, v1;
	v63 =	vperm.xlane v6, v1;
	_ =	sdelay $0x1  }
0x1e0: {  	vm4 =	veq.f32 v7, v5;
	vm5 =	vlt.s32 v63, v6  }
0x1e1: {  	vm6 =	vgt.f32 v7, v5;
	vm0 =	vmand vm4, vm5  }
0x1e2: {  	vm0 =	vmor vm6, vm0  }
0x1e3: {  	v5 =	vsel vm0, v7, v5;
	v6 =	vsel vm0, v63, v6  }
0x1e4: {  	v7 =	vperm.xlane v5, v2;
	v8 =	vperm.xlane v6, v2;
	_ =	sdelay $0x1  }
0x1e5: {  	vm7 =	veq.f32 v7, v5;
	vm8 =	vlt.s32 v8, v6  }
0x1e6: {  	vm9 =	vgt.f32 v7, v5;
	vm0 =	vmand vm7, vm8  }
0x1e7: {  	vm0 =	vmor vm9, vm0  }
0x1e8: {  	v5 =	vsel vm0, v7, v5;
	v6 =	vsel vm0, v8, v6  }
0x1e9: {  	v7 =	vperm.xlane v5, v3;
	v8 =	vperm.xlane v6, v3;
	_ =	sdelay $0x1  }
0x1ea: {  	vm10 =	veq.f32 v7, v5;
	vm11 =	vlt.s32 v8, v6  }
0x1eb: {  	vm12 =	vgt.f32 v7, v5;
	vm0 =	vmand vm10, vm11  }
0x1ec: {  	vm0 =	vmor vm12, vm0  }
0x1ed: {  	v5 =	vsel vm0, v7, v5;
	v6 =	vsel vm0, v8, v6  }
0x1ee: {  	v7 =	vperm.xlane v5, v4;
	v8 =	vperm.xlane v6, v4;
	_ =	sdelay $0x1  }
0x1ef: {  	vm13 =	veq.f32 v7, v5;
	vm14 =	vlt.s32 v8, v6  }
0x1f0: {  	vm15 =	vgt.f32 v7, v5;
	vm0 =	vmand vm13, vm14  }
0x1f1: {  	vm0 =	vmor vm15, vm0  }
0x1f2: {  	v5 =	vsel vm0, v7, v5  }
0x1f3: {  	v6 =	vsel vm0, v8, v6;
	[tilespmem:$0x19900] =	vst v5  }
0x1f4: {  	s16 =	simm.s32 $0x19900;
	[tilespmem:$0x19980] =	vst v6  }
0x1f5: {  	[hbm4b:s22+s2] =	stream.linear.scatter [tilespmem:s16], [sflag:$0x3], $0x10, $0x38;
	[tilespmem:$0x19A00] =	vst v63  }
0x1f6: {  	s7 =	sadd.s32 $0x1, s7;
	_ =	swait.ge [sflag:s6], $0x10  }
0x1f7: {  	p0 =	sne.s32 s7, s24;
	[sflag:s6] =	ssyncset.done $0x0  }
.Ltmp14:
0x1f8: {  	s17 =	simm.s32 $0x19980;
	[sflag:s6] =	ssyncadd.s32 $0xFFFFFFF0;
	(pc) =	sbr.rel @p0 .LBB2_1-.Ltmp14, $4  }
0x1f9: {  	[hbm4b:s23+s2] =	stream.linear.scatter [tilespmem:s17], [sflag:$0x3], $0x10, $0x38;
	[tilespmem:$0x19A00] =	vst v63  }
0x1fa: {  	_ =	swait.ge [sflag:s6], $0x10  }
0x1fb: {  	[sflag:s6] =	ssyncset.done $0x0  }
0x1fc: {  	[sflag:s6] =	ssyncadd.s32 $0xFFFFFFF0  }
0x1fd: {  	_ =	sfence.sel $0x180000  }
0x1fe: {  	[bflag:$0x0] =	sbarrier.arrive $0xFFFF  }
0x1ff: {  	_ =	strace $0x90000047  }
0x200: {  	s0 =	stileid.u32;
	[bflag:$0x2] =	sbarrier.arrive $0xFFFF  }
0x201: {  	p0 =	sne.s32 s0, $0x0;
	s0 =	rddreg [dreg:$0x2]  }
0x202: {  	s0 =	sadd.s32 @!p0 $0x100000, s0  }
0x203: {  	[sflag:s0] =	ssyncadd.tile.s32 @!p0 $0x1;
	_ =	shalt  }
.Lfunc_end2:
_tile_overlayer_lowered:
.L_overlay_start_2:
0x204: {  	(tag) =	ssettag $0x2  }
0x205: {  	s0 =	rddreg [dreg:$0x0];
	s2 =	stileid.u32  }
0x206: {  	s1 =	rddreg [dreg:$0x1];
	p0 =	sne.s32 s2, $0x0  }
0x207: {  	s3 =	rddreg [dreg:$0x2];
	[bflag:$0x3] =	sbarrier.arrive $0xFFFF;
	s2 =	simm.s32 @!p0 $0x1C03  }
0x208: {  	[timem:s3], [sflag:s2] =	dma.local @!p0 [hbm:s0], s1  }
0x209: {  	s0 =	simm.s32 @!p0 $0x3  }
0x20a: {  	_ =	swait.ge @!p0 [sflag:s0], s1  }
0x20b: {  	s1 =	ssub.s32 @!p0 $0x0, s1;
	[sflag:s0] =	ssyncset.done @!p0 $0x0  }
0x20c: {  	[sflag:s0] =	ssyncadd.s32 @!p0 s1  }
0x20d: {  	[bflag:$0x3] =	sbarrier.arrive $0xFFFF  }
0x20e: {  	_ =	shalt  }

</sc_bundles>
